<compile_context>
chip_gen: v7x
topology: tpu7x:2x2x1
jax: 0.10.2.dev20260603
libtpu: 0.0.44.dev20260713+nightly
codegen_flags: <defaults>
</compile_context>

<pallas_src>
import functools

import jax
import jax.numpy as jnp
from jax import lax
from jax.experimental import pallas as pl
from jax.experimental.pallas import tpu as pltpu
from jax.experimental.pallas import tpu_sc as plsc

N = 10000
E = 320000
D_H = 64
NC = 2
NS = 16
NW = NC * NS
C = 125
T = E // NW // C
NP = 10240
STRIPE = NP // NS
NR = 10240
RSTRIPE = NR // NS
CB = 125
TB = 80
NB = 8

_mesh = plsc.VectorSubcoreMesh(core_axis_name="c", subcore_axis_name="s",
                               num_cores=NC, num_subcores=NS)
_sc_params = pltpu.CompilerParams(use_tc_tiling_on_sc=False)


@functools.partial(
    pl.kernel,
    out_type=jax.ShapeDtypeStruct((NC * NP,), jnp.float32),
    mesh=_mesh,
    scratch_types=[
        pltpu.VMEM((T, C), jnp.int32),
        pltpu.VMEM((STRIPE,), jnp.float32),
        pltpu.VMEM_SHARED((NP,), jnp.float32),
    ],
    compiler_params=_sc_params,
)
def _sc_degree(dst_hbm, out_hbm, idx_v, zo_v, deg_sh):
    c = lax.axis_index("c")
    s = lax.axis_index("s")
    w = s * NC + c

    def zblk(i, carry):
        zo_v[pl.ds(i * 16, 16)] = jnp.zeros((16,), jnp.float32)
        return carry

    lax.fori_loop(0, STRIPE // 16, zblk, 0)
    pltpu.sync_copy(zo_v, deg_sh.at[pl.ds(s * STRIPE, STRIPE)])
    pltpu.sync_copy(dst_hbm.at[w], idx_v)
    for i in range(8):
        zo_v[pl.ds(i * 16, 16)] = jnp.ones((16,), jnp.float32)
    plsc.subcore_barrier()

    ones_v = zo_v.at[pl.ds(0, C)]

    def body(j, carry):
        pltpu.sync_copy(ones_v, deg_sh.at[idx_v.at[j]], add=True)
        return carry

    lax.fori_loop(0, T, body, 0, unroll=4)
    plsc.subcore_barrier()
    pltpu.sync_copy(deg_sh.at[pl.ds(s * STRIPE, STRIPE)],
                    out_hbm.at[pl.ds(c * NP + s * STRIPE, STRIPE)])


@functools.partial(
    pl.kernel,
    out_type=jax.ShapeDtypeStruct((NC * NR, D_H), jnp.float32),
    mesh=_mesh,
    scratch_types=[
        pltpu.VMEM((TB, CB), jnp.int32),
        pltpu.VMEM((TB, CB), jnp.int32),
        pltpu.VMEM((NB, CB, D_H), jnp.float32),
        pltpu.VMEM_SHARED((NR, D_H), jnp.float32),
    ]
    + [pltpu.SemaphoreType.DMA] * (2 * NB),
    compiler_params=_sc_params,
)
def _sc_rows(src_hbm, dst_hbm, p_hbm, out_hbm,
             sidx_v, didx_v, rows_v, acc_sh, *sems):
    gsem = sems[:NB]
    ssem = sems[NB:]
    c = lax.axis_index("c")
    s = lax.axis_index("s")
    w = s * NC + c

    def zblk(r, carry):
        for k in range(D_H // 16):
            rows_v[0, r, pl.ds(k * 16, 16)] = jnp.zeros((16,), jnp.float32)
        return carry

    lax.fori_loop(0, CB, zblk, 0)
    for q in range(RSTRIPE // CB):
        pltpu.sync_copy(rows_v.at[0],
                        acc_sh.at[pl.ds(s * RSTRIPE + q * CB, CB)])
    pltpu.sync_copy(rows_v.at[0, pl.ds(0, RSTRIPE - (RSTRIPE // CB) * CB)],
                    acc_sh.at[pl.ds(s * RSTRIPE + (RSTRIPE // CB) * CB,
                                    RSTRIPE - (RSTRIPE // CB) * CB)])
    pltpu.sync_copy(src_hbm.at[w], sidx_v)
    pltpu.sync_copy(dst_hbm.at[w], didx_v)
    plsc.subcore_barrier()

    def start_gather(j, b):
        pltpu.async_copy(p_hbm.at[sidx_v.at[j]], rows_v.at[b], gsem[b])

    def wait_gather(j, b):
        pltpu.make_async_copy(p_hbm.at[sidx_v.at[j]], rows_v.at[b],
                              gsem[b]).wait()

    def start_scatter(j, b):
        pltpu.async_copy(rows_v.at[b], acc_sh.at[didx_v.at[j]], ssem[b],
                         add=True)

    def wait_scatter(j, b):
        pltpu.make_async_copy(rows_v.at[b], acc_sh.at[didx_v.at[j]],
                              ssem[b]).wait()

    for b in range(NB):
        start_gather(b, b)

    def body(i, carry):
        base = i * NB
        for b in range(NB):
            j = base + b
            wait_gather(j, b)
            start_scatter(j, b)
            wait_scatter(j, b)
            start_gather(j + NB, b)
        return carry

    lax.fori_loop(0, TB // NB - 1, body, 0)
    for b in range(NB):
        j = TB - NB + b
        wait_gather(j, b)
        start_scatter(j, b)
        wait_scatter(j, b)
    plsc.subcore_barrier()
    pltpu.sync_copy(acc_sh.at[pl.ds(s * RSTRIPE, RSTRIPE)],
                    out_hbm.at[pl.ds(c * NR + s * RSTRIPE, RSTRIPE)])


def _copy_block(a_ref, o_ref):
    o_ref[:] = a_ref[:]


def _copy_A(A):
    blk = 200
    return pl.pallas_call(
        _copy_block,
        grid=(N // blk,),
        in_specs=[pl.BlockSpec((blk, N), lambda i: (i, 0))],
        out_specs=pl.BlockSpec((blk, N), lambda i: (i, 0)),
        out_shape=jax.ShapeDtypeStruct((N, N), jnp.float32),
    )(A)


def _prep_body(x_ref, W_ref, deg_ref, p_ref):
    deg = deg_ref[pl.ds(0, N)] + deg_ref[pl.ds(NP, N)] + 1.0
    dinv = lax.rsqrt(deg)[:, None]
    h = jnp.dot(x_ref[:], W_ref[:], preferred_element_type=jnp.float32)
    p_ref[:] = dinv * h


def _epi_body(deg_ref, p_ref, acc_ref, b_ref, W1_ref, b1_ref, W2_ref, b2_ref,
              S_ref):
    deg = deg_ref[pl.ds(0, N)] + deg_ref[pl.ds(NP, N)] + 1.0
    dinv = lax.rsqrt(deg)[:, None]
    acc = acc_ref[pl.ds(0, N), :] + acc_ref[pl.ds(NR, N), :]
    out = dinv * (acc + p_ref[:]) + b_ref[...][None, :]
    out = out * jax.nn.sigmoid(out)
    h1 = jnp.dot(out, W1_ref[:], preferred_element_type=jnp.float32) + b1_ref[...][None, :]
    h1 = h1 * jax.nn.sigmoid(h1)
    H = jnp.dot(h1, W2_ref[:], preferred_element_type=jnp.float32) + b2_ref[...][None, :]
    m = jnp.max(H, axis=-1, keepdims=True)
    e = jnp.exp(H - m)
    S_ref[:] = e / jnp.sum(e, axis=-1, keepdims=True)


def kernel(x, edge_index, A, W, b, W1, b1, W2, b2):
    dst = edge_index[1].reshape(NW, T, C)
    src_raw, _ = lax.optimization_barrier((edge_index[0], dst))
    src = src_raw.reshape(NW, TB, CB)

    deg_parts = _sc_degree(dst)

    p = pl.pallas_call(
        _prep_body,
        out_shape=jax.ShapeDtypeStruct((N, D_H), jnp.float32),
    )(x, W, deg_parts)

    acc2 = _sc_rows(src, dst, p)
    A_tied, _ = lax.optimization_barrier((A, p))
    A_out = _copy_A(A_tied)

    S = pl.pallas_call(
        _epi_body,
        out_shape=jax.ShapeDtypeStruct((N, 2), jnp.float32),
    )(deg_parts, p, acc2, b, W1, b1, W2, b2)
    return (A_out, S)

# --- scband reference (transcript-rebuilt; emitter-appended) ---
"""Pipeline reference for scband-gnnpool-59339268161852 (READ-ONLY COPY).

The authoritative reference and input builder live on the scoring server;
editing this copy changes nothing except your own understanding.
"""

import jax, jax.numpy as jnp
import numpy as np

N = 10000
E = 320000
D_IN = 128
D_H = 64
D_MLP = 64
K = 2


def setup_inputs(seed: int = 0) -> dict:
    key = jax.random.key(seed)
    ks = jax.random.split(key, 10)
    x = jax.random.normal(ks[0], (N, D_IN), dtype=jnp.float32)
    edge_index = jax.random.randint(ks[1], (2, E), 0, N, dtype=jnp.int32)
    A = jax.random.uniform(ks[2], (N, N), dtype=jnp.float32)
    # GCNConv weight/bias
    W = jax.random.normal(ks[3], (D_IN, D_H), dtype=jnp.float32) * (1.0 / np.sqrt(D_IN))
    b = jnp.zeros((D_H,), dtype=jnp.float32)
    # MLP: Linear(D_H, D_MLP) -> SiLU -> Dropout(eval=identity) -> Linear(D_MLP, K)
    W1 = jax.random.normal(ks[4], (D_H, D_MLP), dtype=jnp.float32) * (1.0 / np.sqrt(D_H))
    b1 = jnp.zeros((D_MLP,), dtype=jnp.float32)
    W2 = jax.random.normal(ks[5], (D_MLP, K), dtype=jnp.float32) * (1.0 / np.sqrt(D_MLP))
    b2 = jnp.zeros((K,), dtype=jnp.float32)
    return {"x": x, "edge_index": edge_index, "A": A, "W": W, "b": b, "W1": W1, "b1": b1, "W2": W2, "b2": b2}


def _gcn_conv(x, edge_index, W, b):
    # PyG GCNConv with add_self_loops=True, normalize=True (eval mode, no dropout)
    src = edge_index[0]
    dst = edge_index[1]
    loop = jnp.arange(N, dtype=src.dtype)
    src = jnp.concatenate([src, loop])
    dst = jnp.concatenate([dst, loop])
    ones = jnp.ones((src.shape[0],), dtype=jnp.float32)
    deg = jax.ops.segment_sum(ones, dst, num_segments=N)
    deg_inv_sqrt = jnp.where(deg > 0, jax.lax.rsqrt(jnp.maximum(deg, 1e-12)), 0.0)
    norm = deg_inv_sqrt[src] * deg_inv_sqrt[dst]
    h = x @ W
    msg = h[src] * norm[:, None]
    out = jax.ops.segment_sum(msg, dst, num_segments=N)
    return out + b


def reference(x, edge_index, A, W, b, W1, b1, W2, b2):
    # GCN(input_dim, conv_hidden, num_layers=1): single GCNConv, no inter-layer act
    h = _gcn_conv(x, edge_index, W, b)
    # x = self.f_act(x)  (silu)
    h = jax.nn.silu(h)
    # mlp: Linear -> SiLU -> Dropout(eval) -> Linear
    h = jax.nn.silu(h @ W1 + b1)
    H = h @ W2 + b2
    # F.softmax(H) on 2D tensor -> softmax over dim=1
    S = jax.nn.softmax(H, axis=-1)
    return (A, S)

if __name__ == "__main__":
    import jax
    _d = setup_inputs()
    print(jax.jit(kernel)(*tuple(_d.values())))

</pallas_src>

<mosaic_0001>
#map = affine_map<(d0, d1) -> (0, 0, 0)>
#map1 = affine_map<(d0, d1) -> (0, 0)>
module attributes {stable_mosaic.version = 14 : i64} {
  func.func @_sc_rows(%arg0: i32, %arg1: i32, %arg2: memref<32x80x125xi32, #tpu.memory_space<hbm>>, %arg3: memref<32x80x125xi32, #tpu.memory_space<hbm>>, %arg4: memref<10000x64xf32, #tpu.memory_space<hbm>>, %arg5: memref<20480x64xf32, #tpu.memory_space<hbm>>, %arg6: memref<80x125xi32, #tpu.memory_space<vmem>>, %arg7: memref<80x125xi32, #tpu.memory_space<vmem>>, %arg8: memref<8x125x64xf32, #tpu.memory_space<vmem>>, %arg9: memref<10240x64xf32, #tpu.memory_space<vmem_shared>>, %arg10: memref<!tpu.dma_semaphore, #tpu.memory_space<semaphore_mem>>, %arg11: memref<!tpu.dma_semaphore, #tpu.memory_space<semaphore_mem>>, %arg12: memref<!tpu.dma_semaphore, #tpu.memory_space<semaphore_mem>>, %arg13: memref<!tpu.dma_semaphore, #tpu.memory_space<semaphore_mem>>, %arg14: memref<!tpu.dma_semaphore, #tpu.memory_space<semaphore_mem>>, %arg15: memref<!tpu.dma_semaphore, #tpu.memory_space<semaphore_mem>>, %arg16: memref<!tpu.dma_semaphore, #tpu.memory_space<semaphore_mem>>, %arg17: memref<!tpu.dma_semaphore, #tpu.memory_space<semaphore_mem>>, %arg18: memref<!tpu.dma_semaphore, #tpu.memory_space<semaphore_mem>>, %arg19: memref<!tpu.dma_semaphore, #tpu.memory_space<semaphore_mem>>, %arg20: memref<!tpu.dma_semaphore, #tpu.memory_space<semaphore_mem>>, %arg21: memref<!tpu.dma_semaphore, #tpu.memory_space<semaphore_mem>>, %arg22: memref<!tpu.dma_semaphore, #tpu.memory_space<semaphore_mem>>, %arg23: memref<!tpu.dma_semaphore, #tpu.memory_space<semaphore_mem>>, %arg24: memref<!tpu.dma_semaphore, #tpu.memory_space<semaphore_mem>>, %arg25: memref<!tpu.dma_semaphore, #tpu.memory_space<semaphore_mem>>) attributes {dimension_semantics = [#tpu.dimension_semantics<core_parallel>, #tpu.dimension_semantics<subcore_parallel>], iteration_bounds = array<i64: 2, 16>, scalar_prefetch = 0 : i64, scratch_operands = 20 : i64, tpu.core_type = #tpu.core_type<sc_vector_subcore>, window_params = [{transform_indices = #map}, {transform_indices = #map}, {transform_indices = #map1}, {transform_indices = #map1}]} {
    %mul3A = arith.constant 2 : i32
    %mul3A_0 = arith.muli %arg1, %mul3A : i32
    %add3A = arith.addi %mul3A_0, %arg0 : i32
    %scan3A = arith.constant 0 : i32
    %scan3A_1 = arith.constant 0 : i32
    %scan3A_2 = arith.constant 125 : i32
    %scan3A_3 = arith.addi %scan3A_1, %scan3A_2 : i32
    %scan3A_4 = arith.constant 1 : i32
    scf.for %scan3A_431 = %scan3A_1 to %scan3A_3 step %scan3A_4  : i32 {
      %broadcast_in_dim3A = arith.constant 0.000000e+00 : f32
      %broadcast_in_dim3A_432 = vector.broadcast %broadcast_in_dim3A : f32 to vector<16xf32>
      %swap3A = arith.constant 0 : i32
      %swap3A_433 = arith.index_cast %swap3A : i32 to index
      %swap3A_434 = arith.index_cast %scan3A_431 : i32 to index
      %swap3A_435 = arith.constant 0 : index
      %swap3A_436 = tpu.vector_load %arg8[%swap3A_433, %swap3A_434, %swap3A_435] {strides = array<i32>} : memref<8x125x64xf32, #tpu.memory_space<vmem>>, vector<1x1x16xf32>,
      %swap3A_437 = vector.shape_cast %swap3A_436 : vector<1x1x16xf32> to vector<16xf32>
      %swap3A_438 = vector.shape_cast %broadcast_in_dim3A_432 : vector<16xf32> to vector<1x1x16xf32>
      tpu.vector_store %arg8[%swap3A_433, %swap3A_434, %swap3A_435], %swap3A_438 {strides = array<i32>} : memref<8x125x64xf32, #tpu.memory_space<vmem>>, vector<1x1x16xf32>,
      %broadcast_in_dim3A_439 = arith.constant 0.000000e+00 : f32
      %broadcast_in_dim3A_440 = vector.broadcast %broadcast_in_dim3A_439 : f32 to vector<16xf32>
      %swap3A_441 = arith.constant 0 : i32
      %swap3A_442 = arith.index_cast %swap3A_441 : i32 to index
      %swap3A_443 = arith.index_cast %scan3A_431 : i32 to index
      %swap3A_444 = arith.constant 16 : index
      %swap3A_445 = tpu.vector_load %arg8[%swap3A_442, %swap3A_443, %swap3A_444] {strides = array<i32>} : memref<8x125x64xf32, #tpu.memory_space<vmem>>, vector<1x1x16xf32>,
      %swap3A_446 = vector.shape_cast %swap3A_445 : vector<1x1x16xf32> to vector<16xf32>
      %swap3A_447 = vector.shape_cast %broadcast_in_dim3A_440 : vector<16xf32> to vector<1x1x16xf32>
      tpu.vector_store %arg8[%swap3A_442, %swap3A_443, %swap3A_444], %swap3A_447 {strides = array<i32>} : memref<8x125x64xf32, #tpu.memory_space<vmem>>, vector<1x1x16xf32>,
      %broadcast_in_dim3A_448 = arith.constant 0.000000e+00 : f32
      %broadcast_in_dim3A_449 = vector.broadcast %broadcast_in_dim3A_448 : f32 to vector<16xf32>
      %swap3A_450 = arith.constant 0 : i32
      %swap3A_451 = arith.index_cast %swap3A_450 : i32 to index
      %swap3A_452 = arith.index_cast %scan3A_431 : i32 to index
      %swap3A_453 = arith.constant 32 : index
      %swap3A_454 = tpu.vector_load %arg8[%swap3A_451, %swap3A_452, %swap3A_453] {strides = array<i32>} : memref<8x125x64xf32, #tpu.memory_space<vmem>>, vector<1x1x16xf32>,
      %swap3A_455 = vector.shape_cast %swap3A_454 : vector<1x1x16xf32> to vector<16xf32>
      %swap3A_456 = vector.shape_cast %broadcast_in_dim3A_449 : vector<16xf32> to vector<1x1x16xf32>
      tpu.vector_store %arg8[%swap3A_451, %swap3A_452, %swap3A_453], %swap3A_456 {strides = array<i32>} : memref<8x125x64xf32, #tpu.memory_space<vmem>>, vector<1x1x16xf32>,
      %broadcast_in_dim3A_457 = arith.constant 0.000000e+00 : f32
      %broadcast_in_dim3A_458 = vector.broadcast %broadcast_in_dim3A_457 : f32 to vector<16xf32>
      %swap3A_459 = arith.constant 0 : i32
      %swap3A_460 = arith.index_cast %swap3A_459 : i32 to index
      %swap3A_461 = arith.index_cast %scan3A_431 : i32 to index
      %swap3A_462 = arith.constant 48 : index
      %swap3A_463 = tpu.vector_load %arg8[%swap3A_460, %swap3A_461, %swap3A_462] {strides = array<i32>} : memref<8x125x64xf32, #tpu.memory_space<vmem>>, vector<1x1x16xf32>,
      %swap3A_464 = vector.shape_cast %swap3A_463 : vector<1x1x16xf32> to vector<16xf32>
      %swap3A_465 = vector.shape_cast %broadcast_in_dim3A_458 : vector<16xf32> to vector<1x1x16xf32>
      tpu.vector_store %arg8[%swap3A_460, %swap3A_461, %swap3A_462], %swap3A_465 {strides = array<i32>} : memref<8x125x64xf32, #tpu.memory_space<vmem>>, vector<1x1x16xf32>,
    }
    %scan3A_5 = arith.constant 125 : i32
    %mul3A_6 = arith.constant 640 : i32
    %mul3A_7 = arith.muli %arg1, %mul3A_6 : i32
    %add3A_8 = arith.constant 0 : i32
    %add3A_9 = arith.addi %mul3A_7, %add3A_8 : i32
    %run_scoped3A = arith.constant 0 : i32
    "tpu.region"() ({
      %run_scoped3A_431 = tpu.sem_alloc : memref<!tpu.dma_semaphore, #tpu.memory_space<semaphore_mem>>
      %dma_start3A_432 = arith.constant 0 : i32
      %dma_start3A_433 = arith.constant 0 : i32
      %dma_start3A_434 = tpu.memref_slice %arg8[%run_scoped3A, %dma_start3A_432, %dma_start3A_433] : memref<8x125x64xf32, #tpu.memory_space<vmem>> -> memref<1x125x64xf32, #tpu.memory_space<vmem>>
      %dma_start3A_435 = tpu.memref_squeeze %dma_start3A_434 : memref<1x125x64xf32, #tpu.memory_space<vmem>> -> memref<125x64xf32, #tpu.memory_space<vmem>>
      %dma_start3A_436 = arith.constant 0 : i32
      %dma_start3A_437 = tpu.memref_slice %arg9[%add3A_9, %dma_start3A_436] : memref<10240x64xf32, #tpu.memory_space<vmem_shared>> -> memref<125x64xf32, #tpu.memory_space<vmem_shared>>
      %dma_start3A_438 = arith.constant 0 : i32
      %dma_start3A_439 = tpu.memref_slice %arg9[%add3A_9, %dma_start3A_438] : memref<10240x64xf32, #tpu.memory_space<vmem_shared>> -> memref<125x64xf32, #tpu.memory_space<vmem_shared>>
      %dma_start3A_440 = arith.constant 0 : i32
      %dma_start3A_441 = arith.constant 0 : i32
      %dma_start3A_442 = tpu.memref_slice %arg8[%run_scoped3A, %dma_start3A_440, %dma_start3A_441] : memref<8x125x64xf32, #tpu.memory_space<vmem>> -> memref<1x125x64xf32, #tpu.memory_space<vmem>>
      %dma_start3A_443 = tpu.memref_squeeze %dma_start3A_442 : memref<1x125x64xf32, #tpu.memory_space<vmem>> -> memref<125x64xf32, #tpu.memory_space<vmem>>
      tpu.enqueue_dma source(%dma_start3A_443 : memref<125x64xf32, #tpu.memory_space<vmem>>) target(%dma_start3A_439 : memref<125x64xf32, #tpu.memory_space<vmem_shared>>) target_semaphore(%run_scoped3A_431 : memref<!tpu.dma_semaphore, #tpu.memory_space<semaphore_mem>>)
      %dma_wait3A_444 = arith.constant 0 : i32
      %dma_wait3A_445 = arith.constant 0 : i32
      %dma_wait3A_446 = tpu.memref_slice %arg8[%run_scoped3A, %dma_wait3A_444, %dma_wait3A_445] : memref<8x125x64xf32, #tpu.memory_space<vmem>> -> memref<1x125x64xf32, #tpu.memory_space<vmem>>
      %dma_wait3A_447 = tpu.memref_squeeze %dma_wait3A_446 : memref<1x125x64xf32, #tpu.memory_space<vmem>> -> memref<125x64xf32, #tpu.memory_space<vmem>>
      %dma_wait3A_448 = arith.constant 0 : i32
      %dma_wait3A_449 = tpu.memref_slice %arg9[%add3A_9, %dma_wait3A_448] : memref<10240x64xf32, #tpu.memory_space<vmem_shared>> -> memref<125x64xf32, #tpu.memory_space<vmem_shared>>
      %dma_wait3A_450 = arith.constant 0 : i32
      %dma_wait3A_451 = tpu.memref_slice %arg9[%add3A_9, %dma_wait3A_450] : memref<10240x64xf32, #tpu.memory_space<vmem_shared>> -> memref<125x64xf32, #tpu.memory_space<vmem_shared>>
      %dma_wait3A_452 = arith.constant 0 : i32
      %dma_wait3A_453 = arith.constant 0 : i32
      %dma_wait3A_454 = tpu.memref_slice %arg8[%run_scoped3A, %dma_wait3A_452, %dma_wait3A_453] : memref<8x125x64xf32, #tpu.memory_space<vmem>> -> memref<1x125x64xf32, #tpu.memory_space<vmem>>
      %dma_wait3A_455 = tpu.memref_squeeze %dma_wait3A_454 : memref<1x125x64xf32, #tpu.memory_space<vmem>> -> memref<125x64xf32, #tpu.memory_space<vmem>>
      tpu.wait_dma2 semaphore(%run_scoped3A_431 : memref<!tpu.dma_semaphore, #tpu.memory_space<semaphore_mem>>) src(%dma_wait3A_455 : memref<125x64xf32, #tpu.memory_space<vmem>>) dst(%dma_wait3A_451 : memref<125x64xf32, #tpu.memory_space<vmem_shared>>)
      tpu.yield
    }) : () -> ()
    %mul3A_10 = arith.constant 640 : i32
    %mul3A_11 = arith.muli %arg1, %mul3A_10 : i32
    %add3A_12 = arith.constant 125 : i32
    %add3A_13 = arith.addi %mul3A_11, %add3A_12 : i32
    %run_scoped3A_14 = arith.constant 0 : i32
    "tpu.region"() ({
      %run_scoped3A_431 = tpu.sem_alloc : memref<!tpu.dma_semaphore, #tpu.memory_space<semaphore_mem>>
      %dma_start3A_432 = arith.constant 0 : i32
      %dma_start3A_433 = arith.constant 0 : i32
      %dma_start3A_434 = tpu.memref_slice %arg8[%run_scoped3A_14, %dma_start3A_432, %dma_start3A_433] : memref<8x125x64xf32, #tpu.memory_space<vmem>> -> memref<1x125x64xf32, #tpu.memory_space<vmem>>
      %dma_start3A_435 = tpu.memref_squeeze %dma_start3A_434 : memref<1x125x64xf32, #tpu.memory_space<vmem>> -> memref<125x64xf32, #tpu.memory_space<vmem>>
      %dma_start3A_436 = arith.constant 0 : i32
      %dma_start3A_437 = tpu.memref_slice %arg9[%add3A_13, %dma_start3A_436] : memref<10240x64xf32, #tpu.memory_space<vmem_shared>> -> memref<125x64xf32, #tpu.memory_space<vmem_shared>>
      %dma_start3A_438 = arith.constant 0 : i32
      %dma_start3A_439 = tpu.memref_slice %arg9[%add3A_13, %dma_start3A_438] : memref<10240x64xf32, #tpu.memory_space<vmem_shared>> -> memref<125x64xf32, #tpu.memory_space<vmem_shared>>
      %dma_start3A_440 = arith.constant 0 : i32
      %dma_start3A_441 = arith.constant 0 : i32
      %dma_start3A_442 = tpu.memref_slice %arg8[%run_scoped3A_14, %dma_start3A_440, %dma_start3A_441] : memref<8x125x64xf32, #tpu.memory_space<vmem>> -> memref<1x125x64xf32, #tpu.memory_space<vmem>>
      %dma_start3A_443 = tpu.memref_squeeze %dma_start3A_442 : memref<1x125x64xf32, #tpu.memory_space<vmem>> -> memref<125x64xf32, #tpu.memory_space<vmem>>
      tpu.enqueue_dma source(%dma_start3A_443 : memref<125x64xf32, #tpu.memory_space<vmem>>) target(%dma_start3A_439 : memref<125x64xf32, #tpu.memory_space<vmem_shared>>) target_semaphore(%run_scoped3A_431 : memref<!tpu.dma_semaphore, #tpu.memory_space<semaphore_mem>>)
      %dma_wait3A_444 = arith.constant 0 : i32
      %dma_wait3A_445 = arith.constant 0 : i32
      %dma_wait3A_446 = tpu.memref_slice %arg8[%run_scoped3A_14, %dma_wait3A_444, %dma_wait3A_445] : memref<8x125x64xf32, #tpu.memory_space<vmem>> -> memref<1x125x64xf32, #tpu.memory_space<vmem>>
      %dma_wait3A_447 = tpu.memref_squeeze %dma_wait3A_446 : memref<1x125x64xf32, #tpu.memory_space<vmem>> -> memref<125x64xf32, #tpu.memory_space<vmem>>
      %dma_wait3A_448 = arith.constant 0 : i32
      %dma_wait3A_449 = tpu.memref_slice %arg9[%add3A_13, %dma_wait3A_448] : memref<10240x64xf32, #tpu.memory_space<vmem_shared>> -> memref<125x64xf32, #tpu.memory_space<vmem_shared>>
      %dma_wait3A_450 = arith.constant 0 : i32
      %dma_wait3A_451 = tpu.memref_slice %arg9[%add3A_13, %dma_wait3A_450] : memref<10240x64xf32, #tpu.memory_space<vmem_shared>> -> memref<125x64xf32, #tpu.memory_space<vmem_shared>>
      %dma_wait3A_452 = arith.constant 0 : i32
      %dma_wait3A_453 = arith.constant 0 : i32
      %dma_wait3A_454 = tpu.memref_slice %arg8[%run_scoped3A_14, %dma_wait3A_452, %dma_wait3A_453] : memref<8x125x64xf32, #tpu.memory_space<vmem>> -> memref<1x125x64xf32, #tpu.memory_space<vmem>>
      %dma_wait3A_455 = tpu.memref_squeeze %dma_wait3A_454 : memref<1x125x64xf32, #tpu.memory_space<vmem>> -> memref<125x64xf32, #tpu.memory_space<vmem>>
      tpu.wait_dma2 semaphore(%run_scoped3A_431 : memref<!tpu.dma_semaphore, #tpu.memory_space<semaphore_mem>>) src(%dma_wait3A_455 : memref<125x64xf32, #tpu.memory_space<vmem>>) dst(%dma_wait3A_451 : memref<125x64xf32, #tpu.memory_space<vmem_shared>>)
      tpu.yield
    }) : () -> ()
    %mul3A_15 = arith.constant 640 : i32
    %mul3A_16 = arith.muli %arg1, %mul3A_15 : i32
    %add3A_17 = arith.constant 250 : i32
    %add3A_18 = arith.addi %mul3A_16, %add3A_17 : i32
    %run_scoped3A_19 = arith.constant 0 : i32
    "tpu.region"() ({
      %run_scoped3A_431 = tpu.sem_alloc : memref<!tpu.dma_semaphore, #tpu.memory_space<semaphore_mem>>
      %dma_start3A_432 = arith.constant 0 : i32
      %dma_start3A_433 = arith.constant 0 : i32
      %dma_start3A_434 = tpu.memref_slice %arg8[%run_scoped3A_19, %dma_start3A_432, %dma_start3A_433] : memref<8x125x64xf32, #tpu.memory_space<vmem>> -> memref<1x125x64xf32, #tpu.memory_space<vmem>>
      %dma_start3A_435 = tpu.memref_squeeze %dma_start3A_434 : memref<1x125x64xf32, #tpu.memory_space<vmem>> -> memref<125x64xf32, #tpu.memory_space<vmem>>
      %dma_start3A_436 = arith.constant 0 : i32
      %dma_start3A_437 = tpu.memref_slice %arg9[%add3A_18, %dma_start3A_436] : memref<10240x64xf32, #tpu.memory_space<vmem_shared>> -> memref<125x64xf32, #tpu.memory_space<vmem_shared>>
      %dma_start3A_438 = arith.constant 0 : i32
      %dma_start3A_439 = tpu.memref_slice %arg9[%add3A_18, %dma_start3A_438] : memref<10240x64xf32, #tpu.memory_space<vmem_shared>> -> memref<125x64xf32, #tpu.memory_space<vmem_shared>>
      %dma_start3A_440 = arith.constant 0 : i32
      %dma_start3A_441 = arith.constant 0 : i32
      %dma_start3A_442 = tpu.memref_slice %arg8[%run_scoped3A_19, %dma_start3A_440, %dma_start3A_441] : memref<8x125x64xf32, #tpu.memory_space<vmem>> -> memref<1x125x64xf32, #tpu.memory_space<vmem>>
      %dma_start3A_443 = tpu.memref_squeeze %dma_start3A_442 : memref<1x125x64xf32, #tpu.memory_space<vmem>> -> memref<125x64xf32, #tpu.memory_space<vmem>>
      tpu.enqueue_dma source(%dma_start3A_443 : memref<125x64xf32, #tpu.memory_space<vmem>>) target(%dma_start3A_439 : memref<125x64xf32, #tpu.memory_space<vmem_shared>>) target_semaphore(%run_scoped3A_431 : memref<!tpu.dma_semaphore, #tpu.memory_space<semaphore_mem>>)
      %dma_wait3A_444 = arith.constant 0 : i32
      %dma_wait3A_445 = arith.constant 0 : i32
      %dma_wait3A_446 = tpu.memref_slice %arg8[%run_scoped3A_19, %dma_wait3A_444, %dma_wait3A_445] : memref<8x125x64xf32, #tpu.memory_space<vmem>> -> memref<1x125x64xf32, #tpu.memory_space<vmem>>
      %dma_wait3A_447 = tpu.memref_squeeze %dma_wait3A_446 : memref<1x125x64xf32, #tpu.memory_space<vmem>> -> memref<125x64xf32, #tpu.memory_space<vmem>>
      %dma_wait3A_448 = arith.constant 0 : i32
      %dma_wait3A_449 = tpu.memref_slice %arg9[%add3A_18, %dma_wait3A_448] : memref<10240x64xf32, #tpu.memory_space<vmem_shared>> -> memref<125x64xf32, #tpu.memory_space<vmem_shared>>
      %dma_wait3A_450 = arith.constant 0 : i32
      %dma_wait3A_451 = tpu.memref_slice %arg9[%add3A_18, %dma_wait3A_450] : memref<10240x64xf32, #tpu.memory_space<vmem_shared>> -> memref<125x64xf32, #tpu.memory_space<vmem_shared>>
      %dma_wait3A_452 = arith.constant 0 : i32
      %dma_wait3A_453 = arith.constant 0 : i32
      %dma_wait3A_454 = tpu.memref_slice %arg8[%run_scoped3A_19, %dma_wait3A_452, %dma_wait3A_453] : memref<8x125x64xf32, #tpu.memory_space<vmem>> -> memref<1x125x64xf32, #tpu.memory_space<vmem>>
      %dma_wait3A_455 = tpu.memref_squeeze %dma_wait3A_454 : memref<1x125x64xf32, #tpu.memory_space<vmem>> -> memref<125x64xf32, #tpu.memory_space<vmem>>
      tpu.wait_dma2 semaphore(%run_scoped3A_431 : memref<!tpu.dma_semaphore, #tpu.memory_space<semaphore_mem>>) src(%dma_wait3A_455 : memref<125x64xf32, #tpu.memory_space<vmem>>) dst(%dma_wait3A_451 : memref<125x64xf32, #tpu.memory_space<vmem_shared>>)
      tpu.yield
    }) : () -> ()
    %mul3A_20 = arith.constant 640 : i32
    %mul3A_21 = arith.muli %arg1, %mul3A_20 : i32
    %add3A_22 = arith.constant 375 : i32
    %add3A_23 = arith.addi %mul3A_21, %add3A_22 : i32
    %run_scoped3A_24 = arith.constant 0 : i32
    "tpu.region"() ({
      %run_scoped3A_431 = tpu.sem_alloc : memref<!tpu.dma_semaphore, #tpu.memory_space<semaphore_mem>>
      %dma_start3A_432 = arith.constant 0 : i32
      %dma_start3A_433 = arith.constant 0 : i32
      %dma_start3A_434 = tpu.memref_slice %arg8[%run_scoped3A_24, %dma_start3A_432, %dma_start3A_433] : memref<8x125x64xf32, #tpu.memory_space<vmem>> -> memref<1x125x64xf32, #tpu.memory_space<vmem>>
      %dma_start3A_435 = tpu.memref_squeeze %dma_start3A_434 : memref<1x125x64xf32, #tpu.memory_space<vmem>> -> memref<125x64xf32, #tpu.memory_space<vmem>>
      %dma_start3A_436 = arith.constant 0 : i32
      %dma_start3A_437 = tpu.memref_slice %arg9[%add3A_23, %dma_start3A_436] : memref<10240x64xf32, #tpu.memory_space<vmem_shared>> -> memref<125x64xf32, #tpu.memory_space<vmem_shared>>
      %dma_start3A_438 = arith.constant 0 : i32
      %dma_start3A_439 = tpu.memref_slice %arg9[%add3A_23, %dma_start3A_438] : memref<10240x64xf32, #tpu.memory_space<vmem_shared>> -> memref<125x64xf32, #tpu.memory_space<vmem_shared>>
      %dma_start3A_440 = arith.constant 0 : i32
      %dma_start3A_441 = arith.constant 0 : i32
      %dma_start3A_442 = tpu.memref_slice %arg8[%run_scoped3A_24, %dma_start3A_440, %dma_start3A_441] : memref<8x125x64xf32, #tpu.memory_space<vmem>> -> memref<1x125x64xf32, #tpu.memory_space<vmem>>
      %dma_start3A_443 = tpu.memref_squeeze %dma_start3A_442 : memref<1x125x64xf32, #tpu.memory_space<vmem>> -> memref<125x64xf32, #tpu.memory_space<vmem>>
      tpu.enqueue_dma source(%dma_start3A_443 : memref<125x64xf32, #tpu.memory_space<vmem>>) target(%dma_start3A_439 : memref<125x64xf32, #tpu.memory_space<vmem_shared>>) target_semaphore(%run_scoped3A_431 : memref<!tpu.dma_semaphore, #tpu.memory_space<semaphore_mem>>)
      %dma_wait3A_444 = arith.constant 0 : i32
      %dma_wait3A_445 = arith.constant 0 : i32
      %dma_wait3A_446 = tpu.memref_slice %arg8[%run_scoped3A_24, %dma_wait3A_444, %dma_wait3A_445] : memref<8x125x64xf32, #tpu.memory_space<vmem>> -> memref<1x125x64xf32, #tpu.memory_space<vmem>>
      %dma_wait3A_447 = tpu.memref_squeeze %dma_wait3A_446 : memref<1x125x64xf32, #tpu.memory_space<vmem>> -> memref<125x64xf32, #tpu.memory_space<vmem>>
      %dma_wait3A_448 = arith.constant 0 : i32
      %dma_wait3A_449 = tpu.memref_slice %arg9[%add3A_23, %dma_wait3A_448] : memref<10240x64xf32, #tpu.memory_space<vmem_shared>> -> memref<125x64xf32, #tpu.memory_space<vmem_shared>>
      %dma_wait3A_450 = arith.constant 0 : i32
      %dma_wait3A_451 = tpu.memref_slice %arg9[%add3A_23, %dma_wait3A_450] : memref<10240x64xf32, #tpu.memory_space<vmem_shared>> -> memref<125x64xf32, #tpu.memory_space<vmem_shared>>
      %dma_wait3A_452 = arith.constant 0 : i32
      %dma_wait3A_453 = arith.constant 0 : i32
      %dma_wait3A_454 = tpu.memref_slice %arg8[%run_scoped3A_24, %dma_wait3A_452, %dma_wait3A_453] : memref<8x125x64xf32, #tpu.memory_space<vmem>> -> memref<1x125x64xf32, #tpu.memory_space<vmem>>
      %dma_wait3A_455 = tpu.memref_squeeze %dma_wait3A_454 : memref<1x125x64xf32, #tpu.memory_space<vmem>> -> memref<125x64xf32, #tpu.memory_space<vmem>>
      tpu.wait_dma2 semaphore(%run_scoped3A_431 : memref<!tpu.dma_semaphore, #tpu.memory_space<semaphore_mem>>) src(%dma_wait3A_455 : memref<125x64xf32, #tpu.memory_space<vmem>>) dst(%dma_wait3A_451 : memref<125x64xf32, #tpu.memory_space<vmem_shared>>)
      tpu.yield
    }) : () -> ()
    %mul3A_25 = arith.constant 640 : i32
    %mul3A_26 = arith.muli %arg1, %mul3A_25 : i32
    %add3A_27 = arith.constant 500 : i32
    %add3A_28 = arith.addi %mul3A_26, %add3A_27 : i32
    %run_scoped3A_29 = arith.constant 0 : i32
    "tpu.region"() ({
      %run_scoped3A_431 = tpu.sem_alloc : memref<!tpu.dma_semaphore, #tpu.memory_space<semaphore_mem>>
      %dma_start3A_432 = arith.constant 0 : i32
      %dma_start3A_433 = arith.constant 0 : i32
      %dma_start3A_434 = tpu.memref_slice %arg8[%run_scoped3A_29, %dma_start3A_432, %dma_start3A_433] : memref<8x125x64xf32, #tpu.memory_space<vmem>> -> memref<1x125x64xf32, #tpu.memory_space<vmem>>
      %dma_start3A_435 = tpu.memref_squeeze %dma_start3A_434 : memref<1x125x64xf32, #tpu.memory_space<vmem>> -> memref<125x64xf32, #tpu.memory_space<vmem>>
      %dma_start3A_436 = arith.constant 0 : i32
      %dma_start3A_437 = tpu.memref_slice %arg9[%add3A_28, %dma_start3A_436] : memref<10240x64xf32, #tpu.memory_space<vmem_shared>> -> memref<125x64xf32, #tpu.memory_space<vmem_shared>>
      %dma_start3A_438 = arith.constant 0 : i32
      %dma_start3A_439 = tpu.memref_slice %arg9[%add3A_28, %dma_start3A_438] : memref<10240x64xf32, #tpu.memory_space<vmem_shared>> -> memref<125x64xf32, #tpu.memory_space<vmem_shared>>
      %dma_start3A_440 = arith.constant 0 : i32
      %dma_start3A_441 = arith.constant 0 : i32
      %dma_start3A_442 = tpu.memref_slice %arg8[%run_scoped3A_29, %dma_start3A_440, %dma_start3A_441] : memref<8x125x64xf32, #tpu.memory_space<vmem>> -> memref<1x125x64xf32, #tpu.memory_space<vmem>>
      %dma_start3A_443 = tpu.memref_squeeze %dma_start3A_442 : memref<1x125x64xf32, #tpu.memory_space<vmem>> -> memref<125x64xf32, #tpu.memory_space<vmem>>
      tpu.enqueue_dma source(%dma_start3A_443 : memref<125x64xf32, #tpu.memory_space<vmem>>) target(%dma_start3A_439 : memref<125x64xf32, #tpu.memory_space<vmem_shared>>) target_semaphore(%run_scoped3A_431 : memref<!tpu.dma_semaphore, #tpu.memory_space<semaphore_mem>>)
      %dma_wait3A_444 = arith.constant 0 : i32
      %dma_wait3A_445 = arith.constant 0 : i32
      %dma_wait3A_446 = tpu.memref_slice %arg8[%run_scoped3A_29, %dma_wait3A_444, %dma_wait3A_445] : memref<8x125x64xf32, #tpu.memory_space<vmem>> -> memref<1x125x64xf32, #tpu.memory_space<vmem>>
      %dma_wait3A_447 = tpu.memref_squeeze %dma_wait3A_446 : memref<1x125x64xf32, #tpu.memory_space<vmem>> -> memref<125x64xf32, #tpu.memory_space<vmem>>
      %dma_wait3A_448 = arith.constant 0 : i32
      %dma_wait3A_449 = tpu.memref_slice %arg9[%add3A_28, %dma_wait3A_448] : memref<10240x64xf32, #tpu.memory_space<vmem_shared>> -> memref<125x64xf32, #tpu.memory_space<vmem_shared>>
      %dma_wait3A_450 = arith.constant 0 : i32
      %dma_wait3A_451 = tpu.memref_slice %arg9[%add3A_28, %dma_wait3A_450] : memref<10240x64xf32, #tpu.memory_space<vmem_shared>> -> memref<125x64xf32, #tpu.memory_space<vmem_shared>>
      %dma_wait3A_452 = arith.constant 0 : i32
      %dma_wait3A_453 = arith.constant 0 : i32
      %dma_wait3A_454 = tpu.memref_slice %arg8[%run_scoped3A_29, %dma_wait3A_452, %dma_wait3A_453] : memref<8x125x64xf32, #tpu.memory_space<vmem>> -> memref<1x125x64xf32, #tpu.memory_space<vmem>>
      %dma_wait3A_455 = tpu.memref_squeeze %dma_wait3A_454 : memref<1x125x64xf32, #tpu.memory_space<vmem>> -> memref<125x64xf32, #tpu.memory_space<vmem>>
      tpu.wait_dma2 semaphore(%run_scoped3A_431 : memref<!tpu.dma_semaphore, #tpu.memory_space<semaphore_mem>>) src(%dma_wait3A_455 : memref<125x64xf32, #tpu.memory_space<vmem>>) dst(%dma_wait3A_451 : memref<125x64xf32, #tpu.memory_space<vmem_shared>>)
      tpu.yield
    }) : () -> ()
    %mul3A_30 = arith.constant 640 : i32
    %mul3A_31 = arith.muli %arg1, %mul3A_30 : i32
    %add3A_32 = arith.constant 625 : i32
    %add3A_33 = arith.addi %mul3A_31, %add3A_32 : i32
    %run_scoped3A_34 = arith.constant 0 : i32
    "tpu.region"() ({
      %run_scoped3A_431 = tpu.sem_alloc : memref<!tpu.dma_semaphore, #tpu.memory_space<semaphore_mem>>
      %dma_start3A_432 = arith.constant 0 : i32
      %dma_start3A_433 = arith.constant 0 : i32
      %dma_start3A_434 = tpu.memref_slice %arg8[%run_scoped3A_34, %dma_start3A_432, %dma_start3A_433] : memref<8x125x64xf32, #tpu.memory_space<vmem>> -> memref<1x15x64xf32, #tpu.memory_space<vmem>>
      %dma_start3A_435 = tpu.memref_squeeze %dma_start3A_434 : memref<1x15x64xf32, #tpu.memory_space<vmem>> -> memref<15x64xf32, #tpu.memory_space<vmem>>
      %dma_start3A_436 = arith.constant 0 : i32
      %dma_start3A_437 = tpu.memref_slice %arg9[%add3A_33, %dma_start3A_436] : memref<10240x64xf32, #tpu.memory_space<vmem_shared>> -> memref<15x64xf32, #tpu.memory_space<vmem_shared>>
      %dma_start3A_438 = arith.constant 0 : i32
      %dma_start3A_439 = tpu.memref_slice %arg9[%add3A_33, %dma_start3A_438] : memref<10240x64xf32, #tpu.memory_space<vmem_shared>> -> memref<15x64xf32, #tpu.memory_space<vmem_shared>>
      %dma_start3A_440 = arith.constant 0 : i32
      %dma_start3A_441 = arith.constant 0 : i32
      %dma_start3A_442 = tpu.memref_slice %arg8[%run_scoped3A_34, %dma_start3A_440, %dma_start3A_441] : memref<8x125x64xf32, #tpu.memory_space<vmem>> -> memref<1x15x64xf32, #tpu.memory_space<vmem>>
      %dma_start3A_443 = tpu.memref_squeeze %dma_start3A_442 : memref<1x15x64xf32, #tpu.memory_space<vmem>> -> memref<15x64xf32, #tpu.memory_space<vmem>>
      tpu.enqueue_dma source(%dma_start3A_443 : memref<15x64xf32, #tpu.memory_space<vmem>>) target(%dma_start3A_439 : memref<15x64xf32, #tpu.memory_space<vmem_shared>>) target_semaphore(%run_scoped3A_431 : memref<!tpu.dma_semaphore, #tpu.memory_space<semaphore_mem>>)
      %dma_wait3A_444 = arith.constant 0 : i32
      %dma_wait3A_445 = arith.constant 0 : i32
      %dma_wait3A_446 = tpu.memref_slice %arg8[%run_scoped3A_34, %dma_wait3A_444, %dma_wait3A_445] : memref<8x125x64xf32, #tpu.memory_space<vmem>> -> memref<1x15x64xf32, #tpu.memory_space<vmem>>
      %dma_wait3A_447 = tpu.memref_squeeze %dma_wait3A_446 : memref<1x15x64xf32, #tpu.memory_space<vmem>> -> memref<15x64xf32, #tpu.memory_space<vmem>>
      %dma_wait3A_448 = arith.constant 0 : i32
      %dma_wait3A_449 = tpu.memref_slice %arg9[%add3A_33, %dma_wait3A_448] : memref<10240x64xf32, #tpu.memory_space<vmem_shared>> -> memref<15x64xf32, #tpu.memory_space<vmem_shared>>
      %dma_wait3A_450 = arith.constant 0 : i32
      %dma_wait3A_451 = tpu.memref_slice %arg9[%add3A_33, %dma_wait3A_450] : memref<10240x64xf32, #tpu.memory_space<vmem_shared>> -> memref<15x64xf32, #tpu.memory_space<vmem_shared>>
      %dma_wait3A_452 = arith.constant 0 : i32
      %dma_wait3A_453 = arith.constant 0 : i32
      %dma_wait3A_454 = tpu.memref_slice %arg8[%run_scoped3A_34, %dma_wait3A_452, %dma_wait3A_453] : memref<8x125x64xf32, #tpu.memory_space<vmem>> -> memref<1x15x64xf32, #tpu.memory_space<vmem>>
      %dma_wait3A_455 = tpu.memref_squeeze %dma_wait3A_454 : memref<1x15x64xf32, #tpu.memory_space<vmem>> -> memref<15x64xf32, #tpu.memory_space<vmem>>
      tpu.wait_dma2 semaphore(%run_scoped3A_431 : memref<!tpu.dma_semaphore, #tpu.memory_space<semaphore_mem>>) src(%dma_wait3A_455 : memref<15x64xf32, #tpu.memory_space<vmem>>) dst(%dma_wait3A_451 : memref<15x64xf32, #tpu.memory_space<vmem_shared>>)
      tpu.yield
    }) : () -> ()
    "tpu.region"() ({
      %run_scoped3A_431 = tpu.sem_alloc : memref<!tpu.dma_semaphore, #tpu.memory_space<semaphore_mem>>
      %dma_start3A_432 = arith.constant 0 : i32
      %dma_start3A_433 = arith.constant 0 : i32
      %dma_start3A_434 = tpu.memref_slice %arg2[%add3A, %dma_start3A_432, %dma_start3A_433] : memref<32x80x125xi32, #tpu.memory_space<hbm>> -> memref<1x80x125xi32, #tpu.memory_space<hbm>>
      %dma_start3A_435 = tpu.memref_squeeze %dma_start3A_434 : memref<1x80x125xi32, #tpu.memory_space<hbm>> -> memref<80x125xi32, #tpu.memory_space<hbm>>
      %dma_start3A_436 = arith.constant 0 : i32
      %dma_start3A_437 = arith.constant 0 : i32
      %dma_start3A_438 = tpu.memref_slice %arg2[%add3A, %dma_start3A_436, %dma_start3A_437] : memref<32x80x125xi32, #tpu.memory_space<hbm>> -> memref<1x80x125xi32, #tpu.memory_space<hbm>>
      %dma_start3A_439 = tpu.memref_squeeze %dma_start3A_438 : memref<1x80x125xi32, #tpu.memory_space<hbm>> -> memref<80x125xi32, #tpu.memory_space<hbm>>
      tpu.enqueue_dma source(%dma_start3A_439 : memref<80x125xi32, #tpu.memory_space<hbm>>) target(%arg6 : memref<80x125xi32, #tpu.memory_space<vmem>>) target_semaphore(%run_scoped3A_431 : memref<!tpu.dma_semaphore, #tpu.memory_space<semaphore_mem>>)
      %dma_wait3A_440 = arith.constant 0 : i32
      %dma_wait3A_441 = arith.constant 0 : i32
      %dma_wait3A_442 = tpu.memref_slice %arg2[%add3A, %dma_wait3A_440, %dma_wait3A_441] : memref<32x80x125xi32, #tpu.memory_space<hbm>> -> memref<1x80x125xi32, #tpu.memory_space<hbm>>
      %dma_wait3A_443 = tpu.memref_squeeze %dma_wait3A_442 : memref<1x80x125xi32, #tpu.memory_space<hbm>> -> memref<80x125xi32, #tpu.memory_space<hbm>>
      %dma_wait3A_444 = arith.constant 0 : i32
      %dma_wait3A_445 = arith.constant 0 : i32
      %dma_wait3A_446 = tpu.memref_slice %arg2[%add3A, %dma_wait3A_444, %dma_wait3A_445] : memref<32x80x125xi32, #tpu.memory_space<hbm>> -> memref<1x80x125xi32, #tpu.memory_space<hbm>>
      %dma_wait3A_447 = tpu.memref_squeeze %dma_wait3A_446 : memref<1x80x125xi32, #tpu.memory_space<hbm>> -> memref<80x125xi32, #tpu.memory_space<hbm>>
      tpu.wait_dma2 semaphore(%run_scoped3A_431 : memref<!tpu.dma_semaphore, #tpu.memory_space<semaphore_mem>>) src(%dma_wait3A_447 : memref<80x125xi32, #tpu.memory_space<hbm>>) dst(%arg6 : memref<80x125xi32, #tpu.memory_space<vmem>>)
      tpu.yield
    }) : () -> ()
    "tpu.region"() ({
      %run_scoped3A_431 = tpu.sem_alloc : memref<!tpu.dma_semaphore, #tpu.memory_space<semaphore_mem>>
      %dma_start3A_432 = arith.constant 0 : i32
      %dma_start3A_433 = arith.constant 0 : i32
      %dma_start3A_434 = tpu.memref_slice %arg3[%add3A, %dma_start3A_432, %dma_start3A_433] : memref<32x80x125xi32, #tpu.memory_space<hbm>> -> memref<1x80x125xi32, #tpu.memory_space<hbm>>
      %dma_start3A_435 = tpu.memref_squeeze %dma_start3A_434 : memref<1x80x125xi32, #tpu.memory_space<hbm>> -> memref<80x125xi32, #tpu.memory_space<hbm>>
      %dma_start3A_436 = arith.constant 0 : i32
      %dma_start3A_437 = arith.constant 0 : i32
      %dma_start3A_438 = tpu.memref_slice %arg3[%add3A, %dma_start3A_436, %dma_start3A_437] : memref<32x80x125xi32, #tpu.memory_space<hbm>> -> memref<1x80x125xi32, #tpu.memory_space<hbm>>
      %dma_start3A_439 = tpu.memref_squeeze %dma_start3A_438 : memref<1x80x125xi32, #tpu.memory_space<hbm>> -> memref<80x125xi32, #tpu.memory_space<hbm>>
      tpu.enqueue_dma source(%dma_start3A_439 : memref<80x125xi32, #tpu.memory_space<hbm>>) target(%arg7 : memref<80x125xi32, #tpu.memory_space<vmem>>) target_semaphore(%run_scoped3A_431 : memref<!tpu.dma_semaphore, #tpu.memory_space<semaphore_mem>>)
      %dma_wait3A_440 = arith.constant 0 : i32
      %dma_wait3A_441 = arith.constant 0 : i32
      %dma_wait3A_442 = tpu.memref_slice %arg3[%add3A, %dma_wait3A_440, %dma_wait3A_441] : memref<32x80x125xi32, #tpu.memory_space<hbm>> -> memref<1x80x125xi32, #tpu.memory_space<hbm>>
      %dma_wait3A_443 = tpu.memref_squeeze %dma_wait3A_442 : memref<1x80x125xi32, #tpu.memory_space<hbm>> -> memref<80x125xi32, #tpu.memory_space<hbm>>
      %dma_wait3A_444 = arith.constant 0 : i32
      %dma_wait3A_445 = arith.constant 0 : i32
      %dma_wait3A_446 = tpu.memref_slice %arg3[%add3A, %dma_wait3A_444, %dma_wait3A_445] : memref<32x80x125xi32, #tpu.memory_space<hbm>> -> memref<1x80x125xi32, #tpu.memory_space<hbm>>
      %dma_wait3A_447 = tpu.memref_squeeze %dma_wait3A_446 : memref<1x80x125xi32, #tpu.memory_space<hbm>> -> memref<80x125xi32, #tpu.memory_space<hbm>>
      tpu.wait_dma2 semaphore(%run_scoped3A_431 : memref<!tpu.dma_semaphore, #tpu.memory_space<semaphore_mem>>) src(%dma_wait3A_447 : memref<80x125xi32, #tpu.memory_space<hbm>>) dst(%arg7 : memref<80x125xi32, #tpu.memory_space<vmem>>)
      tpu.yield
    }) : () -> ()
    %barrier3A = arith.constant 0 : index
    tpu.barrier barrier_id(%barrier3A)
    %dma_start3A = arith.constant 0 : i32
    %dma_start3A_35 = arith.constant 0 : i32
    %dma_start3A_36 = arith.constant 0 : i32
    %dma_start3A_37 = arith.constant 0 : i32
    %dma_start3A_38 = tpu.memref_slice %arg8[%dma_start3A_35, %dma_start3A_36, %dma_start3A_37] : memref<8x125x64xf32, #tpu.memory_space<vmem>> -> memref<1x125x64xf32, #tpu.memory_space<vmem>>
    %dma_start3A_39 = tpu.memref_squeeze %dma_start3A_38 : memref<1x125x64xf32, #tpu.memory_space<vmem>> -> memref<125x64xf32, #tpu.memory_space<vmem>>
    %dma_start3A_40 = arith.constant 0 : i32
    %dma_start3A_41 = tpu.memref_slice %arg6[%dma_start3A, %dma_start3A_40] : memref<80x125xi32, #tpu.memory_space<vmem>> -> memref<1x125xi32, #tpu.memory_space<vmem>>
    %dma_start3A_42 = tpu.memref_squeeze %dma_start3A_41 : memref<1x125xi32, #tpu.memory_space<vmem>> -> memref<125xi32, #tpu.memory_space<vmem>>
    %dma_start3A_43 = arith.constant 0 : i32
    %dma_start3A_44 = arith.constant 0 : i32
    %dma_start3A_45 = tpu.memref_slice %arg4[%dma_start3A_43, %dma_start3A_44] : memref<10000x64xf32, #tpu.memory_space<hbm>> -> memref<10000x64xf32, #tpu.memory_space<hbm>>
    tpu.enqueue_indirect_dma source(%dma_start3A_45 : memref<10000x64xf32, #tpu.memory_space<hbm>>) target(%dma_start3A_39 : memref<125x64xf32, #tpu.memory_space<vmem>>) offsets(%dma_start3A_42 : memref<125xi32, #tpu.memory_space<vmem>>) semaphore(%arg10 : memref<!tpu.dma_semaphore, #tpu.memory_space<semaphore_mem>>)
    %dma_start3A_46 = arith.constant 1 : i32
    %dma_start3A_47 = arith.constant 1 : i32
    %dma_start3A_48 = arith.constant 0 : i32
    %dma_start3A_49 = arith.constant 0 : i32
    %dma_start3A_50 = tpu.memref_slice %arg8[%dma_start3A_47, %dma_start3A_48, %dma_start3A_49] : memref<8x125x64xf32, #tpu.memory_space<vmem>> -> memref<1x125x64xf32, #tpu.memory_space<vmem>>
    %dma_start3A_51 = tpu.memref_squeeze %dma_start3A_50 : memref<1x125x64xf32, #tpu.memory_space<vmem>> -> memref<125x64xf32, #tpu.memory_space<vmem>>
    %dma_start3A_52 = arith.constant 0 : i32
    %dma_start3A_53 = tpu.memref_slice %arg6[%dma_start3A_46, %dma_start3A_52] : memref<80x125xi32, #tpu.memory_space<vmem>> -> memref<1x125xi32, #tpu.memory_space<vmem>>
    %dma_start3A_54 = tpu.memref_squeeze %dma_start3A_53 : memref<1x125xi32, #tpu.memory_space<vmem>> -> memref<125xi32, #tpu.memory_space<vmem>>
    %dma_start3A_55 = arith.constant 0 : i32
    %dma_start3A_56 = arith.constant 0 : i32
    %dma_start3A_57 = tpu.memref_slice %arg4[%dma_start3A_55, %dma_start3A_56] : memref<10000x64xf32, #tpu.memory_space<hbm>> -> memref<10000x64xf32, #tpu.memory_space<hbm>>
    tpu.enqueue_indirect_dma source(%dma_start3A_57 : memref<10000x64xf32, #tpu.memory_space<hbm>>) target(%dma_start3A_51 : memref<125x64xf32, #tpu.memory_space<vmem>>) offsets(%dma_start3A_54 : memref<125xi32, #tpu.memory_space<vmem>>) semaphore(%arg11 : memref<!tpu.dma_semaphore, #tpu.memory_space<semaphore_mem>>)
    %dma_start3A_58 = arith.constant 2 : i32
    %dma_start3A_59 = arith.constant 2 : i32
    %dma_start3A_60 = arith.constant 0 : i32
    %dma_start3A_61 = arith.constant 0 : i32
    %dma_start3A_62 = tpu.memref_slice %arg8[%dma_start3A_59, %dma_start3A_60, %dma_start3A_61] : memref<8x125x64xf32, #tpu.memory_space<vmem>> -> memref<1x125x64xf32, #tpu.memory_space<vmem>>
    %dma_start3A_63 = tpu.memref_squeeze %dma_start3A_62 : memref<1x125x64xf32, #tpu.memory_space<vmem>> -> memref<125x64xf32, #tpu.memory_space<vmem>>
    %dma_start3A_64 = arith.constant 0 : i32
    %dma_start3A_65 = tpu.memref_slice %arg6[%dma_start3A_58, %dma_start3A_64] : memref<80x125xi32, #tpu.memory_space<vmem>> -> memref<1x125xi32, #tpu.memory_space<vmem>>
    %dma_start3A_66 = tpu.memref_squeeze %dma_start3A_65 : memref<1x125xi32, #tpu.memory_space<vmem>> -> memref<125xi32, #tpu.memory_space<vmem>>
    %dma_start3A_67 = arith.constant 0 : i32
    %dma_start3A_68 = arith.constant 0 : i32
    %dma_start3A_69 = tpu.memref_slice %arg4[%dma_start3A_67, %dma_start3A_68] : memref<10000x64xf32, #tpu.memory_space<hbm>> -> memref<10000x64xf32, #tpu.memory_space<hbm>>
    tpu.enqueue_indirect_dma source(%dma_start3A_69 : memref<10000x64xf32, #tpu.memory_space<hbm>>) target(%dma_start3A_63 : memref<125x64xf32, #tpu.memory_space<vmem>>) offsets(%dma_start3A_66 : memref<125xi32, #tpu.memory_space<vmem>>) semaphore(%arg12 : memref<!tpu.dma_semaphore, #tpu.memory_space<semaphore_mem>>)
    %dma_start3A_70 = arith.constant 3 : i32
    %dma_start3A_71 = arith.constant 3 : i32
    %dma_start3A_72 = arith.constant 0 : i32
    %dma_start3A_73 = arith.constant 0 : i32
    %dma_start3A_74 = tpu.memref_slice %arg8[%dma_start3A_71, %dma_start3A_72, %dma_start3A_73] : memref<8x125x64xf32, #tpu.memory_space<vmem>> -> memref<1x125x64xf32, #tpu.memory_space<vmem>>
    %dma_start3A_75 = tpu.memref_squeeze %dma_start3A_74 : memref<1x125x64xf32, #tpu.memory_space<vmem>> -> memref<125x64xf32, #tpu.memory_space<vmem>>
    %dma_start3A_76 = arith.constant 0 : i32
    %dma_start3A_77 = tpu.memref_slice %arg6[%dma_start3A_70, %dma_start3A_76] : memref<80x125xi32, #tpu.memory_space<vmem>> -> memref<1x125xi32, #tpu.memory_space<vmem>>
    %dma_start3A_78 = tpu.memref_squeeze %dma_start3A_77 : memref<1x125xi32, #tpu.memory_space<vmem>> -> memref<125xi32, #tpu.memory_space<vmem>>
    %dma_start3A_79 = arith.constant 0 : i32
    %dma_start3A_80 = arith.constant 0 : i32
    %dma_start3A_81 = tpu.memref_slice %arg4[%dma_start3A_79, %dma_start3A_80] : memref<10000x64xf32, #tpu.memory_space<hbm>> -> memref<10000x64xf32, #tpu.memory_space<hbm>>
    tpu.enqueue_indirect_dma source(%dma_start3A_81 : memref<10000x64xf32, #tpu.memory_space<hbm>>) target(%dma_start3A_75 : memref<125x64xf32, #tpu.memory_space<vmem>>) offsets(%dma_start3A_78 : memref<125xi32, #tpu.memory_space<vmem>>) semaphore(%arg13 : memref<!tpu.dma_semaphore, #tpu.memory_space<semaphore_mem>>)
    %dma_start3A_82 = arith.constant 4 : i32
    %dma_start3A_83 = arith.constant 4 : i32
    %dma_start3A_84 = arith.constant 0 : i32
    %dma_start3A_85 = arith.constant 0 : i32
    %dma_start3A_86 = tpu.memref_slice %arg8[%dma_start3A_83, %dma_start3A_84, %dma_start3A_85] : memref<8x125x64xf32, #tpu.memory_space<vmem>> -> memref<1x125x64xf32, #tpu.memory_space<vmem>>
    %dma_start3A_87 = tpu.memref_squeeze %dma_start3A_86 : memref<1x125x64xf32, #tpu.memory_space<vmem>> -> memref<125x64xf32, #tpu.memory_space<vmem>>
    %dma_start3A_88 = arith.constant 0 : i32
    %dma_start3A_89 = tpu.memref_slice %arg6[%dma_start3A_82, %dma_start3A_88] : memref<80x125xi32, #tpu.memory_space<vmem>> -> memref<1x125xi32, #tpu.memory_space<vmem>>
    %dma_start3A_90 = tpu.memref_squeeze %dma_start3A_89 : memref<1x125xi32, #tpu.memory_space<vmem>> -> memref<125xi32, #tpu.memory_space<vmem>>
    %dma_start3A_91 = arith.constant 0 : i32
    %dma_start3A_92 = arith.constant 0 : i32
    %dma_start3A_93 = tpu.memref_slice %arg4[%dma_start3A_91, %dma_start3A_92] : memref<10000x64xf32, #tpu.memory_space<hbm>> -> memref<10000x64xf32, #tpu.memory_space<hbm>>
    tpu.enqueue_indirect_dma source(%dma_start3A_93 : memref<10000x64xf32, #tpu.memory_space<hbm>>) target(%dma_start3A_87 : memref<125x64xf32, #tpu.memory_space<vmem>>) offsets(%dma_start3A_90 : memref<125xi32, #tpu.memory_space<vmem>>) semaphore(%arg14 : memref<!tpu.dma_semaphore, #tpu.memory_space<semaphore_mem>>)
    %dma_start3A_94 = arith.constant 5 : i32
    %dma_start3A_95 = arith.constant 5 : i32
    %dma_start3A_96 = arith.constant 0 : i32
    %dma_start3A_97 = arith.constant 0 : i32
    %dma_start3A_98 = tpu.memref_slice %arg8[%dma_start3A_95, %dma_start3A_96, %dma_start3A_97] : memref<8x125x64xf32, #tpu.memory_space<vmem>> -> memref<1x125x64xf32, #tpu.memory_space<vmem>>
    %dma_start3A_99 = tpu.memref_squeeze %dma_start3A_98 : memref<1x125x64xf32, #tpu.memory_space<vmem>> -> memref<125x64xf32, #tpu.memory_space<vmem>>
    %dma_start3A_100 = arith.constant 0 : i32
    %dma_start3A_101 = tpu.memref_slice %arg6[%dma_start3A_94, %dma_start3A_100] : memref<80x125xi32, #tpu.memory_space<vmem>> -> memref<1x125xi32, #tpu.memory_space<vmem>>
    %dma_start3A_102 = tpu.memref_squeeze %dma_start3A_101 : memref<1x125xi32, #tpu.memory_space<vmem>> -> memref<125xi32, #tpu.memory_space<vmem>>
    %dma_start3A_103 = arith.constant 0 : i32
    %dma_start3A_104 = arith.constant 0 : i32
    %dma_start3A_105 = tpu.memref_slice %arg4[%dma_start3A_103, %dma_start3A_104] : memref<10000x64xf32, #tpu.memory_space<hbm>> -> memref<10000x64xf32, #tpu.memory_space<hbm>>
    tpu.enqueue_indirect_dma source(%dma_start3A_105 : memref<10000x64xf32, #tpu.memory_space<hbm>>) target(%dma_start3A_99 : memref<125x64xf32, #tpu.memory_space<vmem>>) offsets(%dma_start3A_102 : memref<125xi32, #tpu.memory_space<vmem>>) semaphore(%arg15 : memref<!tpu.dma_semaphore, #tpu.memory_space<semaphore_mem>>)
    %dma_start3A_106 = arith.constant 6 : i32
    %dma_start3A_107 = arith.constant 6 : i32
    %dma_start3A_108 = arith.constant 0 : i32
    %dma_start3A_109 = arith.constant 0 : i32
    %dma_start3A_110 = tpu.memref_slice %arg8[%dma_start3A_107, %dma_start3A_108, %dma_start3A_109] : memref<8x125x64xf32, #tpu.memory_space<vmem>> -> memref<1x125x64xf32, #tpu.memory_space<vmem>>
    %dma_start3A_111 = tpu.memref_squeeze %dma_start3A_110 : memref<1x125x64xf32, #tpu.memory_space<vmem>> -> memref<125x64xf32, #tpu.memory_space<vmem>>
    %dma_start3A_112 = arith.constant 0 : i32
    %dma_start3A_113 = tpu.memref_slice %arg6[%dma_start3A_106, %dma_start3A_112] : memref<80x125xi32, #tpu.memory_space<vmem>> -> memref<1x125xi32, #tpu.memory_space<vmem>>
    %dma_start3A_114 = tpu.memref_squeeze %dma_start3A_113 : memref<1x125xi32, #tpu.memory_space<vmem>> -> memref<125xi32, #tpu.memory_space<vmem>>
    %dma_start3A_115 = arith.constant 0 : i32
    %dma_start3A_116 = arith.constant 0 : i32
    %dma_start3A_117 = tpu.memref_slice %arg4[%dma_start3A_115, %dma_start3A_116] : memref<10000x64xf32, #tpu.memory_space<hbm>> -> memref<10000x64xf32, #tpu.memory_space<hbm>>
    tpu.enqueue_indirect_dma source(%dma_start3A_117 : memref<10000x64xf32, #tpu.memory_space<hbm>>) target(%dma_start3A_111 : memref<125x64xf32, #tpu.memory_space<vmem>>) offsets(%dma_start3A_114 : memref<125xi32, #tpu.memory_space<vmem>>) semaphore(%arg16 : memref<!tpu.dma_semaphore, #tpu.memory_space<semaphore_mem>>)
    %dma_start3A_118 = arith.constant 7 : i32
    %dma_start3A_119 = arith.constant 7 : i32
    %dma_start3A_120 = arith.constant 0 : i32
    %dma_start3A_121 = arith.constant 0 : i32
    %dma_start3A_122 = tpu.memref_slice %arg8[%dma_start3A_119, %dma_start3A_120, %dma_start3A_121] : memref<8x125x64xf32, #tpu.memory_space<vmem>> -> memref<1x125x64xf32, #tpu.memory_space<vmem>>
    %dma_start3A_123 = tpu.memref_squeeze %dma_start3A_122 : memref<1x125x64xf32, #tpu.memory_space<vmem>> -> memref<125x64xf32, #tpu.memory_space<vmem>>
    %dma_start3A_124 = arith.constant 0 : i32
    %dma_start3A_125 = tpu.memref_slice %arg6[%dma_start3A_118, %dma_start3A_124] : memref<80x125xi32, #tpu.memory_space<vmem>> -> memref<1x125xi32, #tpu.memory_space<vmem>>
    %dma_start3A_126 = tpu.memref_squeeze %dma_start3A_125 : memref<1x125xi32, #tpu.memory_space<vmem>> -> memref<125xi32, #tpu.memory_space<vmem>>
    %dma_start3A_127 = arith.constant 0 : i32
    %dma_start3A_128 = arith.constant 0 : i32
    %dma_start3A_129 = tpu.memref_slice %arg4[%dma_start3A_127, %dma_start3A_128] : memref<10000x64xf32, #tpu.memory_space<hbm>> -> memref<10000x64xf32, #tpu.memory_space<hbm>>
    tpu.enqueue_indirect_dma source(%dma_start3A_129 : memref<10000x64xf32, #tpu.memory_space<hbm>>) target(%dma_start3A_123 : memref<125x64xf32, #tpu.memory_space<vmem>>) offsets(%dma_start3A_126 : memref<125xi32, #tpu.memory_space<vmem>>) semaphore(%arg17 : memref<!tpu.dma_semaphore, #tpu.memory_space<semaphore_mem>>)
    %scan3A_130 = arith.constant 0 : i32
    %scan3A_131 = arith.constant 0 : i32
    %scan3A_132 = arith.constant 9 : i32
    %scan3A_133 = arith.addi %scan3A_131, %scan3A_132 : i32
    %scan3A_134 = arith.constant 1 : i32
    scf.for %scan3A_431 = %scan3A_131 to %scan3A_133 step %scan3A_134  : i32 {
      %mul3A_432 = arith.constant 8 : i32
      %mul3A_433 = arith.muli %scan3A_431, %mul3A_432 : i32
      %add3A_434 = arith.constant 0 : i32
      %add3A_435 = arith.addi %mul3A_433, %add3A_434 : i32
      %dma_wait3A_436 = arith.constant 0 : i32
      %dma_wait3A_437 = arith.constant 0 : i32
      %dma_wait3A_438 = arith.constant 0 : i32
      %dma_wait3A_439 = tpu.memref_slice %arg8[%dma_wait3A_436, %dma_wait3A_437, %dma_wait3A_438] : memref<8x125x64xf32, #tpu.memory_space<vmem>> -> memref<1x125x64xf32, #tpu.memory_space<vmem>>
      %dma_wait3A_440 = tpu.memref_squeeze %dma_wait3A_439 : memref<1x125x64xf32, #tpu.memory_space<vmem>> -> memref<125x64xf32, #tpu.memory_space<vmem>>
      %dma_wait3A_441 = arith.constant 0 : i32
      %dma_wait3A_442 = tpu.memref_slice %arg6[%add3A_435, %dma_wait3A_441] : memref<80x125xi32, #tpu.memory_space<vmem>> -> memref<1x125xi32, #tpu.memory_space<vmem>>
      %dma_wait3A_443 = tpu.memref_squeeze %dma_wait3A_442 : memref<1x125xi32, #tpu.memory_space<vmem>> -> memref<125xi32, #tpu.memory_space<vmem>>
      %dma_wait3A_444 = arith.constant 0 : i32
      %dma_wait3A_445 = arith.constant 0 : i32
      %dma_wait3A_446 = tpu.memref_slice %arg4[%dma_wait3A_444, %dma_wait3A_445] : memref<10000x64xf32, #tpu.memory_space<hbm>> -> memref<10000x64xf32, #tpu.memory_space<hbm>>
      tpu.wait_indirect_dma semaphore(%arg10 : memref<!tpu.dma_semaphore, #tpu.memory_space<semaphore_mem>>) src(%dma_wait3A_446 : memref<10000x64xf32, #tpu.memory_space<hbm>>) dst(%dma_wait3A_440 : memref<125x64xf32, #tpu.memory_space<vmem>>)
      %dma_start3A_447 = arith.constant 0 : i32
      %dma_start3A_448 = arith.constant 0 : i32
      %dma_start3A_449 = arith.constant 0 : i32
      %dma_start3A_450 = tpu.memref_slice %arg8[%dma_start3A_447, %dma_start3A_448, %dma_start3A_449] : memref<8x125x64xf32, #tpu.memory_space<vmem>> -> memref<1x125x64xf32, #tpu.memory_space<vmem>>
      %dma_start3A_451 = tpu.memref_squeeze %dma_start3A_450 : memref<1x125x64xf32, #tpu.memory_space<vmem>> -> memref<125x64xf32, #tpu.memory_space<vmem>>
      %dma_start3A_452 = arith.constant 0 : i32
      %dma_start3A_453 = tpu.memref_slice %arg7[%add3A_435, %dma_start3A_452] : memref<80x125xi32, #tpu.memory_space<vmem>> -> memref<1x125xi32, #tpu.memory_space<vmem>>
      %dma_start3A_454 = tpu.memref_squeeze %dma_start3A_453 : memref<1x125xi32, #tpu.memory_space<vmem>> -> memref<125xi32, #tpu.memory_space<vmem>>
      %dma_start3A_455 = arith.constant 0 : i32
      %dma_start3A_456 = arith.constant 0 : i32
      %dma_start3A_457 = tpu.memref_slice %arg9[%dma_start3A_455, %dma_start3A_456] : memref<10240x64xf32, #tpu.memory_space<vmem_shared>> -> memref<10240x64xf32, #tpu.memory_space<vmem_shared>>
      tpu.enqueue_indirect_dma source(%dma_start3A_451 : memref<125x64xf32, #tpu.memory_space<vmem>>) target(%dma_start3A_457 : memref<10240x64xf32, #tpu.memory_space<vmem_shared>>) offsets(%dma_start3A_454 : memref<125xi32, #tpu.memory_space<vmem>>) semaphore(%arg18 : memref<!tpu.dma_semaphore, #tpu.memory_space<semaphore_mem>>) {add = true}
      %dma_wait3A_458 = arith.constant 0 : i32
      %dma_wait3A_459 = arith.constant 0 : i32
      %dma_wait3A_460 = arith.constant 0 : i32
      %dma_wait3A_461 = tpu.memref_slice %arg8[%dma_wait3A_458, %dma_wait3A_459, %dma_wait3A_460] : memref<8x125x64xf32, #tpu.memory_space<vmem>> -> memref<1x125x64xf32, #tpu.memory_space<vmem>>
      %dma_wait3A_462 = tpu.memref_squeeze %dma_wait3A_461 : memref<1x125x64xf32, #tpu.memory_space<vmem>> -> memref<125x64xf32, #tpu.memory_space<vmem>>
      %dma_wait3A_463 = arith.constant 0 : i32
      %dma_wait3A_464 = tpu.memref_slice %arg7[%add3A_435, %dma_wait3A_463] : memref<80x125xi32, #tpu.memory_space<vmem>> -> memref<1x125xi32, #tpu.memory_space<vmem>>
      %dma_wait3A_465 = tpu.memref_squeeze %dma_wait3A_464 : memref<1x125xi32, #tpu.memory_space<vmem>> -> memref<125xi32, #tpu.memory_space<vmem>>
      %dma_wait3A_466 = arith.constant 0 : i32
      %dma_wait3A_467 = arith.constant 0 : i32
      %dma_wait3A_468 = tpu.memref_slice %arg9[%dma_wait3A_466, %dma_wait3A_467] : memref<10240x64xf32, #tpu.memory_space<vmem_shared>> -> memref<10240x64xf32, #tpu.memory_space<vmem_shared>>
      tpu.wait_indirect_dma semaphore(%arg18 : memref<!tpu.dma_semaphore, #tpu.memory_space<semaphore_mem>>) src(%dma_wait3A_462 : memref<125x64xf32, #tpu.memory_space<vmem>>) dst(%dma_wait3A_468 : memref<10240x64xf32, #tpu.memory_space<vmem_shared>>)
      %add3A_469 = arith.constant 8 : i32
      %add3A_470 = arith.addi %add3A_435, %add3A_469 : i32
      %dma_start3A_471 = arith.constant 0 : i32
      %dma_start3A_472 = arith.constant 0 : i32
      %dma_start3A_473 = arith.constant 0 : i32
      %dma_start3A_474 = tpu.memref_slice %arg8[%dma_start3A_471, %dma_start3A_472, %dma_start3A_473] : memref<8x125x64xf32, #tpu.memory_space<vmem>> -> memref<1x125x64xf32, #tpu.memory_space<vmem>>
      %dma_start3A_475 = tpu.memref_squeeze %dma_start3A_474 : memref<1x125x64xf32, #tpu.memory_space<vmem>> -> memref<125x64xf32, #tpu.memory_space<vmem>>
      %dma_start3A_476 = arith.constant 0 : i32
      %dma_start3A_477 = tpu.memref_slice %arg6[%add3A_470, %dma_start3A_476] : memref<80x125xi32, #tpu.memory_space<vmem>> -> memref<1x125xi32, #tpu.memory_space<vmem>>
      %dma_start3A_478 = tpu.memref_squeeze %dma_start3A_477 : memref<1x125xi32, #tpu.memory_space<vmem>> -> memref<125xi32, #tpu.memory_space<vmem>>
      %dma_start3A_479 = arith.constant 0 : i32
      %dma_start3A_480 = arith.constant 0 : i32
      %dma_start3A_481 = tpu.memref_slice %arg4[%dma_start3A_479, %dma_start3A_480] : memref<10000x64xf32, #tpu.memory_space<hbm>> -> memref<10000x64xf32, #tpu.memory_space<hbm>>
      tpu.enqueue_indirect_dma source(%dma_start3A_481 : memref<10000x64xf32, #tpu.memory_space<hbm>>) target(%dma_start3A_475 : memref<125x64xf32, #tpu.memory_space<vmem>>) offsets(%dma_start3A_478 : memref<125xi32, #tpu.memory_space<vmem>>) semaphore(%arg10 : memref<!tpu.dma_semaphore, #tpu.memory_space<semaphore_mem>>)
      %add3A_482 = arith.constant 1 : i32
      %add3A_483 = arith.addi %mul3A_433, %add3A_482 : i32
      %dma_wait3A_484 = arith.constant 1 : i32
      %dma_wait3A_485 = arith.constant 0 : i32
      %dma_wait3A_486 = arith.constant 0 : i32
      %dma_wait3A_487 = tpu.memref_slice %arg8[%dma_wait3A_484, %dma_wait3A_485, %dma_wait3A_486] : memref<8x125x64xf32, #tpu.memory_space<vmem>> -> memref<1x125x64xf32, #tpu.memory_space<vmem>>
      %dma_wait3A_488 = tpu.memref_squeeze %dma_wait3A_487 : memref<1x125x64xf32, #tpu.memory_space<vmem>> -> memref<125x64xf32, #tpu.memory_space<vmem>>
      %dma_wait3A_489 = arith.constant 0 : i32
      %dma_wait3A_490 = tpu.memref_slice %arg6[%add3A_483, %dma_wait3A_489] : memref<80x125xi32, #tpu.memory_space<vmem>> -> memref<1x125xi32, #tpu.memory_space<vmem>>
      %dma_wait3A_491 = tpu.memref_squeeze %dma_wait3A_490 : memref<1x125xi32, #tpu.memory_space<vmem>> -> memref<125xi32, #tpu.memory_space<vmem>>
      %dma_wait3A_492 = arith.constant 0 : i32
      %dma_wait3A_493 = arith.constant 0 : i32
      %dma_wait3A_494 = tpu.memref_slice %arg4[%dma_wait3A_492, %dma_wait3A_493] : memref<10000x64xf32, #tpu.memory_space<hbm>> -> memref<10000x64xf32, #tpu.memory_space<hbm>>
      tpu.wait_indirect_dma semaphore(%arg11 : memref<!tpu.dma_semaphore, #tpu.memory_space<semaphore_mem>>) src(%dma_wait3A_494 : memref<10000x64xf32, #tpu.memory_space<hbm>>) dst(%dma_wait3A_488 : memref<125x64xf32, #tpu.memory_space<vmem>>)
      %dma_start3A_495 = arith.constant 1 : i32
      %dma_start3A_496 = arith.constant 0 : i32
      %dma_start3A_497 = arith.constant 0 : i32
      %dma_start3A_498 = tpu.memref_slice %arg8[%dma_start3A_495, %dma_start3A_496, %dma_start3A_497] : memref<8x125x64xf32, #tpu.memory_space<vmem>> -> memref<1x125x64xf32, #tpu.memory_space<vmem>>
      %dma_start3A_499 = tpu.memref_squeeze %dma_start3A_498 : memref<1x125x64xf32, #tpu.memory_space<vmem>> -> memref<125x64xf32, #tpu.memory_space<vmem>>
      %dma_start3A_500 = arith.constant 0 : i32
      %dma_start3A_501 = tpu.memref_slice %arg7[%add3A_483, %dma_start3A_500] : memref<80x125xi32, #tpu.memory_space<vmem>> -> memref<1x125xi32, #tpu.memory_space<vmem>>
      %dma_start3A_502 = tpu.memref_squeeze %dma_start3A_501 : memref<1x125xi32, #tpu.memory_space<vmem>> -> memref<125xi32, #tpu.memory_space<vmem>>
      %dma_start3A_503 = arith.constant 0 : i32
      %dma_start3A_504 = arith.constant 0 : i32
      %dma_start3A_505 = tpu.memref_slice %arg9[%dma_start3A_503, %dma_start3A_504] : memref<10240x64xf32, #tpu.memory_space<vmem_shared>> -> memref<10240x64xf32, #tpu.memory_space<vmem_shared>>
      tpu.enqueue_indirect_dma source(%dma_start3A_499 : memref<125x64xf32, #tpu.memory_space<vmem>>) target(%dma_start3A_505 : memref<10240x64xf32, #tpu.memory_space<vmem_shared>>) offsets(%dma_start3A_502 : memref<125xi32, #tpu.memory_space<vmem>>) semaphore(%arg19 : memref<!tpu.dma_semaphore, #tpu.memory_space<semaphore_mem>>) {add = true}
      %dma_wait3A_506 = arith.constant 1 : i32
      %dma_wait3A_507 = arith.constant 0 : i32
      %dma_wait3A_508 = arith.constant 0 : i32
      %dma_wait3A_509 = tpu.memref_slice %arg8[%dma_wait3A_506, %dma_wait3A_507, %dma_wait3A_508] : memref<8x125x64xf32, #tpu.memory_space<vmem>> -> memref<1x125x64xf32, #tpu.memory_space<vmem>>
      %dma_wait3A_510 = tpu.memref_squeeze %dma_wait3A_509 : memref<1x125x64xf32, #tpu.memory_space<vmem>> -> memref<125x64xf32, #tpu.memory_space<vmem>>
      %dma_wait3A_511 = arith.constant 0 : i32
      %dma_wait3A_512 = tpu.memref_slice %arg7[%add3A_483, %dma_wait3A_511] : memref<80x125xi32, #tpu.memory_space<vmem>> -> memref<1x125xi32, #tpu.memory_space<vmem>>
      %dma_wait3A_513 = tpu.memref_squeeze %dma_wait3A_512 : memref<1x125xi32, #tpu.memory_space<vmem>> -> memref<125xi32, #tpu.memory_space<vmem>>
      %dma_wait3A_514 = arith.constant 0 : i32
      %dma_wait3A_515 = arith.constant 0 : i32
      %dma_wait3A_516 = tpu.memref_slice %arg9[%dma_wait3A_514, %dma_wait3A_515] : memref<10240x64xf32, #tpu.memory_space<vmem_shared>> -> memref<10240x64xf32, #tpu.memory_space<vmem_shared>>
      tpu.wait_indirect_dma semaphore(%arg19 : memref<!tpu.dma_semaphore, #tpu.memory_space<semaphore_mem>>) src(%dma_wait3A_510 : memref<125x64xf32, #tpu.memory_space<vmem>>) dst(%dma_wait3A_516 : memref<10240x64xf32, #tpu.memory_space<vmem_shared>>)
      %add3A_517 = arith.constant 8 : i32
      %add3A_518 = arith.addi %add3A_483, %add3A_517 : i32
      %dma_start3A_519 = arith.constant 1 : i32
      %dma_start3A_520 = arith.constant 0 : i32
      %dma_start3A_521 = arith.constant 0 : i32
      %dma_start3A_522 = tpu.memref_slice %arg8[%dma_start3A_519, %dma_start3A_520, %dma_start3A_521] : memref<8x125x64xf32, #tpu.memory_space<vmem>> -> memref<1x125x64xf32, #tpu.memory_space<vmem>>
      %dma_start3A_523 = tpu.memref_squeeze %dma_start3A_522 : memref<1x125x64xf32, #tpu.memory_space<vmem>> -> memref<125x64xf32, #tpu.memory_space<vmem>>
      %dma_start3A_524 = arith.constant 0 : i32
      %dma_start3A_525 = tpu.memref_slice %arg6[%add3A_518, %dma_start3A_524] : memref<80x125xi32, #tpu.memory_space<vmem>> -> memref<1x125xi32, #tpu.memory_space<vmem>>
      %dma_start3A_526 = tpu.memref_squeeze %dma_start3A_525 : memref<1x125xi32, #tpu.memory_space<vmem>> -> memref<125xi32, #tpu.memory_space<vmem>>
      %dma_start3A_527 = arith.constant 0 : i32
      %dma_start3A_528 = arith.constant 0 : i32
      %dma_start3A_529 = tpu.memref_slice %arg4[%dma_start3A_527, %dma_start3A_528] : memref<10000x64xf32, #tpu.memory_space<hbm>> -> memref<10000x64xf32, #tpu.memory_space<hbm>>
      tpu.enqueue_indirect_dma source(%dma_start3A_529 : memref<10000x64xf32, #tpu.memory_space<hbm>>) target(%dma_start3A_523 : memref<125x64xf32, #tpu.memory_space<vmem>>) offsets(%dma_start3A_526 : memref<125xi32, #tpu.memory_space<vmem>>) semaphore(%arg11 : memref<!tpu.dma_semaphore, #tpu.memory_space<semaphore_mem>>)
      %add3A_530 = arith.constant 2 : i32
      %add3A_531 = arith.addi %mul3A_433, %add3A_530 : i32
      %dma_wait3A_532 = arith.constant 2 : i32
      %dma_wait3A_533 = arith.constant 0 : i32
      %dma_wait3A_534 = arith.constant 0 : i32
      %dma_wait3A_535 = tpu.memref_slice %arg8[%dma_wait3A_532, %dma_wait3A_533, %dma_wait3A_534] : memref<8x125x64xf32, #tpu.memory_space<vmem>> -> memref<1x125x64xf32, #tpu.memory_space<vmem>>
      %dma_wait3A_536 = tpu.memref_squeeze %dma_wait3A_535 : memref<1x125x64xf32, #tpu.memory_space<vmem>> -> memref<125x64xf32, #tpu.memory_space<vmem>>
      %dma_wait3A_537 = arith.constant 0 : i32
      %dma_wait3A_538 = tpu.memref_slice %arg6[%add3A_531, %dma_wait3A_537] : memref<80x125xi32, #tpu.memory_space<vmem>> -> memref<1x125xi32, #tpu.memory_space<vmem>>
      %dma_wait3A_539 = tpu.memref_squeeze %dma_wait3A_538 : memref<1x125xi32, #tpu.memory_space<vmem>> -> memref<125xi32, #tpu.memory_space<vmem>>
      %dma_wait3A_540 = arith.constant 0 : i32
      %dma_wait3A_541 = arith.constant 0 : i32
      %dma_wait3A_542 = tpu.memref_slice %arg4[%dma_wait3A_540, %dma_wait3A_541] : memref<10000x64xf32, #tpu.memory_space<hbm>> -> memref<10000x64xf32, #tpu.memory_space<hbm>>
      tpu.wait_indirect_dma semaphore(%arg12 : memref<!tpu.dma_semaphore, #tpu.memory_space<semaphore_mem>>) src(%dma_wait3A_542 : memref<10000x64xf32, #tpu.memory_space<hbm>>) dst(%dma_wait3A_536 : memref<125x64xf32, #tpu.memory_space<vmem>>)
      %dma_start3A_543 = arith.constant 2 : i32
      %dma_start3A_544 = arith.constant 0 : i32
      %dma_start3A_545 = arith.constant 0 : i32
      %dma_start3A_546 = tpu.memref_slice %arg8[%dma_start3A_543, %dma_start3A_544, %dma_start3A_545] : memref<8x125x64xf32, #tpu.memory_space<vmem>> -> memref<1x125x64xf32, #tpu.memory_space<vmem>>
      %dma_start3A_547 = tpu.memref_squeeze %dma_start3A_546 : memref<1x125x64xf32, #tpu.memory_space<vmem>> -> memref<125x64xf32, #tpu.memory_space<vmem>>
      %dma_start3A_548 = arith.constant 0 : i32
      %dma_start3A_549 = tpu.memref_slice %arg7[%add3A_531, %dma_start3A_548] : memref<80x125xi32, #tpu.memory_space<vmem>> -> memref<1x125xi32, #tpu.memory_space<vmem>>
      %dma_start3A_550 = tpu.memref_squeeze %dma_start3A_549 : memref<1x125xi32, #tpu.memory_space<vmem>> -> memref<125xi32, #tpu.memory_space<vmem>>
      %dma_start3A_551 = arith.constant 0 : i32
      %dma_start3A_552 = arith.constant 0 : i32
      %dma_start3A_553 = tpu.memref_slice %arg9[%dma_start3A_551, %dma_start3A_552] : memref<10240x64xf32, #tpu.memory_space<vmem_shared>> -> memref<10240x64xf32, #tpu.memory_space<vmem_shared>>
      tpu.enqueue_indirect_dma source(%dma_start3A_547 : memref<125x64xf32, #tpu.memory_space<vmem>>) target(%dma_start3A_553 : memref<10240x64xf32, #tpu.memory_space<vmem_shared>>) offsets(%dma_start3A_550 : memref<125xi32, #tpu.memory_space<vmem>>) semaphore(%arg20 : memref<!tpu.dma_semaphore, #tpu.memory_space<semaphore_mem>>) {add = true}
      %dma_wait3A_554 = arith.constant 2 : i32
      %dma_wait3A_555 = arith.constant 0 : i32
      %dma_wait3A_556 = arith.constant 0 : i32
      %dma_wait3A_557 = tpu.memref_slice %arg8[%dma_wait3A_554, %dma_wait3A_555, %dma_wait3A_556] : memref<8x125x64xf32, #tpu.memory_space<vmem>> -> memref<1x125x64xf32, #tpu.memory_space<vmem>>
      %dma_wait3A_558 = tpu.memref_squeeze %dma_wait3A_557 : memref<1x125x64xf32, #tpu.memory_space<vmem>> -> memref<125x64xf32, #tpu.memory_space<vmem>>
      %dma_wait3A_559 = arith.constant 0 : i32
      %dma_wait3A_560 = tpu.memref_slice %arg7[%add3A_531, %dma_wait3A_559] : memref<80x125xi32, #tpu.memory_space<vmem>> -> memref<1x125xi32, #tpu.memory_space<vmem>>
      %dma_wait3A_561 = tpu.memref_squeeze %dma_wait3A_560 : memref<1x125xi32, #tpu.memory_space<vmem>> -> memref<125xi32, #tpu.memory_space<vmem>>
      %dma_wait3A_562 = arith.constant 0 : i32
      %dma_wait3A_563 = arith.constant 0 : i32
      %dma_wait3A_564 = tpu.memref_slice %arg9[%dma_wait3A_562, %dma_wait3A_563] : memref<10240x64xf32, #tpu.memory_space<vmem_shared>> -> memref<10240x64xf32, #tpu.memory_space<vmem_shared>>
      tpu.wait_indirect_dma semaphore(%arg20 : memref<!tpu.dma_semaphore, #tpu.memory_space<semaphore_mem>>) src(%dma_wait3A_558 : memref<125x64xf32, #tpu.memory_space<vmem>>) dst(%dma_wait3A_564 : memref<10240x64xf32, #tpu.memory_space<vmem_shared>>)
      %add3A_565 = arith.constant 8 : i32
      %add3A_566 = arith.addi %add3A_531, %add3A_565 : i32
      %dma_start3A_567 = arith.constant 2 : i32
      %dma_start3A_568 = arith.constant 0 : i32
      %dma_start3A_569 = arith.constant 0 : i32
      %dma_start3A_570 = tpu.memref_slice %arg8[%dma_start3A_567, %dma_start3A_568, %dma_start3A_569] : memref<8x125x64xf32, #tpu.memory_space<vmem>> -> memref<1x125x64xf32, #tpu.memory_space<vmem>>
      %dma_start3A_571 = tpu.memref_squeeze %dma_start3A_570 : memref<1x125x64xf32, #tpu.memory_space<vmem>> -> memref<125x64xf32, #tpu.memory_space<vmem>>
      %dma_start3A_572 = arith.constant 0 : i32
      %dma_start3A_573 = tpu.memref_slice %arg6[%add3A_566, %dma_start3A_572] : memref<80x125xi32, #tpu.memory_space<vmem>> -> memref<1x125xi32, #tpu.memory_space<vmem>>
      %dma_start3A_574 = tpu.memref_squeeze %dma_start3A_573 : memref<1x125xi32, #tpu.memory_space<vmem>> -> memref<125xi32, #tpu.memory_space<vmem>>
      %dma_start3A_575 = arith.constant 0 : i32
      %dma_start3A_576 = arith.constant 0 : i32
      %dma_start3A_577 = tpu.memref_slice %arg4[%dma_start3A_575, %dma_start3A_576] : memref<10000x64xf32, #tpu.memory_space<hbm>> -> memref<10000x64xf32, #tpu.memory_space<hbm>>
      tpu.enqueue_indirect_dma source(%dma_start3A_577 : memref<10000x64xf32, #tpu.memory_space<hbm>>) target(%dma_start3A_571 : memref<125x64xf32, #tpu.memory_space<vmem>>) offsets(%dma_start3A_574 : memref<125xi32, #tpu.memory_space<vmem>>) semaphore(%arg12 : memref<!tpu.dma_semaphore, #tpu.memory_space<semaphore_mem>>)
      %add3A_578 = arith.constant 3 : i32
      %add3A_579 = arith.addi %mul3A_433, %add3A_578 : i32
      %dma_wait3A_580 = arith.constant 3 : i32
      %dma_wait3A_581 = arith.constant 0 : i32
      %dma_wait3A_582 = arith.constant 0 : i32
      %dma_wait3A_583 = tpu.memref_slice %arg8[%dma_wait3A_580, %dma_wait3A_581, %dma_wait3A_582] : memref<8x125x64xf32, #tpu.memory_space<vmem>> -> memref<1x125x64xf32, #tpu.memory_space<vmem>>
      %dma_wait3A_584 = tpu.memref_squeeze %dma_wait3A_583 : memref<1x125x64xf32, #tpu.memory_space<vmem>> -> memref<125x64xf32, #tpu.memory_space<vmem>>
      %dma_wait3A_585 = arith.constant 0 : i32
      %dma_wait3A_586 = tpu.memref_slice %arg6[%add3A_579, %dma_wait3A_585] : memref<80x125xi32, #tpu.memory_space<vmem>> -> memref<1x125xi32, #tpu.memory_space<vmem>>
      %dma_wait3A_587 = tpu.memref_squeeze %dma_wait3A_586 : memref<1x125xi32, #tpu.memory_space<vmem>> -> memref<125xi32, #tpu.memory_space<vmem>>
      %dma_wait3A_588 = arith.constant 0 : i32
      %dma_wait3A_589 = arith.constant 0 : i32
      %dma_wait3A_590 = tpu.memref_slice %arg4[%dma_wait3A_588, %dma_wait3A_589] : memref<10000x64xf32, #tpu.memory_space<hbm>> -> memref<10000x64xf32, #tpu.memory_space<hbm>>
      tpu.wait_indirect_dma semaphore(%arg13 : memref<!tpu.dma_semaphore, #tpu.memory_space<semaphore_mem>>) src(%dma_wait3A_590 : memref<10000x64xf32, #tpu.memory_space<hbm>>) dst(%dma_wait3A_584 : memref<125x64xf32, #tpu.memory_space<vmem>>)
      %dma_start3A_591 = arith.constant 3 : i32
      %dma_start3A_592 = arith.constant 0 : i32
      %dma_start3A_593 = arith.constant 0 : i32
      %dma_start3A_594 = tpu.memref_slice %arg8[%dma_start3A_591, %dma_start3A_592, %dma_start3A_593] : memref<8x125x64xf32, #tpu.memory_space<vmem>> -> memref<1x125x64xf32, #tpu.memory_space<vmem>>
      %dma_start3A_595 = tpu.memref_squeeze %dma_start3A_594 : memref<1x125x64xf32, #tpu.memory_space<vmem>> -> memref<125x64xf32, #tpu.memory_space<vmem>>
      %dma_start3A_596 = arith.constant 0 : i32
      %dma_start3A_597 = tpu.memref_slice %arg7[%add3A_579, %dma_start3A_596] : memref<80x125xi32, #tpu.memory_space<vmem>> -> memref<1x125xi32, #tpu.memory_space<vmem>>
      %dma_start3A_598 = tpu.memref_squeeze %dma_start3A_597 : memref<1x125xi32, #tpu.memory_space<vmem>> -> memref<125xi32, #tpu.memory_space<vmem>>
      %dma_start3A_599 = arith.constant 0 : i32
      %dma_start3A_600 = arith.constant 0 : i32
      %dma_start3A_601 = tpu.memref_slice %arg9[%dma_start3A_599, %dma_start3A_600] : memref<10240x64xf32, #tpu.memory_space<vmem_shared>> -> memref<10240x64xf32, #tpu.memory_space<vmem_shared>>
      tpu.enqueue_indirect_dma source(%dma_start3A_595 : memref<125x64xf32, #tpu.memory_space<vmem>>) target(%dma_start3A_601 : memref<10240x64xf32, #tpu.memory_space<vmem_shared>>) offsets(%dma_start3A_598 : memref<125xi32, #tpu.memory_space<vmem>>) semaphore(%arg21 : memref<!tpu.dma_semaphore, #tpu.memory_space<semaphore_mem>>) {add = true}
      %dma_wait3A_602 = arith.constant 3 : i32
      %dma_wait3A_603 = arith.constant 0 : i32
      %dma_wait3A_604 = arith.constant 0 : i32
      %dma_wait3A_605 = tpu.memref_slice %arg8[%dma_wait3A_602, %dma_wait3A_603, %dma_wait3A_604] : memref<8x125x64xf32, #tpu.memory_space<vmem>> -> memref<1x125x64xf32, #tpu.memory_space<vmem>>
      %dma_wait3A_606 = tpu.memref_squeeze %dma_wait3A_605 : memref<1x125x64xf32, #tpu.memory_space<vmem>> -> memref<125x64xf32, #tpu.memory_space<vmem>>
      %dma_wait3A_607 = arith.constant 0 : i32
      %dma_wait3A_608 = tpu.memref_slice %arg7[%add3A_579, %dma_wait3A_607] : memref<80x125xi32, #tpu.memory_space<vmem>> -> memref<1x125xi32, #tpu.memory_space<vmem>>
      %dma_wait3A_609 = tpu.memref_squeeze %dma_wait3A_608 : memref<1x125xi32, #tpu.memory_space<vmem>> -> memref<125xi32, #tpu.memory_space<vmem>>
      %dma_wait3A_610 = arith.constant 0 : i32
      %dma_wait3A_611 = arith.constant 0 : i32
      %dma_wait3A_612 = tpu.memref_slice %arg9[%dma_wait3A_610, %dma_wait3A_611] : memref<10240x64xf32, #tpu.memory_space<vmem_shared>> -> memref<10240x64xf32, #tpu.memory_space<vmem_shared>>
      tpu.wait_indirect_dma semaphore(%arg21 : memref<!tpu.dma_semaphore, #tpu.memory_space<semaphore_mem>>) src(%dma_wait3A_606 : memref<125x64xf32, #tpu.memory_space<vmem>>) dst(%dma_wait3A_612 : memref<10240x64xf32, #tpu.memory_space<vmem_shared>>)
      %add3A_613 = arith.constant 8 : i32
      %add3A_614 = arith.addi %add3A_579, %add3A_613 : i32
      %dma_start3A_615 = arith.constant 3 : i32
      %dma_start3A_616 = arith.constant 0 : i32
      %dma_start3A_617 = arith.constant 0 : i32
      %dma_start3A_618 = tpu.memref_slice %arg8[%dma_start3A_615, %dma_start3A_616, %dma_start3A_617] : memref<8x125x64xf32, #tpu.memory_space<vmem>> -> memref<1x125x64xf32, #tpu.memory_space<vmem>>
      %dma_start3A_619 = tpu.memref_squeeze %dma_start3A_618 : memref<1x125x64xf32, #tpu.memory_space<vmem>> -> memref<125x64xf32, #tpu.memory_space<vmem>>
      %dma_start3A_620 = arith.constant 0 : i32
      %dma_start3A_621 = tpu.memref_slice %arg6[%add3A_614, %dma_start3A_620] : memref<80x125xi32, #tpu.memory_space<vmem>> -> memref<1x125xi32, #tpu.memory_space<vmem>>
      %dma_start3A_622 = tpu.memref_squeeze %dma_start3A_621 : memref<1x125xi32, #tpu.memory_space<vmem>> -> memref<125xi32, #tpu.memory_space<vmem>>
      %dma_start3A_623 = arith.constant 0 : i32
      %dma_start3A_624 = arith.constant 0 : i32
      %dma_start3A_625 = tpu.memref_slice %arg4[%dma_start3A_623, %dma_start3A_624] : memref<10000x64xf32, #tpu.memory_space<hbm>> -> memref<10000x64xf32, #tpu.memory_space<hbm>>
      tpu.enqueue_indirect_dma source(%dma_start3A_625 : memref<10000x64xf32, #tpu.memory_space<hbm>>) target(%dma_start3A_619 : memref<125x64xf32, #tpu.memory_space<vmem>>) offsets(%dma_start3A_622 : memref<125xi32, #tpu.memory_space<vmem>>) semaphore(%arg13 : memref<!tpu.dma_semaphore, #tpu.memory_space<semaphore_mem>>)
      %add3A_626 = arith.constant 4 : i32
      %add3A_627 = arith.addi %mul3A_433, %add3A_626 : i32
      %dma_wait3A_628 = arith.constant 4 : i32
      %dma_wait3A_629 = arith.constant 0 : i32
      %dma_wait3A_630 = arith.constant 0 : i32
      %dma_wait3A_631 = tpu.memref_slice %arg8[%dma_wait3A_628, %dma_wait3A_629, %dma_wait3A_630] : memref<8x125x64xf32, #tpu.memory_space<vmem>> -> memref<1x125x64xf32, #tpu.memory_space<vmem>>
      %dma_wait3A_632 = tpu.memref_squeeze %dma_wait3A_631 : memref<1x125x64xf32, #tpu.memory_space<vmem>> -> memref<125x64xf32, #tpu.memory_space<vmem>>
      %dma_wait3A_633 = arith.constant 0 : i32
      %dma_wait3A_634 = tpu.memref_slice %arg6[%add3A_627, %dma_wait3A_633] : memref<80x125xi32, #tpu.memory_space<vmem>> -> memref<1x125xi32, #tpu.memory_space<vmem>>
      %dma_wait3A_635 = tpu.memref_squeeze %dma_wait3A_634 : memref<1x125xi32, #tpu.memory_space<vmem>> -> memref<125xi32, #tpu.memory_space<vmem>>
      %dma_wait3A_636 = arith.constant 0 : i32
      %dma_wait3A_637 = arith.constant 0 : i32
      %dma_wait3A_638 = tpu.memref_slice %arg4[%dma_wait3A_636, %dma_wait3A_637] : memref<10000x64xf32, #tpu.memory_space<hbm>> -> memref<10000x64xf32, #tpu.memory_space<hbm>>
      tpu.wait_indirect_dma semaphore(%arg14 : memref<!tpu.dma_semaphore, #tpu.memory_space<semaphore_mem>>) src(%dma_wait3A_638 : memref<10000x64xf32, #tpu.memory_space<hbm>>) dst(%dma_wait3A_632 : memref<125x64xf32, #tpu.memory_space<vmem>>)
      %dma_start3A_639 = arith.constant 4 : i32
      %dma_start3A_640 = arith.constant 0 : i32
      %dma_start3A_641 = arith.constant 0 : i32
      %dma_start3A_642 = tpu.memref_slice %arg8[%dma_start3A_639, %dma_start3A_640, %dma_start3A_641] : memref<8x125x64xf32, #tpu.memory_space<vmem>> -> memref<1x125x64xf32, #tpu.memory_space<vmem>>
      %dma_start3A_643 = tpu.memref_squeeze %dma_start3A_642 : memref<1x125x64xf32, #tpu.memory_space<vmem>> -> memref<125x64xf32, #tpu.memory_space<vmem>>
      %dma_start3A_644 = arith.constant 0 : i32
      %dma_start3A_645 = tpu.memref_slice %arg7[%add3A_627, %dma_start3A_644] : memref<80x125xi32, #tpu.memory_space<vmem>> -> memref<1x125xi32, #tpu.memory_space<vmem>>
      %dma_start3A_646 = tpu.memref_squeeze %dma_start3A_645 : memref<1x125xi32, #tpu.memory_space<vmem>> -> memref<125xi32, #tpu.memory_space<vmem>>
      %dma_start3A_647 = arith.constant 0 : i32
      %dma_start3A_648 = arith.constant 0 : i32
      %dma_start3A_649 = tpu.memref_slice %arg9[%dma_start3A_647, %dma_start3A_648] : memref<10240x64xf32, #tpu.memory_space<vmem_shared>> -> memref<10240x64xf32, #tpu.memory_space<vmem_shared>>
      tpu.enqueue_indirect_dma source(%dma_start3A_643 : memref<125x64xf32, #tpu.memory_space<vmem>>) target(%dma_start3A_649 : memref<10240x64xf32, #tpu.memory_space<vmem_shared>>) offsets(%dma_start3A_646 : memref<125xi32, #tpu.memory_space<vmem>>) semaphore(%arg22 : memref<!tpu.dma_semaphore, #tpu.memory_space<semaphore_mem>>) {add = true}
      %dma_wait3A_650 = arith.constant 4 : i32
      %dma_wait3A_651 = arith.constant 0 : i32
      %dma_wait3A_652 = arith.constant 0 : i32
      %dma_wait3A_653 = tpu.memref_slice %arg8[%dma_wait3A_650, %dma_wait3A_651, %dma_wait3A_652] : memref<8x125x64xf32, #tpu.memory_space<vmem>> -> memref<1x125x64xf32, #tpu.memory_space<vmem>>
      %dma_wait3A_654 = tpu.memref_squeeze %dma_wait3A_653 : memref<1x125x64xf32, #tpu.memory_space<vmem>> -> memref<125x64xf32, #tpu.memory_space<vmem>>
      %dma_wait3A_655 = arith.constant 0 : i32
      %dma_wait3A_656 = tpu.memref_slice %arg7[%add3A_627, %dma_wait3A_655] : memref<80x125xi32, #tpu.memory_space<vmem>> -> memref<1x125xi32, #tpu.memory_space<vmem>>
      %dma_wait3A_657 = tpu.memref_squeeze %dma_wait3A_656 : memref<1x125xi32, #tpu.memory_space<vmem>> -> memref<125xi32, #tpu.memory_space<vmem>>
      %dma_wait3A_658 = arith.constant 0 : i32
      %dma_wait3A_659 = arith.constant 0 : i32
      %dma_wait3A_660 = tpu.memref_slice %arg9[%dma_wait3A_658, %dma_wait3A_659] : memref<10240x64xf32, #tpu.memory_space<vmem_shared>> -> memref<10240x64xf32, #tpu.memory_space<vmem_shared>>
      tpu.wait_indirect_dma semaphore(%arg22 : memref<!tpu.dma_semaphore, #tpu.memory_space<semaphore_mem>>) src(%dma_wait3A_654 : memref<125x64xf32, #tpu.memory_space<vmem>>) dst(%dma_wait3A_660 : memref<10240x64xf32, #tpu.memory_space<vmem_shared>>)
      %add3A_661 = arith.constant 8 : i32
      %add3A_662 = arith.addi %add3A_627, %add3A_661 : i32
      %dma_start3A_663 = arith.constant 4 : i32
      %dma_start3A_664 = arith.constant 0 : i32
      %dma_start3A_665 = arith.constant 0 : i32
      %dma_start3A_666 = tpu.memref_slice %arg8[%dma_start3A_663, %dma_start3A_664, %dma_start3A_665] : memref<8x125x64xf32, #tpu.memory_space<vmem>> -> memref<1x125x64xf32, #tpu.memory_space<vmem>>
      %dma_start3A_667 = tpu.memref_squeeze %dma_start3A_666 : memref<1x125x64xf32, #tpu.memory_space<vmem>> -> memref<125x64xf32, #tpu.memory_space<vmem>>
      %dma_start3A_668 = arith.constant 0 : i32
      %dma_start3A_669 = tpu.memref_slice %arg6[%add3A_662, %dma_start3A_668] : memref<80x125xi32, #tpu.memory_space<vmem>> -> memref<1x125xi32, #tpu.memory_space<vmem>>
      %dma_start3A_670 = tpu.memref_squeeze %dma_start3A_669 : memref<1x125xi32, #tpu.memory_space<vmem>> -> memref<125xi32, #tpu.memory_space<vmem>>
      %dma_start3A_671 = arith.constant 0 : i32
      %dma_start3A_672 = arith.constant 0 : i32
      %dma_start3A_673 = tpu.memref_slice %arg4[%dma_start3A_671, %dma_start3A_672] : memref<10000x64xf32, #tpu.memory_space<hbm>> -> memref<10000x64xf32, #tpu.memory_space<hbm>>
      tpu.enqueue_indirect_dma source(%dma_start3A_673 : memref<10000x64xf32, #tpu.memory_space<hbm>>) target(%dma_start3A_667 : memref<125x64xf32, #tpu.memory_space<vmem>>) offsets(%dma_start3A_670 : memref<125xi32, #tpu.memory_space<vmem>>) semaphore(%arg14 : memref<!tpu.dma_semaphore, #tpu.memory_space<semaphore_mem>>)
      %add3A_674 = arith.constant 5 : i32
      %add3A_675 = arith.addi %mul3A_433, %add3A_674 : i32
      %dma_wait3A_676 = arith.constant 5 : i32
      %dma_wait3A_677 = arith.constant 0 : i32
      %dma_wait3A_678 = arith.constant 0 : i32
      %dma_wait3A_679 = tpu.memref_slice %arg8[%dma_wait3A_676, %dma_wait3A_677, %dma_wait3A_678] : memref<8x125x64xf32, #tpu.memory_space<vmem>> -> memref<1x125x64xf32, #tpu.memory_space<vmem>>
      %dma_wait3A_680 = tpu.memref_squeeze %dma_wait3A_679 : memref<1x125x64xf32, #tpu.memory_space<vmem>> -> memref<125x64xf32, #tpu.memory_space<vmem>>
      %dma_wait3A_681 = arith.constant 0 : i32
      %dma_wait3A_682 = tpu.memref_slice %arg6[%add3A_675, %dma_wait3A_681] : memref<80x125xi32, #tpu.memory_space<vmem>> -> memref<1x125xi32, #tpu.memory_space<vmem>>
      %dma_wait3A_683 = tpu.memref_squeeze %dma_wait3A_682 : memref<1x125xi32, #tpu.memory_space<vmem>> -> memref<125xi32, #tpu.memory_space<vmem>>
      %dma_wait3A_684 = arith.constant 0 : i32
      %dma_wait3A_685 = arith.constant 0 : i32
      %dma_wait3A_686 = tpu.memref_slice %arg4[%dma_wait3A_684, %dma_wait3A_685] : memref<10000x64xf32, #tpu.memory_space<hbm>> -> memref<10000x64xf32, #tpu.memory_space<hbm>>
      tpu.wait_indirect_dma semaphore(%arg15 : memref<!tpu.dma_semaphore, #tpu.memory_space<semaphore_mem>>) src(%dma_wait3A_686 : memref<10000x64xf32, #tpu.memory_space<hbm>>) dst(%dma_wait3A_680 : memref<125x64xf32, #tpu.memory_space<vmem>>)
      %dma_start3A_687 = arith.constant 5 : i32
      %dma_start3A_688 = arith.constant 0 : i32
      %dma_start3A_689 = arith.constant 0 : i32
      %dma_start3A_690 = tpu.memref_slice %arg8[%dma_start3A_687, %dma_start3A_688, %dma_start3A_689] : memref<8x125x64xf32, #tpu.memory_space<vmem>> -> memref<1x125x64xf32, #tpu.memory_space<vmem>>
      %dma_start3A_691 = tpu.memref_squeeze %dma_start3A_690 : memref<1x125x64xf32, #tpu.memory_space<vmem>> -> memref<125x64xf32, #tpu.memory_space<vmem>>
      %dma_start3A_692 = arith.constant 0 : i32
      %dma_start3A_693 = tpu.memref_slice %arg7[%add3A_675, %dma_start3A_692] : memref<80x125xi32, #tpu.memory_space<vmem>> -> memref<1x125xi32, #tpu.memory_space<vmem>>
      %dma_start3A_694 = tpu.memref_squeeze %dma_start3A_693 : memref<1x125xi32, #tpu.memory_space<vmem>> -> memref<125xi32, #tpu.memory_space<vmem>>
      %dma_start3A_695 = arith.constant 0 : i32
      %dma_start3A_696 = arith.constant 0 : i32
      %dma_start3A_697 = tpu.memref_slice %arg9[%dma_start3A_695, %dma_start3A_696] : memref<10240x64xf32, #tpu.memory_space<vmem_shared>> -> memref<10240x64xf32, #tpu.memory_space<vmem_shared>>
      tpu.enqueue_indirect_dma source(%dma_start3A_691 : memref<125x64xf32, #tpu.memory_space<vmem>>) target(%dma_start3A_697 : memref<10240x64xf32, #tpu.memory_space<vmem_shared>>) offsets(%dma_start3A_694 : memref<125xi32, #tpu.memory_space<vmem>>) semaphore(%arg23 : memref<!tpu.dma_semaphore, #tpu.memory_space<semaphore_mem>>) {add = true}
      %dma_wait3A_698 = arith.constant 5 : i32
      %dma_wait3A_699 = arith.constant 0 : i32
      %dma_wait3A_700 = arith.constant 0 : i32
      %dma_wait3A_701 = tpu.memref_slice %arg8[%dma_wait3A_698, %dma_wait3A_699, %dma_wait3A_700] : memref<8x125x64xf32, #tpu.memory_space<vmem>> -> memref<1x125x64xf32, #tpu.memory_space<vmem>>
      %dma_wait3A_702 = tpu.memref_squeeze %dma_wait3A_701 : memref<1x125x64xf32, #tpu.memory_space<vmem>> -> memref<125x64xf32, #tpu.memory_space<vmem>>
      %dma_wait3A_703 = arith.constant 0 : i32
      %dma_wait3A_704 = tpu.memref_slice %arg7[%add3A_675, %dma_wait3A_703] : memref<80x125xi32, #tpu.memory_space<vmem>> -> memref<1x125xi32, #tpu.memory_space<vmem>>
      %dma_wait3A_705 = tpu.memref_squeeze %dma_wait3A_704 : memref<1x125xi32, #tpu.memory_space<vmem>> -> memref<125xi32, #tpu.memory_space<vmem>>
      %dma_wait3A_706 = arith.constant 0 : i32
      %dma_wait3A_707 = arith.constant 0 : i32
      %dma_wait3A_708 = tpu.memref_slice %arg9[%dma_wait3A_706, %dma_wait3A_707] : memref<10240x64xf32, #tpu.memory_space<vmem_shared>> -> memref<10240x64xf32, #tpu.memory_space<vmem_shared>>
      tpu.wait_indirect_dma semaphore(%arg23 : memref<!tpu.dma_semaphore, #tpu.memory_space<semaphore_mem>>) src(%dma_wait3A_702 : memref<125x64xf32, #tpu.memory_space<vmem>>) dst(%dma_wait3A_708 : memref<10240x64xf32, #tpu.memory_space<vmem_shared>>)
      %add3A_709 = arith.constant 8 : i32
      %add3A_710 = arith.addi %add3A_675, %add3A_709 : i32
      %dma_start3A_711 = arith.constant 5 : i32
      %dma_start3A_712 = arith.constant 0 : i32
      %dma_start3A_713 = arith.constant 0 : i32
      %dma_start3A_714 = tpu.memref_slice %arg8[%dma_start3A_711, %dma_start3A_712, %dma_start3A_713] : memref<8x125x64xf32, #tpu.memory_space<vmem>> -> memref<1x125x64xf32, #tpu.memory_space<vmem>>
      %dma_start3A_715 = tpu.memref_squeeze %dma_start3A_714 : memref<1x125x64xf32, #tpu.memory_space<vmem>> -> memref<125x64xf32, #tpu.memory_space<vmem>>
      %dma_start3A_716 = arith.constant 0 : i32
      %dma_start3A_717 = tpu.memref_slice %arg6[%add3A_710, %dma_start3A_716] : memref<80x125xi32, #tpu.memory_space<vmem>> -> memref<1x125xi32, #tpu.memory_space<vmem>>
      %dma_start3A_718 = tpu.memref_squeeze %dma_start3A_717 : memref<1x125xi32, #tpu.memory_space<vmem>> -> memref<125xi32, #tpu.memory_space<vmem>>
      %dma_start3A_719 = arith.constant 0 : i32
      %dma_start3A_720 = arith.constant 0 : i32
      %dma_start3A_721 = tpu.memref_slice %arg4[%dma_start3A_719, %dma_start3A_720] : memref<10000x64xf32, #tpu.memory_space<hbm>> -> memref<10000x64xf32, #tpu.memory_space<hbm>>
      tpu.enqueue_indirect_dma source(%dma_start3A_721 : memref<10000x64xf32, #tpu.memory_space<hbm>>) target(%dma_start3A_715 : memref<125x64xf32, #tpu.memory_space<vmem>>) offsets(%dma_start3A_718 : memref<125xi32, #tpu.memory_space<vmem>>) semaphore(%arg15 : memref<!tpu.dma_semaphore, #tpu.memory_space<semaphore_mem>>)
      %add3A_722 = arith.constant 6 : i32
      %add3A_723 = arith.addi %mul3A_433, %add3A_722 : i32
      %dma_wait3A_724 = arith.constant 6 : i32
      %dma_wait3A_725 = arith.constant 0 : i32
      %dma_wait3A_726 = arith.constant 0 : i32
      %dma_wait3A_727 = tpu.memref_slice %arg8[%dma_wait3A_724, %dma_wait3A_725, %dma_wait3A_726] : memref<8x125x64xf32, #tpu.memory_space<vmem>> -> memref<1x125x64xf32, #tpu.memory_space<vmem>>
      %dma_wait3A_728 = tpu.memref_squeeze %dma_wait3A_727 : memref<1x125x64xf32, #tpu.memory_space<vmem>> -> memref<125x64xf32, #tpu.memory_space<vmem>>
      %dma_wait3A_729 = arith.constant 0 : i32
      %dma_wait3A_730 = tpu.memref_slice %arg6[%add3A_723, %dma_wait3A_729] : memref<80x125xi32, #tpu.memory_space<vmem>> -> memref<1x125xi32, #tpu.memory_space<vmem>>
      %dma_wait3A_731 = tpu.memref_squeeze %dma_wait3A_730 : memref<1x125xi32, #tpu.memory_space<vmem>> -> memref<125xi32, #tpu.memory_space<vmem>>
      %dma_wait3A_732 = arith.constant 0 : i32
      %dma_wait3A_733 = arith.constant 0 : i32
      %dma_wait3A_734 = tpu.memref_slice %arg4[%dma_wait3A_732, %dma_wait3A_733] : memref<10000x64xf32, #tpu.memory_space<hbm>> -> memref<10000x64xf32, #tpu.memory_space<hbm>>
      tpu.wait_indirect_dma semaphore(%arg16 : memref<!tpu.dma_semaphore, #tpu.memory_space<semaphore_mem>>) src(%dma_wait3A_734 : memref<10000x64xf32, #tpu.memory_space<hbm>>) dst(%dma_wait3A_728 : memref<125x64xf32, #tpu.memory_space<vmem>>)
      %dma_start3A_735 = arith.constant 6 : i32
      %dma_start3A_736 = arith.constant 0 : i32
      %dma_start3A_737 = arith.constant 0 : i32
      %dma_start3A_738 = tpu.memref_slice %arg8[%dma_start3A_735, %dma_start3A_736, %dma_start3A_737] : memref<8x125x64xf32, #tpu.memory_space<vmem>> -> memref<1x125x64xf32, #tpu.memory_space<vmem>>
      %dma_start3A_739 = tpu.memref_squeeze %dma_start3A_738 : memref<1x125x64xf32, #tpu.memory_space<vmem>> -> memref<125x64xf32, #tpu.memory_space<vmem>>
      %dma_start3A_740 = arith.constant 0 : i32
      %dma_start3A_741 = tpu.memref_slice %arg7[%add3A_723, %dma_start3A_740] : memref<80x125xi32, #tpu.memory_space<vmem>> -> memref<1x125xi32, #tpu.memory_space<vmem>>
      %dma_start3A_742 = tpu.memref_squeeze %dma_start3A_741 : memref<1x125xi32, #tpu.memory_space<vmem>> -> memref<125xi32, #tpu.memory_space<vmem>>
      %dma_start3A_743 = arith.constant 0 : i32
      %dma_start3A_744 = arith.constant 0 : i32
      %dma_start3A_745 = tpu.memref_slice %arg9[%dma_start3A_743, %dma_start3A_744] : memref<10240x64xf32, #tpu.memory_space<vmem_shared>> -> memref<10240x64xf32, #tpu.memory_space<vmem_shared>>
      tpu.enqueue_indirect_dma source(%dma_start3A_739 : memref<125x64xf32, #tpu.memory_space<vmem>>) target(%dma_start3A_745 : memref<10240x64xf32, #tpu.memory_space<vmem_shared>>) offsets(%dma_start3A_742 : memref<125xi32, #tpu.memory_space<vmem>>) semaphore(%arg24 : memref<!tpu.dma_semaphore, #tpu.memory_space<semaphore_mem>>) {add = true}
      %dma_wait3A_746 = arith.constant 6 : i32
      %dma_wait3A_747 = arith.constant 0 : i32
      %dma_wait3A_748 = arith.constant 0 : i32
      %dma_wait3A_749 = tpu.memref_slice %arg8[%dma_wait3A_746, %dma_wait3A_747, %dma_wait3A_748] : memref<8x125x64xf32, #tpu.memory_space<vmem>> -> memref<1x125x64xf32, #tpu.memory_space<vmem>>
      %dma_wait3A_750 = tpu.memref_squeeze %dma_wait3A_749 : memref<1x125x64xf32, #tpu.memory_space<vmem>> -> memref<125x64xf32, #tpu.memory_space<vmem>>
      %dma_wait3A_751 = arith.constant 0 : i32
      %dma_wait3A_752 = tpu.memref_slice %arg7[%add3A_723, %dma_wait3A_751] : memref<80x125xi32, #tpu.memory_space<vmem>> -> memref<1x125xi32, #tpu.memory_space<vmem>>
      %dma_wait3A_753 = tpu.memref_squeeze %dma_wait3A_752 : memref<1x125xi32, #tpu.memory_space<vmem>> -> memref<125xi32, #tpu.memory_space<vmem>>
      %dma_wait3A_754 = arith.constant 0 : i32
      %dma_wait3A_755 = arith.constant 0 : i32
      %dma_wait3A_756 = tpu.memref_slice %arg9[%dma_wait3A_754, %dma_wait3A_755] : memref<10240x64xf32, #tpu.memory_space<vmem_shared>> -> memref<10240x64xf32, #tpu.memory_space<vmem_shared>>
      tpu.wait_indirect_dma semaphore(%arg24 : memref<!tpu.dma_semaphore, #tpu.memory_space<semaphore_mem>>) src(%dma_wait3A_750 : memref<125x64xf32, #tpu.memory_space<vmem>>) dst(%dma_wait3A_756 : memref<10240x64xf32, #tpu.memory_space<vmem_shared>>)
      %add3A_757 = arith.constant 8 : i32
      %add3A_758 = arith.addi %add3A_723, %add3A_757 : i32
      %dma_start3A_759 = arith.constant 6 : i32
      %dma_start3A_760 = arith.constant 0 : i32
      %dma_start3A_761 = arith.constant 0 : i32
      %dma_start3A_762 = tpu.memref_slice %arg8[%dma_start3A_759, %dma_start3A_760, %dma_start3A_761] : memref<8x125x64xf32, #tpu.memory_space<vmem>> -> memref<1x125x64xf32, #tpu.memory_space<vmem>>
      %dma_start3A_763 = tpu.memref_squeeze %dma_start3A_762 : memref<1x125x64xf32, #tpu.memory_space<vmem>> -> memref<125x64xf32, #tpu.memory_space<vmem>>
      %dma_start3A_764 = arith.constant 0 : i32
      %dma_start3A_765 = tpu.memref_slice %arg6[%add3A_758, %dma_start3A_764] : memref<80x125xi32, #tpu.memory_space<vmem>> -> memref<1x125xi32, #tpu.memory_space<vmem>>
      %dma_start3A_766 = tpu.memref_squeeze %dma_start3A_765 : memref<1x125xi32, #tpu.memory_space<vmem>> -> memref<125xi32, #tpu.memory_space<vmem>>
      %dma_start3A_767 = arith.constant 0 : i32
      %dma_start3A_768 = arith.constant 0 : i32
      %dma_start3A_769 = tpu.memref_slice %arg4[%dma_start3A_767, %dma_start3A_768] : memref<10000x64xf32, #tpu.memory_space<hbm>> -> memref<10000x64xf32, #tpu.memory_space<hbm>>
      tpu.enqueue_indirect_dma source(%dma_start3A_769 : memref<10000x64xf32, #tpu.memory_space<hbm>>) target(%dma_start3A_763 : memref<125x64xf32, #tpu.memory_space<vmem>>) offsets(%dma_start3A_766 : memref<125xi32, #tpu.memory_space<vmem>>) semaphore(%arg16 : memref<!tpu.dma_semaphore, #tpu.memory_space<semaphore_mem>>)
      %add3A_770 = arith.constant 7 : i32
      %add3A_771 = arith.addi %mul3A_433, %add3A_770 : i32
      %dma_wait3A_772 = arith.constant 7 : i32
      %dma_wait3A_773 = arith.constant 0 : i32
      %dma_wait3A_774 = arith.constant 0 : i32
      %dma_wait3A_775 = tpu.memref_slice %arg8[%dma_wait3A_772, %dma_wait3A_773, %dma_wait3A_774] : memref<8x125x64xf32, #tpu.memory_space<vmem>> -> memref<1x125x64xf32, #tpu.memory_space<vmem>>
      %dma_wait3A_776 = tpu.memref_squeeze %dma_wait3A_775 : memref<1x125x64xf32, #tpu.memory_space<vmem>> -> memref<125x64xf32, #tpu.memory_space<vmem>>
      %dma_wait3A_777 = arith.constant 0 : i32
      %dma_wait3A_778 = tpu.memref_slice %arg6[%add3A_771, %dma_wait3A_777] : memref<80x125xi32, #tpu.memory_space<vmem>> -> memref<1x125xi32, #tpu.memory_space<vmem>>
      %dma_wait3A_779 = tpu.memref_squeeze %dma_wait3A_778 : memref<1x125xi32, #tpu.memory_space<vmem>> -> memref<125xi32, #tpu.memory_space<vmem>>
      %dma_wait3A_780 = arith.constant 0 : i32
      %dma_wait3A_781 = arith.constant 0 : i32
      %dma_wait3A_782 = tpu.memref_slice %arg4[%dma_wait3A_780, %dma_wait3A_781] : memref<10000x64xf32, #tpu.memory_space<hbm>> -> memref<10000x64xf32, #tpu.memory_space<hbm>>
      tpu.wait_indirect_dma semaphore(%arg17 : memref<!tpu.dma_semaphore, #tpu.memory_space<semaphore_mem>>) src(%dma_wait3A_782 : memref<10000x64xf32, #tpu.memory_space<hbm>>) dst(%dma_wait3A_776 : memref<125x64xf32, #tpu.memory_space<vmem>>)
      %dma_start3A_783 = arith.constant 7 : i32
      %dma_start3A_784 = arith.constant 0 : i32
      %dma_start3A_785 = arith.constant 0 : i32
      %dma_start3A_786 = tpu.memref_slice %arg8[%dma_start3A_783, %dma_start3A_784, %dma_start3A_785] : memref<8x125x64xf32, #tpu.memory_space<vmem>> -> memref<1x125x64xf32, #tpu.memory_space<vmem>>
      %dma_start3A_787 = tpu.memref_squeeze %dma_start3A_786 : memref<1x125x64xf32, #tpu.memory_space<vmem>> -> memref<125x64xf32, #tpu.memory_space<vmem>>
      %dma_start3A_788 = arith.constant 0 : i32
      %dma_start3A_789 = tpu.memref_slice %arg7[%add3A_771, %dma_start3A_788] : memref<80x125xi32, #tpu.memory_space<vmem>> -> memref<1x125xi32, #tpu.memory_space<vmem>>
      %dma_start3A_790 = tpu.memref_squeeze %dma_start3A_789 : memref<1x125xi32, #tpu.memory_space<vmem>> -> memref<125xi32, #tpu.memory_space<vmem>>
      %dma_start3A_791 = arith.constant 0 : i32
      %dma_start3A_792 = arith.constant 0 : i32
      %dma_start3A_793 = tpu.memref_slice %arg9[%dma_start3A_791, %dma_start3A_792] : memref<10240x64xf32, #tpu.memory_space<vmem_shared>> -> memref<10240x64xf32, #tpu.memory_space<vmem_shared>>
      tpu.enqueue_indirect_dma source(%dma_start3A_787 : memref<125x64xf32, #tpu.memory_space<vmem>>) target(%dma_start3A_793 : memref<10240x64xf32, #tpu.memory_space<vmem_shared>>) offsets(%dma_start3A_790 : memref<125xi32, #tpu.memory_space<vmem>>) semaphore(%arg25 : memref<!tpu.dma_semaphore, #tpu.memory_space<semaphore_mem>>) {add = true}
      %dma_wait3A_794 = arith.constant 7 : i32
      %dma_wait3A_795 = arith.constant 0 : i32
      %dma_wait3A_796 = arith.constant 0 : i32
      %dma_wait3A_797 = tpu.memref_slice %arg8[%dma_wait3A_794, %dma_wait3A_795, %dma_wait3A_796] : memref<8x125x64xf32, #tpu.memory_space<vmem>> -> memref<1x125x64xf32, #tpu.memory_space<vmem>>
      %dma_wait3A_798 = tpu.memref_squeeze %dma_wait3A_797 : memref<1x125x64xf32, #tpu.memory_space<vmem>> -> memref<125x64xf32, #tpu.memory_space<vmem>>
      %dma_wait3A_799 = arith.constant 0 : i32
      %dma_wait3A_800 = tpu.memref_slice %arg7[%add3A_771, %dma_wait3A_799] : memref<80x125xi32, #tpu.memory_space<vmem>> -> memref<1x125xi32, #tpu.memory_space<vmem>>
      %dma_wait3A_801 = tpu.memref_squeeze %dma_wait3A_800 : memref<1x125xi32, #tpu.memory_space<vmem>> -> memref<125xi32, #tpu.memory_space<vmem>>
      %dma_wait3A_802 = arith.constant 0 : i32
      %dma_wait3A_803 = arith.constant 0 : i32
      %dma_wait3A_804 = tpu.memref_slice %arg9[%dma_wait3A_802, %dma_wait3A_803] : memref<10240x64xf32, #tpu.memory_space<vmem_shared>> -> memref<10240x64xf32, #tpu.memory_space<vmem_shared>>
      tpu.wait_indirect_dma semaphore(%arg25 : memref<!tpu.dma_semaphore, #tpu.memory_space<semaphore_mem>>) src(%dma_wait3A_798 : memref<125x64xf32, #tpu.memory_space<vmem>>) dst(%dma_wait3A_804 : memref<10240x64xf32, #tpu.memory_space<vmem_shared>>)
      %add3A_805 = arith.constant 8 : i32
      %add3A_806 = arith.addi %add3A_771, %add3A_805 : i32
      %dma_start3A_807 = arith.constant 7 : i32
      %dma_start3A_808 = arith.constant 0 : i32
      %dma_start3A_809 = arith.constant 0 : i32
      %dma_start3A_810 = tpu.memref_slice %arg8[%dma_start3A_807, %dma_start3A_808, %dma_start3A_809] : memref<8x125x64xf32, #tpu.memory_space<vmem>> -> memref<1x125x64xf32, #tpu.memory_space<vmem>>
      %dma_start3A_811 = tpu.memref_squeeze %dma_start3A_810 : memref<1x125x64xf32, #tpu.memory_space<vmem>> -> memref<125x64xf32, #tpu.memory_space<vmem>>
      %dma_start3A_812 = arith.constant 0 : i32
      %dma_start3A_813 = tpu.memref_slice %arg6[%add3A_806, %dma_start3A_812] : memref<80x125xi32, #tpu.memory_space<vmem>> -> memref<1x125xi32, #tpu.memory_space<vmem>>
      %dma_start3A_814 = tpu.memref_squeeze %dma_start3A_813 : memref<1x125xi32, #tpu.memory_space<vmem>> -> memref<125xi32, #tpu.memory_space<vmem>>
      %dma_start3A_815 = arith.constant 0 : i32
      %dma_start3A_816 = arith.constant 0 : i32
      %dma_start3A_817 = tpu.memref_slice %arg4[%dma_start3A_815, %dma_start3A_816] : memref<10000x64xf32, #tpu.memory_space<hbm>> -> memref<10000x64xf32, #tpu.memory_space<hbm>>
      tpu.enqueue_indirect_dma source(%dma_start3A_817 : memref<10000x64xf32, #tpu.memory_space<hbm>>) target(%dma_start3A_811 : memref<125x64xf32, #tpu.memory_space<vmem>>) offsets(%dma_start3A_814 : memref<125xi32, #tpu.memory_space<vmem>>) semaphore(%arg17 : memref<!tpu.dma_semaphore, #tpu.memory_space<semaphore_mem>>)
    }
    %scan3A_135 = arith.constant 9 : i32
    %dma_wait3A = arith.constant 72 : i32
    %dma_wait3A_136 = arith.constant 0 : i32
    %dma_wait3A_137 = arith.constant 0 : i32
    %dma_wait3A_138 = arith.constant 0 : i32
    %dma_wait3A_139 = tpu.memref_slice %arg8[%dma_wait3A_136, %dma_wait3A_137, %dma_wait3A_138] : memref<8x125x64xf32, #tpu.memory_space<vmem>> -> memref<1x125x64xf32, #tpu.memory_space<vmem>>
    %dma_wait3A_140 = tpu.memref_squeeze %dma_wait3A_139 : memref<1x125x64xf32, #tpu.memory_space<vmem>> -> memref<125x64xf32, #tpu.memory_space<vmem>>
    %dma_wait3A_141 = arith.constant 0 : i32
    %dma_wait3A_142 = tpu.memref_slice %arg6[%dma_wait3A, %dma_wait3A_141] : memref<80x125xi32, #tpu.memory_space<vmem>> -> memref<1x125xi32, #tpu.memory_space<vmem>>
    %dma_wait3A_143 = tpu.memref_squeeze %dma_wait3A_142 : memref<1x125xi32, #tpu.memory_space<vmem>> -> memref<125xi32, #tpu.memory_space<vmem>>
    %dma_wait3A_144 = arith.constant 0 : i32
    %dma_wait3A_145 = arith.constant 0 : i32
    %dma_wait3A_146 = tpu.memref_slice %arg4[%dma_wait3A_144, %dma_wait3A_145] : memref<10000x64xf32, #tpu.memory_space<hbm>> -> memref<10000x64xf32, #tpu.memory_space<hbm>>
    tpu.wait_indirect_dma semaphore(%arg10 : memref<!tpu.dma_semaphore, #tpu.memory_space<semaphore_mem>>) src(%dma_wait3A_146 : memref<10000x64xf32, #tpu.memory_space<hbm>>) dst(%dma_wait3A_140 : memref<125x64xf32, #tpu.memory_space<vmem>>)
    %dma_start3A_147 = arith.constant 0 : i32
    %dma_start3A_148 = arith.constant 72 : i32
    %dma_start3A_149 = arith.constant 0 : i32
    %dma_start3A_150 = arith.constant 0 : i32
    %dma_start3A_151 = tpu.memref_slice %arg8[%dma_start3A_147, %dma_start3A_149, %dma_start3A_150] : memref<8x125x64xf32, #tpu.memory_space<vmem>> -> memref<1x125x64xf32, #tpu.memory_space<vmem>>
    %dma_start3A_152 = tpu.memref_squeeze %dma_start3A_151 : memref<1x125x64xf32, #tpu.memory_space<vmem>> -> memref<125x64xf32, #tpu.memory_space<vmem>>
    %dma_start3A_153 = arith.constant 0 : i32
    %dma_start3A_154 = tpu.memref_slice %arg7[%dma_start3A_148, %dma_start3A_153] : memref<80x125xi32, #tpu.memory_space<vmem>> -> memref<1x125xi32, #tpu.memory_space<vmem>>
    %dma_start3A_155 = tpu.memref_squeeze %dma_start3A_154 : memref<1x125xi32, #tpu.memory_space<vmem>> -> memref<125xi32, #tpu.memory_space<vmem>>
    %dma_start3A_156 = arith.constant 0 : i32
    %dma_start3A_157 = arith.constant 0 : i32
    %dma_start3A_158 = tpu.memref_slice %arg9[%dma_start3A_156, %dma_start3A_157] : memref<10240x64xf32, #tpu.memory_space<vmem_shared>> -> memref<10240x64xf32, #tpu.memory_space<vmem_shared>>
    tpu.enqueue_indirect_dma source(%dma_start3A_152 : memref<125x64xf32, #tpu.memory_space<vmem>>) target(%dma_start3A_158 : memref<10240x64xf32, #tpu.memory_space<vmem_shared>>) offsets(%dma_start3A_155 : memref<125xi32, #tpu.memory_space<vmem>>) semaphore(%arg18 : memref<!tpu.dma_semaphore, #tpu.memory_space<semaphore_mem>>) {add = true}
    %dma_wait3A_159 = arith.constant 0 : i32
    %dma_wait3A_160 = arith.constant 72 : i32
    %dma_wait3A_161 = arith.constant 0 : i32
    %dma_wait3A_162 = arith.constant 0 : i32
    %dma_wait3A_163 = tpu.memref_slice %arg8[%dma_wait3A_159, %dma_wait3A_161, %dma_wait3A_162] : memref<8x125x64xf32, #tpu.memory_space<vmem>> -> memref<1x125x64xf32, #tpu.memory_space<vmem>>
    %dma_wait3A_164 = tpu.memref_squeeze %dma_wait3A_163 : memref<1x125x64xf32, #tpu.memory_space<vmem>> -> memref<125x64xf32, #tpu.memory_space<vmem>>
    %dma_wait3A_165 = arith.constant 0 : i32
    %dma_wait3A_166 = tpu.memref_slice %arg7[%dma_wait3A_160, %dma_wait3A_165] : memref<80x125xi32, #tpu.memory_space<vmem>> -> memref<1x125xi32, #tpu.memory_space<vmem>>
    %dma_wait3A_167 = tpu.memref_squeeze %dma_wait3A_166 : memref<1x125xi32, #tpu.memory_space<vmem>> -> memref<125xi32, #tpu.memory_space<vmem>>
    %dma_wait3A_168 = arith.constant 0 : i32
    %dma_wait3A_169 = arith.constant 0 : i32
    %dma_wait3A_170 = tpu.memref_slice %arg9[%dma_wait3A_168, %dma_wait3A_169] : memref<10240x64xf32, #tpu.memory_space<vmem_shared>> -> memref<10240x64xf32, #tpu.memory_space<vmem_shared>>
    tpu.wait_indirect_dma semaphore(%arg18 : memref<!tpu.dma_semaphore, #tpu.memory_space<semaphore_mem>>) src(%dma_wait3A_164 : memref<125x64xf32, #tpu.memory_space<vmem>>) dst(%dma_wait3A_170 : memref<10240x64xf32, #tpu.memory_space<vmem_shared>>)
    %dma_wait3A_171 = arith.constant 73 : i32
    %dma_wait3A_172 = arith.constant 1 : i32
    %dma_wait3A_173 = arith.constant 0 : i32
    %dma_wait3A_174 = arith.constant 0 : i32
    %dma_wait3A_175 = tpu.memref_slice %arg8[%dma_wait3A_172, %dma_wait3A_173, %dma_wait3A_174] : memref<8x125x64xf32, #tpu.memory_space<vmem>> -> memref<1x125x64xf32, #tpu.memory_space<vmem>>
    %dma_wait3A_176 = tpu.memref_squeeze %dma_wait3A_175 : memref<1x125x64xf32, #tpu.memory_space<vmem>> -> memref<125x64xf32, #tpu.memory_space<vmem>>
    %dma_wait3A_177 = arith.constant 0 : i32
    %dma_wait3A_178 = tpu.memref_slice %arg6[%dma_wait3A_171, %dma_wait3A_177] : memref<80x125xi32, #tpu.memory_space<vmem>> -> memref<1x125xi32, #tpu.memory_space<vmem>>
    %dma_wait3A_179 = tpu.memref_squeeze %dma_wait3A_178 : memref<1x125xi32, #tpu.memory_space<vmem>> -> memref<125xi32, #tpu.memory_space<vmem>>
    %dma_wait3A_180 = arith.constant 0 : i32
    %dma_wait3A_181 = arith.constant 0 : i32
    %dma_wait3A_182 = tpu.memref_slice %arg4[%dma_wait3A_180, %dma_wait3A_181] : memref<10000x64xf32, #tpu.memory_space<hbm>> -> memref<10000x64xf32, #tpu.memory_space<hbm>>
    tpu.wait_indirect_dma semaphore(%arg11 : memref<!tpu.dma_semaphore, #tpu.memory_space<semaphore_mem>>) src(%dma_wait3A_182 : memref<10000x64xf32, #tpu.memory_space<hbm>>) dst(%dma_wait3A_176 : memref<125x64xf32, #tpu.memory_space<vmem>>)
    %dma_start3A_183 = arith.constant 1 : i32
    %dma_start3A_184 = arith.constant 73 : i32
    %dma_start3A_185 = arith.constant 0 : i32
    %dma_start3A_186 = arith.constant 0 : i32
    %dma_start3A_187 = tpu.memref_slice %arg8[%dma_start3A_183, %dma_start3A_185, %dma_start3A_186] : memref<8x125x64xf32, #tpu.memory_space<vmem>> -> memref<1x125x64xf32, #tpu.memory_space<vmem>>
    %dma_start3A_188 = tpu.memref_squeeze %dma_start3A_187 : memref<1x125x64xf32, #tpu.memory_space<vmem>> -> memref<125x64xf32, #tpu.memory_space<vmem>>
    %dma_start3A_189 = arith.constant 0 : i32
    %dma_start3A_190 = tpu.memref_slice %arg7[%dma_start3A_184, %dma_start3A_189] : memref<80x125xi32, #tpu.memory_space<vmem>> -> memref<1x125xi32, #tpu.memory_space<vmem>>
    %dma_start3A_191 = tpu.memref_squeeze %dma_start3A_190 : memref<1x125xi32, #tpu.memory_space<vmem>> -> memref<125xi32, #tpu.memory_space<vmem>>
    %dma_start3A_192 = arith.constant 0 : i32
    %dma_start3A_193 = arith.constant 0 : i32
    %dma_start3A_194 = tpu.memref_slice %arg9[%dma_start3A_192, %dma_start3A_193] : memref<10240x64xf32, #tpu.memory_space<vmem_shared>> -> memref<10240x64xf32, #tpu.memory_space<vmem_shared>>
    tpu.enqueue_indirect_dma source(%dma_start3A_188 : memref<125x64xf32, #tpu.memory_space<vmem>>) target(%dma_start3A_194 : memref<10240x64xf32, #tpu.memory_space<vmem_shared>>) offsets(%dma_start3A_191 : memref<125xi32, #tpu.memory_space<vmem>>) semaphore(%arg19 : memref<!tpu.dma_semaphore, #tpu.memory_space<semaphore_mem>>) {add = true}
    %dma_wait3A_195 = arith.constant 1 : i32
    %dma_wait3A_196 = arith.constant 73 : i32
    %dma_wait3A_197 = arith.constant 0 : i32
    %dma_wait3A_198 = arith.constant 0 : i32
    %dma_wait3A_199 = tpu.memref_slice %arg8[%dma_wait3A_195, %dma_wait3A_197, %dma_wait3A_198] : memref<8x125x64xf32, #tpu.memory_space<vmem>> -> memref<1x125x64xf32, #tpu.memory_space<vmem>>
    %dma_wait3A_200 = tpu.memref_squeeze %dma_wait3A_199 : memref<1x125x64xf32, #tpu.memory_space<vmem>> -> memref<125x64xf32, #tpu.memory_space<vmem>>
    %dma_wait3A_201 = arith.constant 0 : i32
    %dma_wait3A_202 = tpu.memref_slice %arg7[%dma_wait3A_196, %dma_wait3A_201] : memref<80x125xi32, #tpu.memory_space<vmem>> -> memref<1x125xi32, #tpu.memory_space<vmem>>
    %dma_wait3A_203 = tpu.memref_squeeze %dma_wait3A_202 : memref<1x125xi32, #tpu.memory_space<vmem>> -> memref<125xi32, #tpu.memory_space<vmem>>
    %dma_wait3A_204 = arith.constant 0 : i32
    %dma_wait3A_205 = arith.constant 0 : i32
    %dma_wait3A_206 = tpu.memref_slice %arg9[%dma_wait3A_204, %dma_wait3A_205] : memref<10240x64xf32, #tpu.memory_space<vmem_shared>> -> memref<10240x64xf32, #tpu.memory_space<vmem_shared>>
    tpu.wait_indirect_dma semaphore(%arg19 : memref<!tpu.dma_semaphore, #tpu.memory_space<semaphore_mem>>) src(%dma_wait3A_200 : memref<125x64xf32, #tpu.memory_space<vmem>>) dst(%dma_wait3A_206 : memref<10240x64xf32, #tpu.memory_space<vmem_shared>>)
    %dma_wait3A_207 = arith.constant 74 : i32
    %dma_wait3A_208 = arith.constant 2 : i32
    %dma_wait3A_209 = arith.constant 0 : i32
    %dma_wait3A_210 = arith.constant 0 : i32
    %dma_wait3A_211 = tpu.memref_slice %arg8[%dma_wait3A_208, %dma_wait3A_209, %dma_wait3A_210] : memref<8x125x64xf32, #tpu.memory_space<vmem>> -> memref<1x125x64xf32, #tpu.memory_space<vmem>>
    %dma_wait3A_212 = tpu.memref_squeeze %dma_wait3A_211 : memref<1x125x64xf32, #tpu.memory_space<vmem>> -> memref<125x64xf32, #tpu.memory_space<vmem>>
    %dma_wait3A_213 = arith.constant 0 : i32
    %dma_wait3A_214 = tpu.memref_slice %arg6[%dma_wait3A_207, %dma_wait3A_213] : memref<80x125xi32, #tpu.memory_space<vmem>> -> memref<1x125xi32, #tpu.memory_space<vmem>>
    %dma_wait3A_215 = tpu.memref_squeeze %dma_wait3A_214 : memref<1x125xi32, #tpu.memory_space<vmem>> -> memref<125xi32, #tpu.memory_space<vmem>>
    %dma_wait3A_216 = arith.constant 0 : i32
    %dma_wait3A_217 = arith.constant 0 : i32
    %dma_wait3A_218 = tpu.memref_slice %arg4[%dma_wait3A_216, %dma_wait3A_217] : memref<10000x64xf32, #tpu.memory_space<hbm>> -> memref<10000x64xf32, #tpu.memory_space<hbm>>
    tpu.wait_indirect_dma semaphore(%arg12 : memref<!tpu.dma_semaphore, #tpu.memory_space<semaphore_mem>>) src(%dma_wait3A_218 : memref<10000x64xf32, #tpu.memory_space<hbm>>) dst(%dma_wait3A_212 : memref<125x64xf32, #tpu.memory_space<vmem>>)
    %dma_start3A_219 = arith.constant 2 : i32
    %dma_start3A_220 = arith.constant 74 : i32
    %dma_start3A_221 = arith.constant 0 : i32
    %dma_start3A_222 = arith.constant 0 : i32
    %dma_start3A_223 = tpu.memref_slice %arg8[%dma_start3A_219, %dma_start3A_221, %dma_start3A_222] : memref<8x125x64xf32, #tpu.memory_space<vmem>> -> memref<1x125x64xf32, #tpu.memory_space<vmem>>
    %dma_start3A_224 = tpu.memref_squeeze %dma_start3A_223 : memref<1x125x64xf32, #tpu.memory_space<vmem>> -> memref<125x64xf32, #tpu.memory_space<vmem>>
    %dma_start3A_225 = arith.constant 0 : i32
    %dma_start3A_226 = tpu.memref_slice %arg7[%dma_start3A_220, %dma_start3A_225] : memref<80x125xi32, #tpu.memory_space<vmem>> -> memref<1x125xi32, #tpu.memory_space<vmem>>
    %dma_start3A_227 = tpu.memref_squeeze %dma_start3A_226 : memref<1x125xi32, #tpu.memory_space<vmem>> -> memref<125xi32, #tpu.memory_space<vmem>>
    %dma_start3A_228 = arith.constant 0 : i32
    %dma_start3A_229 = arith.constant 0 : i32
    %dma_start3A_230 = tpu.memref_slice %arg9[%dma_start3A_228, %dma_start3A_229] : memref<10240x64xf32, #tpu.memory_space<vmem_shared>> -> memref<10240x64xf32, #tpu.memory_space<vmem_shared>>
    tpu.enqueue_indirect_dma source(%dma_start3A_224 : memref<125x64xf32, #tpu.memory_space<vmem>>) target(%dma_start3A_230 : memref<10240x64xf32, #tpu.memory_space<vmem_shared>>) offsets(%dma_start3A_227 : memref<125xi32, #tpu.memory_space<vmem>>) semaphore(%arg20 : memref<!tpu.dma_semaphore, #tpu.memory_space<semaphore_mem>>) {add = true}
    %dma_wait3A_231 = arith.constant 2 : i32
    %dma_wait3A_232 = arith.constant 74 : i32
    %dma_wait3A_233 = arith.constant 0 : i32
    %dma_wait3A_234 = arith.constant 0 : i32
    %dma_wait3A_235 = tpu.memref_slice %arg8[%dma_wait3A_231, %dma_wait3A_233, %dma_wait3A_234] : memref<8x125x64xf32, #tpu.memory_space<vmem>> -> memref<1x125x64xf32, #tpu.memory_space<vmem>>
    %dma_wait3A_236 = tpu.memref_squeeze %dma_wait3A_235 : memref<1x125x64xf32, #tpu.memory_space<vmem>> -> memref<125x64xf32, #tpu.memory_space<vmem>>
    %dma_wait3A_237 = arith.constant 0 : i32
    %dma_wait3A_238 = tpu.memref_slice %arg7[%dma_wait3A_232, %dma_wait3A_237] : memref<80x125xi32, #tpu.memory_space<vmem>> -> memref<1x125xi32, #tpu.memory_space<vmem>>
    %dma_wait3A_239 = tpu.memref_squeeze %dma_wait3A_238 : memref<1x125xi32, #tpu.memory_space<vmem>> -> memref<125xi32, #tpu.memory_space<vmem>>
    %dma_wait3A_240 = arith.constant 0 : i32
    %dma_wait3A_241 = arith.constant 0 : i32
    %dma_wait3A_242 = tpu.memref_slice %arg9[%dma_wait3A_240, %dma_wait3A_241] : memref<10240x64xf32, #tpu.memory_space<vmem_shared>> -> memref<10240x64xf32, #tpu.memory_space<vmem_shared>>
    tpu.wait_indirect_dma semaphore(%arg20 : memref<!tpu.dma_semaphore, #tpu.memory_space<semaphore_mem>>) src(%dma_wait3A_236 : memref<125x64xf32, #tpu.memory_space<vmem>>) dst(%dma_wait3A_242 : memref<10240x64xf32, #tpu.memory_space<vmem_shared>>)
    %dma_wait3A_243 = arith.constant 75 : i32
    %dma_wait3A_244 = arith.constant 3 : i32
    %dma_wait3A_245 = arith.constant 0 : i32
    %dma_wait3A_246 = arith.constant 0 : i32
    %dma_wait3A_247 = tpu.memref_slice %arg8[%dma_wait3A_244, %dma_wait3A_245, %dma_wait3A_246] : memref<8x125x64xf32, #tpu.memory_space<vmem>> -> memref<1x125x64xf32, #tpu.memory_space<vmem>>
    %dma_wait3A_248 = tpu.memref_squeeze %dma_wait3A_247 : memref<1x125x64xf32, #tpu.memory_space<vmem>> -> memref<125x64xf32, #tpu.memory_space<vmem>>
    %dma_wait3A_249 = arith.constant 0 : i32
    %dma_wait3A_250 = tpu.memref_slice %arg6[%dma_wait3A_243, %dma_wait3A_249] : memref<80x125xi32, #tpu.memory_space<vmem>> -> memref<1x125xi32, #tpu.memory_space<vmem>>
    %dma_wait3A_251 = tpu.memref_squeeze %dma_wait3A_250 : memref<1x125xi32, #tpu.memory_space<vmem>> -> memref<125xi32, #tpu.memory_space<vmem>>
    %dma_wait3A_252 = arith.constant 0 : i32
    %dma_wait3A_253 = arith.constant 0 : i32
    %dma_wait3A_254 = tpu.memref_slice %arg4[%dma_wait3A_252, %dma_wait3A_253] : memref<10000x64xf32, #tpu.memory_space<hbm>> -> memref<10000x64xf32, #tpu.memory_space<hbm>>
    tpu.wait_indirect_dma semaphore(%arg13 : memref<!tpu.dma_semaphore, #tpu.memory_space<semaphore_mem>>) src(%dma_wait3A_254 : memref<10000x64xf32, #tpu.memory_space<hbm>>) dst(%dma_wait3A_248 : memref<125x64xf32, #tpu.memory_space<vmem>>)
    %dma_start3A_255 = arith.constant 3 : i32
    %dma_start3A_256 = arith.constant 75 : i32
    %dma_start3A_257 = arith.constant 0 : i32
    %dma_start3A_258 = arith.constant 0 : i32
    %dma_start3A_259 = tpu.memref_slice %arg8[%dma_start3A_255, %dma_start3A_257, %dma_start3A_258] : memref<8x125x64xf32, #tpu.memory_space<vmem>> -> memref<1x125x64xf32, #tpu.memory_space<vmem>>
    %dma_start3A_260 = tpu.memref_squeeze %dma_start3A_259 : memref<1x125x64xf32, #tpu.memory_space<vmem>> -> memref<125x64xf32, #tpu.memory_space<vmem>>
    %dma_start3A_261 = arith.constant 0 : i32
    %dma_start3A_262 = tpu.memref_slice %arg7[%dma_start3A_256, %dma_start3A_261] : memref<80x125xi32, #tpu.memory_space<vmem>> -> memref<1x125xi32, #tpu.memory_space<vmem>>
    %dma_start3A_263 = tpu.memref_squeeze %dma_start3A_262 : memref<1x125xi32, #tpu.memory_space<vmem>> -> memref<125xi32, #tpu.memory_space<vmem>>
    %dma_start3A_264 = arith.constant 0 : i32
    %dma_start3A_265 = arith.constant 0 : i32
    %dma_start3A_266 = tpu.memref_slice %arg9[%dma_start3A_264, %dma_start3A_265] : memref<10240x64xf32, #tpu.memory_space<vmem_shared>> -> memref<10240x64xf32, #tpu.memory_space<vmem_shared>>
    tpu.enqueue_indirect_dma source(%dma_start3A_260 : memref<125x64xf32, #tpu.memory_space<vmem>>) target(%dma_start3A_266 : memref<10240x64xf32, #tpu.memory_space<vmem_shared>>) offsets(%dma_start3A_263 : memref<125xi32, #tpu.memory_space<vmem>>) semaphore(%arg21 : memref<!tpu.dma_semaphore, #tpu.memory_space<semaphore_mem>>) {add = true}
    %dma_wait3A_267 = arith.constant 3 : i32
    %dma_wait3A_268 = arith.constant 75 : i32
    %dma_wait3A_269 = arith.constant 0 : i32
    %dma_wait3A_270 = arith.constant 0 : i32
    %dma_wait3A_271 = tpu.memref_slice %arg8[%dma_wait3A_267, %dma_wait3A_269, %dma_wait3A_270] : memref<8x125x64xf32, #tpu.memory_space<vmem>> -> memref<1x125x64xf32, #tpu.memory_space<vmem>>
    %dma_wait3A_272 = tpu.memref_squeeze %dma_wait3A_271 : memref<1x125x64xf32, #tpu.memory_space<vmem>> -> memref<125x64xf32, #tpu.memory_space<vmem>>
    %dma_wait3A_273 = arith.constant 0 : i32
    %dma_wait3A_274 = tpu.memref_slice %arg7[%dma_wait3A_268, %dma_wait3A_273] : memref<80x125xi32, #tpu.memory_space<vmem>> -> memref<1x125xi32, #tpu.memory_space<vmem>>
    %dma_wait3A_275 = tpu.memref_squeeze %dma_wait3A_274 : memref<1x125xi32, #tpu.memory_space<vmem>> -> memref<125xi32, #tpu.memory_space<vmem>>
    %dma_wait3A_276 = arith.constant 0 : i32
    %dma_wait3A_277 = arith.constant 0 : i32
    %dma_wait3A_278 = tpu.memref_slice %arg9[%dma_wait3A_276, %dma_wait3A_277] : memref<10240x64xf32, #tpu.memory_space<vmem_shared>> -> memref<10240x64xf32, #tpu.memory_space<vmem_shared>>
    tpu.wait_indirect_dma semaphore(%arg21 : memref<!tpu.dma_semaphore, #tpu.memory_space<semaphore_mem>>) src(%dma_wait3A_272 : memref<125x64xf32, #tpu.memory_space<vmem>>) dst(%dma_wait3A_278 : memref<10240x64xf32, #tpu.memory_space<vmem_shared>>)
    %dma_wait3A_279 = arith.constant 76 : i32
    %dma_wait3A_280 = arith.constant 4 : i32
    %dma_wait3A_281 = arith.constant 0 : i32
    %dma_wait3A_282 = arith.constant 0 : i32
    %dma_wait3A_283 = tpu.memref_slice %arg8[%dma_wait3A_280, %dma_wait3A_281, %dma_wait3A_282] : memref<8x125x64xf32, #tpu.memory_space<vmem>> -> memref<1x125x64xf32, #tpu.memory_space<vmem>>
    %dma_wait3A_284 = tpu.memref_squeeze %dma_wait3A_283 : memref<1x125x64xf32, #tpu.memory_space<vmem>> -> memref<125x64xf32, #tpu.memory_space<vmem>>
    %dma_wait3A_285 = arith.constant 0 : i32
    %dma_wait3A_286 = tpu.memref_slice %arg6[%dma_wait3A_279, %dma_wait3A_285] : memref<80x125xi32, #tpu.memory_space<vmem>> -> memref<1x125xi32, #tpu.memory_space<vmem>>
    %dma_wait3A_287 = tpu.memref_squeeze %dma_wait3A_286 : memref<1x125xi32, #tpu.memory_space<vmem>> -> memref<125xi32, #tpu.memory_space<vmem>>
    %dma_wait3A_288 = arith.constant 0 : i32
    %dma_wait3A_289 = arith.constant 0 : i32
    %dma_wait3A_290 = tpu.memref_slice %arg4[%dma_wait3A_288, %dma_wait3A_289] : memref<10000x64xf32, #tpu.memory_space<hbm>> -> memref<10000x64xf32, #tpu.memory_space<hbm>>
    tpu.wait_indirect_dma semaphore(%arg14 : memref<!tpu.dma_semaphore, #tpu.memory_space<semaphore_mem>>) src(%dma_wait3A_290 : memref<10000x64xf32, #tpu.memory_space<hbm>>) dst(%dma_wait3A_284 : memref<125x64xf32, #tpu.memory_space<vmem>>)
    %dma_start3A_291 = arith.constant 4 : i32
    %dma_start3A_292 = arith.constant 76 : i32
    %dma_start3A_293 = arith.constant 0 : i32
    %dma_start3A_294 = arith.constant 0 : i32
    %dma_start3A_295 = tpu.memref_slice %arg8[%dma_start3A_291, %dma_start3A_293, %dma_start3A_294] : memref<8x125x64xf32, #tpu.memory_space<vmem>> -> memref<1x125x64xf32, #tpu.memory_space<vmem>>
    %dma_start3A_296 = tpu.memref_squeeze %dma_start3A_295 : memref<1x125x64xf32, #tpu.memory_space<vmem>> -> memref<125x64xf32, #tpu.memory_space<vmem>>
    %dma_start3A_297 = arith.constant 0 : i32
    %dma_start3A_298 = tpu.memref_slice %arg7[%dma_start3A_292, %dma_start3A_297] : memref<80x125xi32, #tpu.memory_space<vmem>> -> memref<1x125xi32, #tpu.memory_space<vmem>>
    %dma_start3A_299 = tpu.memref_squeeze %dma_start3A_298 : memref<1x125xi32, #tpu.memory_space<vmem>> -> memref<125xi32, #tpu.memory_space<vmem>>
    %dma_start3A_300 = arith.constant 0 : i32
    %dma_start3A_301 = arith.constant 0 : i32
    %dma_start3A_302 = tpu.memref_slice %arg9[%dma_start3A_300, %dma_start3A_301] : memref<10240x64xf32, #tpu.memory_space<vmem_shared>> -> memref<10240x64xf32, #tpu.memory_space<vmem_shared>>
    tpu.enqueue_indirect_dma source(%dma_start3A_296 : memref<125x64xf32, #tpu.memory_space<vmem>>) target(%dma_start3A_302 : memref<10240x64xf32, #tpu.memory_space<vmem_shared>>) offsets(%dma_start3A_299 : memref<125xi32, #tpu.memory_space<vmem>>) semaphore(%arg22 : memref<!tpu.dma_semaphore, #tpu.memory_space<semaphore_mem>>) {add = true}
    %dma_wait3A_303 = arith.constant 4 : i32
    %dma_wait3A_304 = arith.constant 76 : i32
    %dma_wait3A_305 = arith.constant 0 : i32
    %dma_wait3A_306 = arith.constant 0 : i32
    %dma_wait3A_307 = tpu.memref_slice %arg8[%dma_wait3A_303, %dma_wait3A_305, %dma_wait3A_306] : memref<8x125x64xf32, #tpu.memory_space<vmem>> -> memref<1x125x64xf32, #tpu.memory_space<vmem>>
    %dma_wait3A_308 = tpu.memref_squeeze %dma_wait3A_307 : memref<1x125x64xf32, #tpu.memory_space<vmem>> -> memref<125x64xf32, #tpu.memory_space<vmem>>
    %dma_wait3A_309 = arith.constant 0 : i32
    %dma_wait3A_310 = tpu.memref_slice %arg7[%dma_wait3A_304, %dma_wait3A_309] : memref<80x125xi32, #tpu.memory_space<vmem>> -> memref<1x125xi32, #tpu.memory_space<vmem>>
    %dma_wait3A_311 = tpu.memref_squeeze %dma_wait3A_310 : memref<1x125xi32, #tpu.memory_space<vmem>> -> memref<125xi32, #tpu.memory_space<vmem>>
    %dma_wait3A_312 = arith.constant 0 : i32
    %dma_wait3A_313 = arith.constant 0 : i32
    %dma_wait3A_314 = tpu.memref_slice %arg9[%dma_wait3A_312, %dma_wait3A_313] : memref<10240x64xf32, #tpu.memory_space<vmem_shared>> -> memref<10240x64xf32, #tpu.memory_space<vmem_shared>>
    tpu.wait_indirect_dma semaphore(%arg22 : memref<!tpu.dma_semaphore, #tpu.memory_space<semaphore_mem>>) src(%dma_wait3A_308 : memref<125x64xf32, #tpu.memory_space<vmem>>) dst(%dma_wait3A_314 : memref<10240x64xf32, #tpu.memory_space<vmem_shared>>)
    %dma_wait3A_315 = arith.constant 77 : i32
    %dma_wait3A_316 = arith.constant 5 : i32
    %dma_wait3A_317 = arith.constant 0 : i32
    %dma_wait3A_318 = arith.constant 0 : i32
    %dma_wait3A_319 = tpu.memref_slice %arg8[%dma_wait3A_316, %dma_wait3A_317, %dma_wait3A_318] : memref<8x125x64xf32, #tpu.memory_space<vmem>> -> memref<1x125x64xf32, #tpu.memory_space<vmem>>
    %dma_wait3A_320 = tpu.memref_squeeze %dma_wait3A_319 : memref<1x125x64xf32, #tpu.memory_space<vmem>> -> memref<125x64xf32, #tpu.memory_space<vmem>>
    %dma_wait3A_321 = arith.constant 0 : i32
    %dma_wait3A_322 = tpu.memref_slice %arg6[%dma_wait3A_315, %dma_wait3A_321] : memref<80x125xi32, #tpu.memory_space<vmem>> -> memref<1x125xi32, #tpu.memory_space<vmem>>
    %dma_wait3A_323 = tpu.memref_squeeze %dma_wait3A_322 : memref<1x125xi32, #tpu.memory_space<vmem>> -> memref<125xi32, #tpu.memory_space<vmem>>
    %dma_wait3A_324 = arith.constant 0 : i32
    %dma_wait3A_325 = arith.constant 0 : i32
    %dma_wait3A_326 = tpu.memref_slice %arg4[%dma_wait3A_324, %dma_wait3A_325] : memref<10000x64xf32, #tpu.memory_space<hbm>> -> memref<10000x64xf32, #tpu.memory_space<hbm>>
    tpu.wait_indirect_dma semaphore(%arg15 : memref<!tpu.dma_semaphore, #tpu.memory_space<semaphore_mem>>) src(%dma_wait3A_326 : memref<10000x64xf32, #tpu.memory_space<hbm>>) dst(%dma_wait3A_320 : memref<125x64xf32, #tpu.memory_space<vmem>>)
    %dma_start3A_327 = arith.constant 5 : i32
    %dma_start3A_328 = arith.constant 77 : i32
    %dma_start3A_329 = arith.constant 0 : i32
    %dma_start3A_330 = arith.constant 0 : i32
    %dma_start3A_331 = tpu.memref_slice %arg8[%dma_start3A_327, %dma_start3A_329, %dma_start3A_330] : memref<8x125x64xf32, #tpu.memory_space<vmem>> -> memref<1x125x64xf32, #tpu.memory_space<vmem>>
    %dma_start3A_332 = tpu.memref_squeeze %dma_start3A_331 : memref<1x125x64xf32, #tpu.memory_space<vmem>> -> memref<125x64xf32, #tpu.memory_space<vmem>>
    %dma_start3A_333 = arith.constant 0 : i32
    %dma_start3A_334 = tpu.memref_slice %arg7[%dma_start3A_328, %dma_start3A_333] : memref<80x125xi32, #tpu.memory_space<vmem>> -> memref<1x125xi32, #tpu.memory_space<vmem>>
    %dma_start3A_335 = tpu.memref_squeeze %dma_start3A_334 : memref<1x125xi32, #tpu.memory_space<vmem>> -> memref<125xi32, #tpu.memory_space<vmem>>
    %dma_start3A_336 = arith.constant 0 : i32
    %dma_start3A_337 = arith.constant 0 : i32
    %dma_start3A_338 = tpu.memref_slice %arg9[%dma_start3A_336, %dma_start3A_337] : memref<10240x64xf32, #tpu.memory_space<vmem_shared>> -> memref<10240x64xf32, #tpu.memory_space<vmem_shared>>
    tpu.enqueue_indirect_dma source(%dma_start3A_332 : memref<125x64xf32, #tpu.memory_space<vmem>>) target(%dma_start3A_338 : memref<10240x64xf32, #tpu.memory_space<vmem_shared>>) offsets(%dma_start3A_335 : memref<125xi32, #tpu.memory_space<vmem>>) semaphore(%arg23 : memref<!tpu.dma_semaphore, #tpu.memory_space<semaphore_mem>>) {add = true}
    %dma_wait3A_339 = arith.constant 5 : i32
    %dma_wait3A_340 = arith.constant 77 : i32
    %dma_wait3A_341 = arith.constant 0 : i32
    %dma_wait3A_342 = arith.constant 0 : i32
    %dma_wait3A_343 = tpu.memref_slice %arg8[%dma_wait3A_339, %dma_wait3A_341, %dma_wait3A_342] : memref<8x125x64xf32, #tpu.memory_space<vmem>> -> memref<1x125x64xf32, #tpu.memory_space<vmem>>
    %dma_wait3A_344 = tpu.memref_squeeze %dma_wait3A_343 : memref<1x125x64xf32, #tpu.memory_space<vmem>> -> memref<125x64xf32, #tpu.memory_space<vmem>>
    %dma_wait3A_345 = arith.constant 0 : i32
    %dma_wait3A_346 = tpu.memref_slice %arg7[%dma_wait3A_340, %dma_wait3A_345] : memref<80x125xi32, #tpu.memory_space<vmem>> -> memref<1x125xi32, #tpu.memory_space<vmem>>
    %dma_wait3A_347 = tpu.memref_squeeze %dma_wait3A_346 : memref<1x125xi32, #tpu.memory_space<vmem>> -> memref<125xi32, #tpu.memory_space<vmem>>
    %dma_wait3A_348 = arith.constant 0 : i32
    %dma_wait3A_349 = arith.constant 0 : i32
    %dma_wait3A_350 = tpu.memref_slice %arg9[%dma_wait3A_348, %dma_wait3A_349] : memref<10240x64xf32, #tpu.memory_space<vmem_shared>> -> memref<10240x64xf32, #tpu.memory_space<vmem_shared>>
    tpu.wait_indirect_dma semaphore(%arg23 : memref<!tpu.dma_semaphore, #tpu.memory_space<semaphore_mem>>) src(%dma_wait3A_344 : memref<125x64xf32, #tpu.memory_space<vmem>>) dst(%dma_wait3A_350 : memref<10240x64xf32, #tpu.memory_space<vmem_shared>>)
    %dma_wait3A_351 = arith.constant 78 : i32
    %dma_wait3A_352 = arith.constant 6 : i32
    %dma_wait3A_353 = arith.constant 0 : i32
    %dma_wait3A_354 = arith.constant 0 : i32
    %dma_wait3A_355 = tpu.memref_slice %arg8[%dma_wait3A_352, %dma_wait3A_353, %dma_wait3A_354] : memref<8x125x64xf32, #tpu.memory_space<vmem>> -> memref<1x125x64xf32, #tpu.memory_space<vmem>>
    %dma_wait3A_356 = tpu.memref_squeeze %dma_wait3A_355 : memref<1x125x64xf32, #tpu.memory_space<vmem>> -> memref<125x64xf32, #tpu.memory_space<vmem>>
    %dma_wait3A_357 = arith.constant 0 : i32
    %dma_wait3A_358 = tpu.memref_slice %arg6[%dma_wait3A_351, %dma_wait3A_357] : memref<80x125xi32, #tpu.memory_space<vmem>> -> memref<1x125xi32, #tpu.memory_space<vmem>>
    %dma_wait3A_359 = tpu.memref_squeeze %dma_wait3A_358 : memref<1x125xi32, #tpu.memory_space<vmem>> -> memref<125xi32, #tpu.memory_space<vmem>>
    %dma_wait3A_360 = arith.constant 0 : i32
    %dma_wait3A_361 = arith.constant 0 : i32
    %dma_wait3A_362 = tpu.memref_slice %arg4[%dma_wait3A_360, %dma_wait3A_361] : memref<10000x64xf32, #tpu.memory_space<hbm>> -> memref<10000x64xf32, #tpu.memory_space<hbm>>
    tpu.wait_indirect_dma semaphore(%arg16 : memref<!tpu.dma_semaphore, #tpu.memory_space<semaphore_mem>>) src(%dma_wait3A_362 : memref<10000x64xf32, #tpu.memory_space<hbm>>) dst(%dma_wait3A_356 : memref<125x64xf32, #tpu.memory_space<vmem>>)
    %dma_start3A_363 = arith.constant 6 : i32
    %dma_start3A_364 = arith.constant 78 : i32
    %dma_start3A_365 = arith.constant 0 : i32
    %dma_start3A_366 = arith.constant 0 : i32
    %dma_start3A_367 = tpu.memref_slice %arg8[%dma_start3A_363, %dma_start3A_365, %dma_start3A_366] : memref<8x125x64xf32, #tpu.memory_space<vmem>> -> memref<1x125x64xf32, #tpu.memory_space<vmem>>
    %dma_start3A_368 = tpu.memref_squeeze %dma_start3A_367 : memref<1x125x64xf32, #tpu.memory_space<vmem>> -> memref<125x64xf32, #tpu.memory_space<vmem>>
    %dma_start3A_369 = arith.constant 0 : i32
    %dma_start3A_370 = tpu.memref_slice %arg7[%dma_start3A_364, %dma_start3A_369] : memref<80x125xi32, #tpu.memory_space<vmem>> -> memref<1x125xi32, #tpu.memory_space<vmem>>
    %dma_start3A_371 = tpu.memref_squeeze %dma_start3A_370 : memref<1x125xi32, #tpu.memory_space<vmem>> -> memref<125xi32, #tpu.memory_space<vmem>>
    %dma_start3A_372 = arith.constant 0 : i32
    %dma_start3A_373 = arith.constant 0 : i32
    %dma_start3A_374 = tpu.memref_slice %arg9[%dma_start3A_372, %dma_start3A_373] : memref<10240x64xf32, #tpu.memory_space<vmem_shared>> -> memref<10240x64xf32, #tpu.memory_space<vmem_shared>>
    tpu.enqueue_indirect_dma source(%dma_start3A_368 : memref<125x64xf32, #tpu.memory_space<vmem>>) target(%dma_start3A_374 : memref<10240x64xf32, #tpu.memory_space<vmem_shared>>) offsets(%dma_start3A_371 : memref<125xi32, #tpu.memory_space<vmem>>) semaphore(%arg24 : memref<!tpu.dma_semaphore, #tpu.memory_space<semaphore_mem>>) {add = true}
    %dma_wait3A_375 = arith.constant 6 : i32
    %dma_wait3A_376 = arith.constant 78 : i32
    %dma_wait3A_377 = arith.constant 0 : i32
    %dma_wait3A_378 = arith.constant 0 : i32
    %dma_wait3A_379 = tpu.memref_slice %arg8[%dma_wait3A_375, %dma_wait3A_377, %dma_wait3A_378] : memref<8x125x64xf32, #tpu.memory_space<vmem>> -> memref<1x125x64xf32, #tpu.memory_space<vmem>>
    %dma_wait3A_380 = tpu.memref_squeeze %dma_wait3A_379 : memref<1x125x64xf32, #tpu.memory_space<vmem>> -> memref<125x64xf32, #tpu.memory_space<vmem>>
    %dma_wait3A_381 = arith.constant 0 : i32
    %dma_wait3A_382 = tpu.memref_slice %arg7[%dma_wait3A_376, %dma_wait3A_381] : memref<80x125xi32, #tpu.memory_space<vmem>> -> memref<1x125xi32, #tpu.memory_space<vmem>>
    %dma_wait3A_383 = tpu.memref_squeeze %dma_wait3A_382 : memref<1x125xi32, #tpu.memory_space<vmem>> -> memref<125xi32, #tpu.memory_space<vmem>>
    %dma_wait3A_384 = arith.constant 0 : i32
    %dma_wait3A_385 = arith.constant 0 : i32
    %dma_wait3A_386 = tpu.memref_slice %arg9[%dma_wait3A_384, %dma_wait3A_385] : memref<10240x64xf32, #tpu.memory_space<vmem_shared>> -> memref<10240x64xf32, #tpu.memory_space<vmem_shared>>
    tpu.wait_indirect_dma semaphore(%arg24 : memref<!tpu.dma_semaphore, #tpu.memory_space<semaphore_mem>>) src(%dma_wait3A_380 : memref<125x64xf32, #tpu.memory_space<vmem>>) dst(%dma_wait3A_386 : memref<10240x64xf32, #tpu.memory_space<vmem_shared>>)
    %dma_wait3A_387 = arith.constant 79 : i32
    %dma_wait3A_388 = arith.constant 7 : i32
    %dma_wait3A_389 = arith.constant 0 : i32
    %dma_wait3A_390 = arith.constant 0 : i32
    %dma_wait3A_391 = tpu.memref_slice %arg8[%dma_wait3A_388, %dma_wait3A_389, %dma_wait3A_390] : memref<8x125x64xf32, #tpu.memory_space<vmem>> -> memref<1x125x64xf32, #tpu.memory_space<vmem>>
    %dma_wait3A_392 = tpu.memref_squeeze %dma_wait3A_391 : memref<1x125x64xf32, #tpu.memory_space<vmem>> -> memref<125x64xf32, #tpu.memory_space<vmem>>
    %dma_wait3A_393 = arith.constant 0 : i32
    %dma_wait3A_394 = tpu.memref_slice %arg6[%dma_wait3A_387, %dma_wait3A_393] : memref<80x125xi32, #tpu.memory_space<vmem>> -> memref<1x125xi32, #tpu.memory_space<vmem>>
    %dma_wait3A_395 = tpu.memref_squeeze %dma_wait3A_394 : memref<1x125xi32, #tpu.memory_space<vmem>> -> memref<125xi32, #tpu.memory_space<vmem>>
    %dma_wait3A_396 = arith.constant 0 : i32
    %dma_wait3A_397 = arith.constant 0 : i32
    %dma_wait3A_398 = tpu.memref_slice %arg4[%dma_wait3A_396, %dma_wait3A_397] : memref<10000x64xf32, #tpu.memory_space<hbm>> -> memref<10000x64xf32, #tpu.memory_space<hbm>>
    tpu.wait_indirect_dma semaphore(%arg17 : memref<!tpu.dma_semaphore, #tpu.memory_space<semaphore_mem>>) src(%dma_wait3A_398 : memref<10000x64xf32, #tpu.memory_space<hbm>>) dst(%dma_wait3A_392 : memref<125x64xf32, #tpu.memory_space<vmem>>)
    %dma_start3A_399 = arith.constant 7 : i32
    %dma_start3A_400 = arith.constant 79 : i32
    %dma_start3A_401 = arith.constant 0 : i32
    %dma_start3A_402 = arith.constant 0 : i32
    %dma_start3A_403 = tpu.memref_slice %arg8[%dma_start3A_399, %dma_start3A_401, %dma_start3A_402] : memref<8x125x64xf32, #tpu.memory_space<vmem>> -> memref<1x125x64xf32, #tpu.memory_space<vmem>>
    %dma_start3A_404 = tpu.memref_squeeze %dma_start3A_403 : memref<1x125x64xf32, #tpu.memory_space<vmem>> -> memref<125x64xf32, #tpu.memory_space<vmem>>
    %dma_start3A_405 = arith.constant 0 : i32
    %dma_start3A_406 = tpu.memref_slice %arg7[%dma_start3A_400, %dma_start3A_405] : memref<80x125xi32, #tpu.memory_space<vmem>> -> memref<1x125xi32, #tpu.memory_space<vmem>>
    %dma_start3A_407 = tpu.memref_squeeze %dma_start3A_406 : memref<1x125xi32, #tpu.memory_space<vmem>> -> memref<125xi32, #tpu.memory_space<vmem>>
    %dma_start3A_408 = arith.constant 0 : i32
    %dma_start3A_409 = arith.constant 0 : i32
    %dma_start3A_410 = tpu.memref_slice %arg9[%dma_start3A_408, %dma_start3A_409] : memref<10240x64xf32, #tpu.memory_space<vmem_shared>> -> memref<10240x64xf32, #tpu.memory_space<vmem_shared>>
    tpu.enqueue_indirect_dma source(%dma_start3A_404 : memref<125x64xf32, #tpu.memory_space<vmem>>) target(%dma_start3A_410 : memref<10240x64xf32, #tpu.memory_space<vmem_shared>>) offsets(%dma_start3A_407 : memref<125xi32, #tpu.memory_space<vmem>>) semaphore(%arg25 : memref<!tpu.dma_semaphore, #tpu.memory_space<semaphore_mem>>) {add = true}
    %dma_wait3A_411 = arith.constant 7 : i32
    %dma_wait3A_412 = arith.constant 79 : i32
    %dma_wait3A_413 = arith.constant 0 : i32
    %dma_wait3A_414 = arith.constant 0 : i32
    %dma_wait3A_415 = tpu.memref_slice %arg8[%dma_wait3A_411, %dma_wait3A_413, %dma_wait3A_414] : memref<8x125x64xf32, #tpu.memory_space<vmem>> -> memref<1x125x64xf32, #tpu.memory_space<vmem>>
    %dma_wait3A_416 = tpu.memref_squeeze %dma_wait3A_415 : memref<1x125x64xf32, #tpu.memory_space<vmem>> -> memref<125x64xf32, #tpu.memory_space<vmem>>
    %dma_wait3A_417 = arith.constant 0 : i32
    %dma_wait3A_418 = tpu.memref_slice %arg7[%dma_wait3A_412, %dma_wait3A_417] : memref<80x125xi32, #tpu.memory_space<vmem>> -> memref<1x125xi32, #tpu.memory_space<vmem>>
    %dma_wait3A_419 = tpu.memref_squeeze %dma_wait3A_418 : memref<1x125xi32, #tpu.memory_space<vmem>> -> memref<125xi32, #tpu.memory_space<vmem>>
    %dma_wait3A_420 = arith.constant 0 : i32
    %dma_wait3A_421 = arith.constant 0 : i32
    %dma_wait3A_422 = tpu.memref_slice %arg9[%dma_wait3A_420, %dma_wait3A_421] : memref<10240x64xf32, #tpu.memory_space<vmem_shared>> -> memref<10240x64xf32, #tpu.memory_space<vmem_shared>>
    tpu.wait_indirect_dma semaphore(%arg25 : memref<!tpu.dma_semaphore, #tpu.memory_space<semaphore_mem>>) src(%dma_wait3A_416 : memref<125x64xf32, #tpu.memory_space<vmem>>) dst(%dma_wait3A_422 : memref<10240x64xf32, #tpu.memory_space<vmem_shared>>)
    %barrier3A_423 = arith.constant 0 : index
    tpu.barrier barrier_id(%barrier3A_423)
    %mul3A_424 = arith.constant 640 : i32
    %mul3A_425 = arith.muli %arg1, %mul3A_424 : i32
    %mul3A_426 = arith.constant 10240 : i32
    %mul3A_427 = arith.muli %arg0, %mul3A_426 : i32
    %mul3A_428 = arith.constant 640 : i32
    %mul3A_429 = arith.muli %arg1, %mul3A_428 : i32
    %add3A_430 = arith.addi %mul3A_427, %mul3A_429 : i32
    "tpu.region"() ({
      %run_scoped3A_431 = tpu.sem_alloc : memref<!tpu.dma_semaphore, #tpu.memory_space<semaphore_mem>>
      %dma_start3A_432 = arith.constant 0 : i32
      %dma_start3A_433 = tpu.memref_slice %arg5[%add3A_430, %dma_start3A_432] : memref<20480x64xf32, #tpu.memory_space<hbm>> -> memref<640x64xf32, #tpu.memory_space<hbm>>
      %dma_start3A_434 = arith.constant 0 : i32
      %dma_start3A_435 = tpu.memref_slice %arg9[%mul3A_425, %dma_start3A_434] : memref<10240x64xf32, #tpu.memory_space<vmem_shared>> -> memref<640x64xf32, #tpu.memory_space<vmem_shared>>
      tpu.enqueue_dma source(%dma_start3A_435 : memref<640x64xf32, #tpu.memory_space<vmem_shared>>) target(%dma_start3A_433 : memref<640x64xf32, #tpu.memory_space<hbm>>) target_semaphore(%run_scoped3A_431 : memref<!tpu.dma_semaphore, #tpu.memory_space<semaphore_mem>>)
      %dma_wait3A_436 = arith.constant 0 : i32
      %dma_wait3A_437 = tpu.memref_slice %arg5[%add3A_430, %dma_wait3A_436] : memref<20480x64xf32, #tpu.memory_space<hbm>> -> memref<640x64xf32, #tpu.memory_space<hbm>>
      %dma_wait3A_438 = arith.constant 0 : i32
      %dma_wait3A_439 = tpu.memref_slice %arg9[%mul3A_425, %dma_wait3A_438] : memref<10240x64xf32, #tpu.memory_space<vmem_shared>> -> memref<640x64xf32, #tpu.memory_space<vmem_shared>>
      tpu.wait_dma2 semaphore(%run_scoped3A_431 : memref<!tpu.dma_semaphore, #tpu.memory_space<semaphore_mem>>) src(%dma_wait3A_439 : memref<640x64xf32, #tpu.memory_space<vmem_shared>>) dst(%dma_wait3A_437 : memref<640x64xf32, #tpu.memory_space<hbm>>)
      tpu.yield
    }) : () -> ()
    return
  }
}

#map = affine_map<(d0, d1) -> (0, 0, 0)>
#map1 = affine_map<(d0, d1) -> (0)>
module attributes {stable_mosaic.version = 14 : i64} {
  func.func @_sc_degree(%arg0: i32, %arg1: i32, %arg2: memref<32x80x125xi32, #tpu.memory_space<hbm>>, %arg3: memref<20480xf32, #tpu.memory_space<hbm>>, %arg4: memref<80x125xi32, #tpu.memory_space<vmem>>, %arg5: memref<640xf32, #tpu.memory_space<vmem>>, %arg6: memref<10240xf32, #tpu.memory_space<vmem_shared>>) attributes {dimension_semantics = [#tpu.dimension_semantics<core_parallel>, #tpu.dimension_semantics<subcore_parallel>], iteration_bounds = array<i64: 2, 16>, scalar_prefetch = 0 : i64, scratch_operands = 3 : i64, tpu.core_type = #tpu.core_type<sc_vector_subcore>, window_params = [{transform_indices = #map}, {transform_indices = #map1}]} {
    %mul3A = arith.constant 2 : i32
    %mul3A_0 = arith.muli %arg1, %mul3A : i32
    %add3A = arith.addi %mul3A_0, %arg0 : i32
    %scan3A = arith.constant 0 : i32
    %scan3A_1 = arith.constant 0 : i32
    %scan3A_2 = arith.constant 40 : i32
    %scan3A_3 = arith.addi %scan3A_1, %scan3A_2 : i32
    %scan3A_4 = arith.constant 1 : i32
    scf.for %scan3A_68 = %scan3A_1 to %scan3A_3 step %scan3A_4  : i32 {
      %broadcast_in_dim3A_69 = arith.constant 0.000000e+00 : f32
      %broadcast_in_dim3A_70 = vector.broadcast %broadcast_in_dim3A_69 : f32 to vector<16xf32>
      %mul3A_71 = arith.constant 16 : i32
      %mul3A_72 = arith.muli %scan3A_68, %mul3A_71 : i32
      %swap3A_73 = arith.index_cast %mul3A_72 : i32 to index
      %swap3A_74 = tpu.vector_load %arg5[%swap3A_73] {strides = array<i32>} : memref<640xf32, #tpu.memory_space<vmem>>, vector<16xf32>,
      %swap3A_75 = vector.shape_cast %swap3A_74 : vector<16xf32> to vector<16xf32>
      %swap3A_76 = vector.shape_cast %broadcast_in_dim3A_70 : vector<16xf32> to vector<16xf32>
      tpu.vector_store %arg5[%swap3A_73], %swap3A_76 {strides = array<i32>} : memref<640xf32, #tpu.memory_space<vmem>>, vector<16xf32>,
    }
    %scan3A_5 = arith.constant 40 : i32
    %mul3A_6 = arith.constant 640 : i32
    %mul3A_7 = arith.muli %arg1, %mul3A_6 : i32
    "tpu.region"() ({
      %run_scoped3A = tpu.sem_alloc : memref<!tpu.dma_semaphore, #tpu.memory_space<semaphore_mem>>
      %dma_start3A = tpu.memref_slice %arg6[%mul3A_7] : memref<10240xf32, #tpu.memory_space<vmem_shared>> -> memref<640xf32, #tpu.memory_space<vmem_shared>>
      %dma_start3A_68 = tpu.memref_slice %arg6[%mul3A_7] : memref<10240xf32, #tpu.memory_space<vmem_shared>> -> memref<640xf32, #tpu.memory_space<vmem_shared>>
      tpu.enqueue_dma source(%arg5 : memref<640xf32, #tpu.memory_space<vmem>>) target(%dma_start3A_68 : memref<640xf32, #tpu.memory_space<vmem_shared>>) target_semaphore(%run_scoped3A : memref<!tpu.dma_semaphore, #tpu.memory_space<semaphore_mem>>)
      %dma_wait3A = tpu.memref_slice %arg6[%mul3A_7] : memref<10240xf32, #tpu.memory_space<vmem_shared>> -> memref<640xf32, #tpu.memory_space<vmem_shared>>
      %dma_wait3A_69 = tpu.memref_slice %arg6[%mul3A_7] : memref<10240xf32, #tpu.memory_space<vmem_shared>> -> memref<640xf32, #tpu.memory_space<vmem_shared>>
      tpu.wait_dma2 semaphore(%run_scoped3A : memref<!tpu.dma_semaphore, #tpu.memory_space<semaphore_mem>>) src(%arg5 : memref<640xf32, #tpu.memory_space<vmem>>) dst(%dma_wait3A_69 : memref<640xf32, #tpu.memory_space<vmem_shared>>)
      tpu.yield
    }) : () -> ()
    "tpu.region"() ({
      %run_scoped3A = tpu.sem_alloc : memref<!tpu.dma_semaphore, #tpu.memory_space<semaphore_mem>>
      %dma_start3A = arith.constant 0 : i32
      %dma_start3A_68 = arith.constant 0 : i32
      %dma_start3A_69 = tpu.memref_slice %arg2[%add3A, %dma_start3A, %dma_start3A_68] : memref<32x80x125xi32, #tpu.memory_space<hbm>> -> memref<1x80x125xi32, #tpu.memory_space<hbm>>
      %dma_start3A_70 = tpu.memref_squeeze %dma_start3A_69 : memref<1x80x125xi32, #tpu.memory_space<hbm>> -> memref<80x125xi32, #tpu.memory_space<hbm>>
      %dma_start3A_71 = arith.constant 0 : i32
      %dma_start3A_72 = arith.constant 0 : i32
      %dma_start3A_73 = tpu.memref_slice %arg2[%add3A, %dma_start3A_71, %dma_start3A_72] : memref<32x80x125xi32, #tpu.memory_space<hbm>> -> memref<1x80x125xi32, #tpu.memory_space<hbm>>
      %dma_start3A_74 = tpu.memref_squeeze %dma_start3A_73 : memref<1x80x125xi32, #tpu.memory_space<hbm>> -> memref<80x125xi32, #tpu.memory_space<hbm>>
      tpu.enqueue_dma source(%dma_start3A_74 : memref<80x125xi32, #tpu.memory_space<hbm>>) target(%arg4 : memref<80x125xi32, #tpu.memory_space<vmem>>) target_semaphore(%run_scoped3A : memref<!tpu.dma_semaphore, #tpu.memory_space<semaphore_mem>>)
      %dma_wait3A = arith.constant 0 : i32
      %dma_wait3A_75 = arith.constant 0 : i32
      %dma_wait3A_76 = tpu.memref_slice %arg2[%add3A, %dma_wait3A, %dma_wait3A_75] : memref<32x80x125xi32, #tpu.memory_space<hbm>> -> memref<1x80x125xi32, #tpu.memory_space<hbm>>
      %dma_wait3A_77 = tpu.memref_squeeze %dma_wait3A_76 : memref<1x80x125xi32, #tpu.memory_space<hbm>> -> memref<80x125xi32, #tpu.memory_space<hbm>>
      %dma_wait3A_78 = arith.constant 0 : i32
      %dma_wait3A_79 = arith.constant 0 : i32
      %dma_wait3A_80 = tpu.memref_slice %arg2[%add3A, %dma_wait3A_78, %dma_wait3A_79] : memref<32x80x125xi32, #tpu.memory_space<hbm>> -> memref<1x80x125xi32, #tpu.memory_space<hbm>>
      %dma_wait3A_81 = tpu.memref_squeeze %dma_wait3A_80 : memref<1x80x125xi32, #tpu.memory_space<hbm>> -> memref<80x125xi32, #tpu.memory_space<hbm>>
      tpu.wait_dma2 semaphore(%run_scoped3A : memref<!tpu.dma_semaphore, #tpu.memory_space<semaphore_mem>>) src(%dma_wait3A_81 : memref<80x125xi32, #tpu.memory_space<hbm>>) dst(%arg4 : memref<80x125xi32, #tpu.memory_space<vmem>>)
      tpu.yield
    }) : () -> ()
    %broadcast_in_dim3A = arith.constant 1.000000e+00 : f32
    %broadcast_in_dim3A_8 = vector.broadcast %broadcast_in_dim3A : f32 to vector<16xf32>
    %swap3A = arith.constant 0 : index
    %swap3A_9 = tpu.vector_load %arg5[%swap3A] {strides = array<i32>} : memref<640xf32, #tpu.memory_space<vmem>>, vector<16xf32>,
    %swap3A_10 = vector.shape_cast %swap3A_9 : vector<16xf32> to vector<16xf32>
    %swap3A_11 = vector.shape_cast %broadcast_in_dim3A_8 : vector<16xf32> to vector<16xf32>
    tpu.vector_store %arg5[%swap3A], %swap3A_11 {strides = array<i32>} : memref<640xf32, #tpu.memory_space<vmem>>, vector<16xf32>,
    %broadcast_in_dim3A_12 = arith.constant 1.000000e+00 : f32
    %broadcast_in_dim3A_13 = vector.broadcast %broadcast_in_dim3A_12 : f32 to vector<16xf32>
    %swap3A_14 = arith.constant 16 : index
    %swap3A_15 = tpu.vector_load %arg5[%swap3A_14] {strides = array<i32>} : memref<640xf32, #tpu.memory_space<vmem>>, vector<16xf32>,
    %swap3A_16 = vector.shape_cast %swap3A_15 : vector<16xf32> to vector<16xf32>
    %swap3A_17 = vector.shape_cast %broadcast_in_dim3A_13 : vector<16xf32> to vector<16xf32>
    tpu.vector_store %arg5[%swap3A_14], %swap3A_17 {strides = array<i32>} : memref<640xf32, #tpu.memory_space<vmem>>, vector<16xf32>,
    %broadcast_in_dim3A_18 = arith.constant 1.000000e+00 : f32
    %broadcast_in_dim3A_19 = vector.broadcast %broadcast_in_dim3A_18 : f32 to vector<16xf32>
    %swap3A_20 = arith.constant 32 : index
    %swap3A_21 = tpu.vector_load %arg5[%swap3A_20] {strides = array<i32>} : memref<640xf32, #tpu.memory_space<vmem>>, vector<16xf32>,
    %swap3A_22 = vector.shape_cast %swap3A_21 : vector<16xf32> to vector<16xf32>
    %swap3A_23 = vector.shape_cast %broadcast_in_dim3A_19 : vector<16xf32> to vector<16xf32>
    tpu.vector_store %arg5[%swap3A_20], %swap3A_23 {strides = array<i32>} : memref<640xf32, #tpu.memory_space<vmem>>, vector<16xf32>,
    %broadcast_in_dim3A_24 = arith.constant 1.000000e+00 : f32
    %broadcast_in_dim3A_25 = vector.broadcast %broadcast_in_dim3A_24 : f32 to vector<16xf32>
    %swap3A_26 = arith.constant 48 : index
    %swap3A_27 = tpu.vector_load %arg5[%swap3A_26] {strides = array<i32>} : memref<640xf32, #tpu.memory_space<vmem>>, vector<16xf32>,
    %swap3A_28 = vector.shape_cast %swap3A_27 : vector<16xf32> to vector<16xf32>
    %swap3A_29 = vector.shape_cast %broadcast_in_dim3A_25 : vector<16xf32> to vector<16xf32>
    tpu.vector_store %arg5[%swap3A_26], %swap3A_29 {strides = array<i32>} : memref<640xf32, #tpu.memory_space<vmem>>, vector<16xf32>,
    %broadcast_in_dim3A_30 = arith.constant 1.000000e+00 : f32
    %broadcast_in_dim3A_31 = vector.broadcast %broadcast_in_dim3A_30 : f32 to vector<16xf32>
    %swap3A_32 = arith.constant 64 : index
    %swap3A_33 = tpu.vector_load %arg5[%swap3A_32] {strides = array<i32>} : memref<640xf32, #tpu.memory_space<vmem>>, vector<16xf32>,
    %swap3A_34 = vector.shape_cast %swap3A_33 : vector<16xf32> to vector<16xf32>
    %swap3A_35 = vector.shape_cast %broadcast_in_dim3A_31 : vector<16xf32> to vector<16xf32>
    tpu.vector_store %arg5[%swap3A_32], %swap3A_35 {strides = array<i32>} : memref<640xf32, #tpu.memory_space<vmem>>, vector<16xf32>,
    %broadcast_in_dim3A_36 = arith.constant 1.000000e+00 : f32
    %broadcast_in_dim3A_37 = vector.broadcast %broadcast_in_dim3A_36 : f32 to vector<16xf32>
    %swap3A_38 = arith.constant 80 : index
    %swap3A_39 = tpu.vector_load %arg5[%swap3A_38] {strides = array<i32>} : memref<640xf32, #tpu.memory_space<vmem>>, vector<16xf32>,
    %swap3A_40 = vector.shape_cast %swap3A_39 : vector<16xf32> to vector<16xf32>
    %swap3A_41 = vector.shape_cast %broadcast_in_dim3A_37 : vector<16xf32> to vector<16xf32>
    tpu.vector_store %arg5[%swap3A_38], %swap3A_41 {strides = array<i32>} : memref<640xf32, #tpu.memory_space<vmem>>, vector<16xf32>,
    %broadcast_in_dim3A_42 = arith.constant 1.000000e+00 : f32
    %broadcast_in_dim3A_43 = vector.broadcast %broadcast_in_dim3A_42 : f32 to vector<16xf32>
    %swap3A_44 = arith.constant 96 : index
    %swap3A_45 = tpu.vector_load %arg5[%swap3A_44] {strides = array<i32>} : memref<640xf32, #tpu.memory_space<vmem>>, vector<16xf32>,
    %swap3A_46 = vector.shape_cast %swap3A_45 : vector<16xf32> to vector<16xf32>
    %swap3A_47 = vector.shape_cast %broadcast_in_dim3A_43 : vector<16xf32> to vector<16xf32>
    tpu.vector_store %arg5[%swap3A_44], %swap3A_47 {strides = array<i32>} : memref<640xf32, #tpu.memory_space<vmem>>, vector<16xf32>,
    %broadcast_in_dim3A_48 = arith.constant 1.000000e+00 : f32
    %broadcast_in_dim3A_49 = vector.broadcast %broadcast_in_dim3A_48 : f32 to vector<16xf32>
    %swap3A_50 = arith.constant 112 : index
    %swap3A_51 = tpu.vector_load %arg5[%swap3A_50] {strides = array<i32>} : memref<640xf32, #tpu.memory_space<vmem>>, vector<16xf32>,
    %swap3A_52 = vector.shape_cast %swap3A_51 : vector<16xf32> to vector<16xf32>
    %swap3A_53 = vector.shape_cast %broadcast_in_dim3A_49 : vector<16xf32> to vector<16xf32>
    tpu.vector_store %arg5[%swap3A_50], %swap3A_53 {strides = array<i32>} : memref<640xf32, #tpu.memory_space<vmem>>, vector<16xf32>,
    %barrier3A = arith.constant 0 : index
    tpu.barrier barrier_id(%barrier3A)
    %scan3A_54 = arith.constant 0 : i32
    %scan3A_55 = arith.constant 0 : i32
    %scan3A_56 = arith.constant 80 : i32
    %scan3A_57 = arith.addi %scan3A_55, %scan3A_56 : i32
    %scan3A_58 = arith.constant 4 : i32
    scf.for %scan3A_68 = %scan3A_55 to %scan3A_57 step %scan3A_58  : i32 {
      "tpu.region"() ({
        %run_scoped3A = tpu.sem_alloc : memref<!tpu.dma_semaphore, #tpu.memory_space<semaphore_mem>>
        %dma_start3A = arith.constant 0 : i32
        %dma_start3A_75 = tpu.memref_slice %arg5[%dma_start3A] : memref<640xf32, #tpu.memory_space<vmem>> -> memref<125xf32, #tpu.memory_space<vmem>>
        %dma_start3A_76 = arith.constant 0 : i32
        %dma_start3A_77 = tpu.memref_slice %arg4[%scan3A_68, %dma_start3A_76] : memref<80x125xi32, #tpu.memory_space<vmem>> -> memref<1x125xi32, #tpu.memory_space<vmem>>
        %dma_start3A_78 = tpu.memref_squeeze %dma_start3A_77 : memref<1x125xi32, #tpu.memory_space<vmem>> -> memref<125xi32, #tpu.memory_space<vmem>>
        %dma_start3A_79 = arith.constant 0 : i32
        %dma_start3A_80 = tpu.memref_slice %arg6[%dma_start3A_79] : memref<10240xf32, #tpu.memory_space<vmem_shared>> -> memref<10240xf32, #tpu.memory_space<vmem_shared>>
        tpu.enqueue_indirect_dma source(%dma_start3A_75 : memref<125xf32, #tpu.memory_space<vmem>>) target(%dma_start3A_80 : memref<10240xf32, #tpu.memory_space<vmem_shared>>) offsets(%dma_start3A_78 : memref<125xi32, #tpu.memory_space<vmem>>) semaphore(%run_scoped3A : memref<!tpu.dma_semaphore, #tpu.memory_space<semaphore_mem>>) {add = true}
        %dma_wait3A = arith.constant 0 : i32
        %dma_wait3A_81 = tpu.memref_slice %arg5[%dma_wait3A] : memref<640xf32, #tpu.memory_space<vmem>> -> memref<125xf32, #tpu.memory_space<vmem>>
        %dma_wait3A_82 = arith.constant 0 : i32
        %dma_wait3A_83 = tpu.memref_slice %arg4[%scan3A_68, %dma_wait3A_82] : memref<80x125xi32, #tpu.memory_space<vmem>> -> memref<1x125xi32, #tpu.memory_space<vmem>>
        %dma_wait3A_84 = tpu.memref_squeeze %dma_wait3A_83 : memref<1x125xi32, #tpu.memory_space<vmem>> -> memref<125xi32, #tpu.memory_space<vmem>>
        %dma_wait3A_85 = arith.constant 0 : i32
        %dma_wait3A_86 = tpu.memref_slice %arg6[%dma_wait3A_85] : memref<10240xf32, #tpu.memory_space<vmem_shared>> -> memref<10240xf32, #tpu.memory_space<vmem_shared>>
        tpu.wait_indirect_dma semaphore(%run_scoped3A : memref<!tpu.dma_semaphore, #tpu.memory_space<semaphore_mem>>) src(%dma_wait3A_81 : memref<125xf32, #tpu.memory_space<vmem>>) dst(%dma_wait3A_86 : memref<10240xf32, #tpu.memory_space<vmem_shared>>)
        tpu.yield
      }) : () -> ()
      %scan3A_69 = arith.constant 1 : i32
      %scan3A_70 = arith.addi %scan3A_68, %scan3A_69 : i32
      "tpu.region"() ({
        %run_scoped3A = tpu.sem_alloc : memref<!tpu.dma_semaphore, #tpu.memory_space<semaphore_mem>>
        %dma_start3A = arith.constant 0 : i32
        %dma_start3A_75 = tpu.memref_slice %arg5[%dma_start3A] : memref<640xf32, #tpu.memory_space<vmem>> -> memref<125xf32, #tpu.memory_space<vmem>>
        %dma_start3A_76 = arith.constant 0 : i32
        %dma_start3A_77 = tpu.memref_slice %arg4[%scan3A_70, %dma_start3A_76] : memref<80x125xi32, #tpu.memory_space<vmem>> -> memref<1x125xi32, #tpu.memory_space<vmem>>
        %dma_start3A_78 = tpu.memref_squeeze %dma_start3A_77 : memref<1x125xi32, #tpu.memory_space<vmem>> -> memref<125xi32, #tpu.memory_space<vmem>>
        %dma_start3A_79 = arith.constant 0 : i32
        %dma_start3A_80 = tpu.memref_slice %arg6[%dma_start3A_79] : memref<10240xf32, #tpu.memory_space<vmem_shared>> -> memref<10240xf32, #tpu.memory_space<vmem_shared>>
        tpu.enqueue_indirect_dma source(%dma_start3A_75 : memref<125xf32, #tpu.memory_space<vmem>>) target(%dma_start3A_80 : memref<10240xf32, #tpu.memory_space<vmem_shared>>) offsets(%dma_start3A_78 : memref<125xi32, #tpu.memory_space<vmem>>) semaphore(%run_scoped3A : memref<!tpu.dma_semaphore, #tpu.memory_space<semaphore_mem>>) {add = true}
        %dma_wait3A = arith.constant 0 : i32
        %dma_wait3A_81 = tpu.memref_slice %arg5[%dma_wait3A] : memref<640xf32, #tpu.memory_space<vmem>> -> memref<125xf32, #tpu.memory_space<vmem>>
        %dma_wait3A_82 = arith.constant 0 : i32
        %dma_wait3A_83 = tpu.memref_slice %arg4[%scan3A_70, %dma_wait3A_82] : memref<80x125xi32, #tpu.memory_space<vmem>> -> memref<1x125xi32, #tpu.memory_space<vmem>>
        %dma_wait3A_84 = tpu.memref_squeeze %dma_wait3A_83 : memref<1x125xi32, #tpu.memory_space<vmem>> -> memref<125xi32, #tpu.memory_space<vmem>>
        %dma_wait3A_85 = arith.constant 0 : i32
        %dma_wait3A_86 = tpu.memref_slice %arg6[%dma_wait3A_85] : memref<10240xf32, #tpu.memory_space<vmem_shared>> -> memref<10240xf32, #tpu.memory_space<vmem_shared>>
        tpu.wait_indirect_dma semaphore(%run_scoped3A : memref<!tpu.dma_semaphore, #tpu.memory_space<semaphore_mem>>) src(%dma_wait3A_81 : memref<125xf32, #tpu.memory_space<vmem>>) dst(%dma_wait3A_86 : memref<10240xf32, #tpu.memory_space<vmem_shared>>)
        tpu.yield
      }) : () -> ()
      %scan3A_71 = arith.constant 2 : i32
      %scan3A_72 = arith.addi %scan3A_68, %scan3A_71 : i32
      "tpu.region"() ({
        %run_scoped3A = tpu.sem_alloc : memref<!tpu.dma_semaphore, #tpu.memory_space<semaphore_mem>>
        %dma_start3A = arith.constant 0 : i32
        %dma_start3A_75 = tpu.memref_slice %arg5[%dma_start3A] : memref<640xf32, #tpu.memory_space<vmem>> -> memref<125xf32, #tpu.memory_space<vmem>>
        %dma_start3A_76 = arith.constant 0 : i32
        %dma_start3A_77 = tpu.memref_slice %arg4[%scan3A_72, %dma_start3A_76] : memref<80x125xi32, #tpu.memory_space<vmem>> -> memref<1x125xi32, #tpu.memory_space<vmem>>
        %dma_start3A_78 = tpu.memref_squeeze %dma_start3A_77 : memref<1x125xi32, #tpu.memory_space<vmem>> -> memref<125xi32, #tpu.memory_space<vmem>>
        %dma_start3A_79 = arith.constant 0 : i32
        %dma_start3A_80 = tpu.memref_slice %arg6[%dma_start3A_79] : memref<10240xf32, #tpu.memory_space<vmem_shared>> -> memref<10240xf32, #tpu.memory_space<vmem_shared>>
        tpu.enqueue_indirect_dma source(%dma_start3A_75 : memref<125xf32, #tpu.memory_space<vmem>>) target(%dma_start3A_80 : memref<10240xf32, #tpu.memory_space<vmem_shared>>) offsets(%dma_start3A_78 : memref<125xi32, #tpu.memory_space<vmem>>) semaphore(%run_scoped3A : memref<!tpu.dma_semaphore, #tpu.memory_space<semaphore_mem>>) {add = true}
        %dma_wait3A = arith.constant 0 : i32
        %dma_wait3A_81 = tpu.memref_slice %arg5[%dma_wait3A] : memref<640xf32, #tpu.memory_space<vmem>> -> memref<125xf32, #tpu.memory_space<vmem>>
        %dma_wait3A_82 = arith.constant 0 : i32
        %dma_wait3A_83 = tpu.memref_slice %arg4[%scan3A_72, %dma_wait3A_82] : memref<80x125xi32, #tpu.memory_space<vmem>> -> memref<1x125xi32, #tpu.memory_space<vmem>>
        %dma_wait3A_84 = tpu.memref_squeeze %dma_wait3A_83 : memref<1x125xi32, #tpu.memory_space<vmem>> -> memref<125xi32, #tpu.memory_space<vmem>>
        %dma_wait3A_85 = arith.constant 0 : i32
        %dma_wait3A_86 = tpu.memref_slice %arg6[%dma_wait3A_85] : memref<10240xf32, #tpu.memory_space<vmem_shared>> -> memref<10240xf32, #tpu.memory_space<vmem_shared>>
        tpu.wait_indirect_dma semaphore(%run_scoped3A : memref<!tpu.dma_semaphore, #tpu.memory_space<semaphore_mem>>) src(%dma_wait3A_81 : memref<125xf32, #tpu.memory_space<vmem>>) dst(%dma_wait3A_86 : memref<10240xf32, #tpu.memory_space<vmem_shared>>)
        tpu.yield
      }) : () -> ()
      %scan3A_73 = arith.constant 3 : i32
      %scan3A_74 = arith.addi %scan3A_68, %scan3A_73 : i32
      "tpu.region"() ({
        %run_scoped3A = tpu.sem_alloc : memref<!tpu.dma_semaphore, #tpu.memory_space<semaphore_mem>>
        %dma_start3A = arith.constant 0 : i32
        %dma_start3A_75 = tpu.memref_slice %arg5[%dma_start3A] : memref<640xf32, #tpu.memory_space<vmem>> -> memref<125xf32, #tpu.memory_space<vmem>>
        %dma_start3A_76 = arith.constant 0 : i32
        %dma_start3A_77 = tpu.memref_slice %arg4[%scan3A_74, %dma_start3A_76] : memref<80x125xi32, #tpu.memory_space<vmem>> -> memref<1x125xi32, #tpu.memory_space<vmem>>
        %dma_start3A_78 = tpu.memref_squeeze %dma_start3A_77 : memref<1x125xi32, #tpu.memory_space<vmem>> -> memref<125xi32, #tpu.memory_space<vmem>>
        %dma_start3A_79 = arith.constant 0 : i32
        %dma_start3A_80 = tpu.memref_slice %arg6[%dma_start3A_79] : memref<10240xf32, #tpu.memory_space<vmem_shared>> -> memref<10240xf32, #tpu.memory_space<vmem_shared>>
        tpu.enqueue_indirect_dma source(%dma_start3A_75 : memref<125xf32, #tpu.memory_space<vmem>>) target(%dma_start3A_80 : memref<10240xf32, #tpu.memory_space<vmem_shared>>) offsets(%dma_start3A_78 : memref<125xi32, #tpu.memory_space<vmem>>) semaphore(%run_scoped3A : memref<!tpu.dma_semaphore, #tpu.memory_space<semaphore_mem>>) {add = true}
        %dma_wait3A = arith.constant 0 : i32
        %dma_wait3A_81 = tpu.memref_slice %arg5[%dma_wait3A] : memref<640xf32, #tpu.memory_space<vmem>> -> memref<125xf32, #tpu.memory_space<vmem>>
        %dma_wait3A_82 = arith.constant 0 : i32
        %dma_wait3A_83 = tpu.memref_slice %arg4[%scan3A_74, %dma_wait3A_82] : memref<80x125xi32, #tpu.memory_space<vmem>> -> memref<1x125xi32, #tpu.memory_space<vmem>>
        %dma_wait3A_84 = tpu.memref_squeeze %dma_wait3A_83 : memref<1x125xi32, #tpu.memory_space<vmem>> -> memref<125xi32, #tpu.memory_space<vmem>>
        %dma_wait3A_85 = arith.constant 0 : i32
        %dma_wait3A_86 = tpu.memref_slice %arg6[%dma_wait3A_85] : memref<10240xf32, #tpu.memory_space<vmem_shared>> -> memref<10240xf32, #tpu.memory_space<vmem_shared>>
        tpu.wait_indirect_dma semaphore(%run_scoped3A : memref<!tpu.dma_semaphore, #tpu.memory_space<semaphore_mem>>) src(%dma_wait3A_81 : memref<125xf32, #tpu.memory_space<vmem>>) dst(%dma_wait3A_86 : memref<10240xf32, #tpu.memory_space<vmem_shared>>)
        tpu.yield
      }) : () -> ()
    }
    %scan3A_59 = arith.constant 80 : i32
    %barrier3A_60 = arith.constant 0 : index
    tpu.barrier barrier_id(%barrier3A_60)
    %mul3A_61 = arith.constant 640 : i32
    %mul3A_62 = arith.muli %arg1, %mul3A_61 : i32
    %mul3A_63 = arith.constant 10240 : i32
    %mul3A_64 = arith.muli %arg0, %mul3A_63 : i32
    %mul3A_65 = arith.constant 640 : i32
    %mul3A_66 = arith.muli %arg1, %mul3A_65 : i32
    %add3A_67 = arith.addi %mul3A_64, %mul3A_66 : i32
    "tpu.region"() ({
      %run_scoped3A = tpu.sem_alloc : memref<!tpu.dma_semaphore, #tpu.memory_space<semaphore_mem>>
      %dma_start3A = tpu.memref_slice %arg3[%add3A_67] : memref<20480xf32, #tpu.memory_space<hbm>> -> memref<640xf32, #tpu.memory_space<hbm>>
      %dma_start3A_68 = tpu.memref_slice %arg6[%mul3A_62] : memref<10240xf32, #tpu.memory_space<vmem_shared>> -> memref<640xf32, #tpu.memory_space<vmem_shared>>
      tpu.enqueue_dma source(%dma_start3A_68 : memref<640xf32, #tpu.memory_space<vmem_shared>>) target(%dma_start3A : memref<640xf32, #tpu.memory_space<hbm>>) target_semaphore(%run_scoped3A : memref<!tpu.dma_semaphore, #tpu.memory_space<semaphore_mem>>)
      %dma_wait3A = tpu.memref_slice %arg3[%add3A_67] : memref<20480xf32, #tpu.memory_space<hbm>> -> memref<640xf32, #tpu.memory_space<hbm>>
      %dma_wait3A_69 = tpu.memref_slice %arg6[%mul3A_62] : memref<10240xf32, #tpu.memory_space<vmem_shared>> -> memref<640xf32, #tpu.memory_space<vmem_shared>>
      tpu.wait_dma2 semaphore(%run_scoped3A : memref<!tpu.dma_semaphore, #tpu.memory_space<semaphore_mem>>) src(%dma_wait3A_69 : memref<640xf32, #tpu.memory_space<vmem_shared>>) dst(%dma_wait3A : memref<640xf32, #tpu.memory_space<hbm>>)
      tpu.yield
    }) : () -> ()
    return
  }
}

module attributes {stable_mosaic.version = 14 : i64} {
  func.func @_prep_body(%arg0: memref<10000x128xf32, #tpu.memory_space<vmem>>, %arg1: memref<128x64xf32, #tpu.memory_space<vmem>>, %arg2: memref<20480xf32, #tpu.memory_space<vmem>>, %arg3: memref<10000x64xf32, #tpu.memory_space<vmem>>) attributes {dimension_semantics = [], scalar_prefetch = 0 : i64, scratch_operands = 0 : i64, tpu.core_type = #tpu.core_type<tc>} {
    %get3A = arith.constant 0 : index
    %get3A_0 = vector.load %arg2[%get3A] : memref<20480xf32, #tpu.memory_space<vmem>>, vector<10000xf32>
    %get3A_1 = arith.constant 10240 : index
    %get3A_2 = vector.load %arg2[%get3A_1] : memref<20480xf32, #tpu.memory_space<vmem>>, vector<10000xf32>
    %add3A = arith.addf %get3A_0, %get3A_2 : vector<10000xf32>
    %add3A_3 = arith.constant 1.000000e+00 : f32
    %add3A_4 = vector.broadcast %add3A_3 : f32 to vector<10000xf32>
    %add3A_5 = arith.addf %add3A, %add3A_4 : vector<10000xf32>
    %rsqrt3A = math.rsqrt %add3A_5 : vector<10000xf32>
    %broadcast_in_dim3A = vector.shape_cast %rsqrt3A : vector<10000xf32> to vector<10000x1xf32>
    %get3A_6 = arith.constant 0 : index
    %get3A_7 = arith.constant 0 : index
    %get3A_8 = vector.load %arg0[%get3A_6, %get3A_7] : memref<10000x128xf32, #tpu.memory_space<vmem>>, vector<10000x128xf32>
    %get3A_9 = arith.constant 0 : index
    %get3A_10 = arith.constant 0 : index
    %get3A_11 = vector.load %arg1[%get3A_9, %get3A_10] : memref<128x64xf32, #tpu.memory_space<vmem>>, vector<128x64xf32>
    %dot_general3A = arith.constant dense<0.000000e+00> : vector<10000x64xf32>
    %dot_general3A_12 = tpu.matmul %get3A_8, %get3A_11, %dot_general3A {dimension_numbers = #tpu.dot_dimension_numbers<[1], [0], [0], [1], [0, 0, 1, 1], [], []>, transpose_lhs_hint = false} : vector<10000x128xf32>, vector<128x64xf32>, vector<10000x64xf32> -> vector<10000x64xf32>
    %mul3A = vector.broadcast %broadcast_in_dim3A : vector<10000x1xf32> to vector<10000x64xf32>
    %mul3A_13 = arith.mulf %mul3A, %dot_general3A_12 : vector<10000x64xf32>
    %swap3A = arith.constant 0 : index
    %swap3A_14 = arith.constant 0 : index
    %swap3A_15 = vector.load %arg3[%swap3A, %swap3A_14] : memref<10000x64xf32, #tpu.memory_space<vmem>>, vector<10000x64xf32>
    tpu.vector_store %arg3[%swap3A, %swap3A_14], %mul3A_13 {strides = array<i32>} : memref<10000x64xf32, #tpu.memory_space<vmem>>, vector<10000x64xf32>,
    return
  }
}

module attributes {stable_mosaic.version = 14 : i64} {
  func.func @_copy_block(%arg0: i32, %arg1: memref<200x10000xf32, #tpu.memory_space<vmem>>, %arg2: memref<200x10000xf32, #tpu.memory_space<vmem>>) attributes {dimension_semantics = [#tpu.dimension_semantics<arbitrary>], iteration_bounds = array<i64: 50>, scalar_prefetch = 0 : i64, scratch_operands = 0 : i64, tpu.core_type = #tpu.core_type<tc>, window_params = [{transform_indices = @transform_0, window_bounds = array<i64: 200, 10000>}, {transform_indices = @transform_1, window_bounds = array<i64: 200, 10000>}]} {
    %get3A = arith.constant 0 : index
    %get3A_0 = arith.constant 0 : index
    %get3A_1 = vector.load %arg1[%get3A, %get3A_0] : memref<200x10000xf32, #tpu.memory_space<vmem>>, vector<200x10000xf32>
    %swap3A = arith.constant 0 : index
    %swap3A_2 = arith.constant 0 : index
    %swap3A_3 = vector.load %arg2[%swap3A, %swap3A_2] : memref<200x10000xf32, #tpu.memory_space<vmem>>, vector<200x10000xf32>
    tpu.vector_store %arg2[%swap3A, %swap3A_2], %get3A_1 {strides = array<i32>} : memref<200x10000xf32, #tpu.memory_space<vmem>>, vector<200x10000xf32>,
    return
  }
  func.func @transform_0(%arg0: i32) -> (i32, i32) {
    %c0_i32 = arith.constant 0 : i32
    %c0_i32_0 = arith.constant 0 : i32
    return %arg0, %c0_i32 : i32, i32
  }
  func.func @transform_1(%arg0: i32) -> (i32, i32) {
    %c0_i32 = arith.constant 0 : i32
    %c0_i32_0 = arith.constant 0 : i32
    return %arg0, %c0_i32 : i32, i32
  }
}

module attributes {stable_mosaic.version = 14 : i64} {
  func.func @_epi_body(%arg0: memref<20480xf32, #tpu.memory_space<vmem>>, %arg1: memref<10000x64xf32, #tpu.memory_space<vmem>>, %arg2: memref<20480x64xf32, #tpu.memory_space<vmem>>, %arg3: memref<64xf32, #tpu.memory_space<vmem>>, %arg4: memref<64x64xf32, #tpu.memory_space<vmem>>, %arg5: memref<64xf32, #tpu.memory_space<vmem>>, %arg6: memref<64x2xf32, #tpu.memory_space<vmem>>, %arg7: memref<2xf32, #tpu.memory_space<vmem>>, %arg8: memref<10000x2xf32, #tpu.memory_space<vmem>>) attributes {dimension_semantics = [], scalar_prefetch = 0 : i64, scratch_operands = 0 : i64, tpu.core_type = #tpu.core_type<tc>} {
    %get3A = arith.constant 0 : index
    %get3A_0 = vector.load %arg0[%get3A] : memref<20480xf32, #tpu.memory_space<vmem>>, vector<10000xf32>
    %get3A_1 = arith.constant 10240 : index
    %get3A_2 = vector.load %arg0[%get3A_1] : memref<20480xf32, #tpu.memory_space<vmem>>, vector<10000xf32>
    %add3A = arith.addf %get3A_0, %get3A_2 : vector<10000xf32>
    %add3A_3 = arith.constant 1.000000e+00 : f32
    %add3A_4 = vector.broadcast %add3A_3 : f32 to vector<10000xf32>
    %add3A_5 = arith.addf %add3A, %add3A_4 : vector<10000xf32>
    %rsqrt3A = math.rsqrt %add3A_5 : vector<10000xf32>
    %broadcast_in_dim3A = vector.shape_cast %rsqrt3A : vector<10000xf32> to vector<10000x1xf32>
    %get3A_6 = arith.constant 0 : index
    %get3A_7 = arith.constant 0 : index
    %get3A_8 = vector.load %arg2[%get3A_6, %get3A_7] : memref<20480x64xf32, #tpu.memory_space<vmem>>, vector<10000x64xf32>
    %get3A_9 = arith.constant 10240 : index
    %get3A_10 = arith.constant 0 : index
    %get3A_11 = vector.load %arg2[%get3A_9, %get3A_10] : memref<20480x64xf32, #tpu.memory_space<vmem>>, vector<10000x64xf32>
    %add3A_12 = arith.addf %get3A_8, %get3A_11 : vector<10000x64xf32>
    %get3A_13 = arith.constant 0 : index
    %get3A_14 = arith.constant 0 : index
    %get3A_15 = vector.load %arg1[%get3A_13, %get3A_14] : memref<10000x64xf32, #tpu.memory_space<vmem>>, vector<10000x64xf32>
    %add3A_16 = arith.addf %add3A_12, %get3A_15 : vector<10000x64xf32>
    %mul3A = vector.broadcast %broadcast_in_dim3A : vector<10000x1xf32> to vector<10000x64xf32>
    %mul3A_17 = arith.mulf %mul3A, %add3A_16 : vector<10000x64xf32>
    %get3A_18 = arith.constant 0 : index
    %get3A_19 = vector.load %arg3[%get3A_18] : memref<64xf32, #tpu.memory_space<vmem>>, vector<64xf32>
    %broadcast_in_dim3A_20 = vector.shape_cast %get3A_19 : vector<64xf32> to vector<1x64xf32>
    %add3A_21 = vector.broadcast %broadcast_in_dim3A_20 : vector<1x64xf32> to vector<10000x64xf32>
    %add3A_22 = arith.addf %mul3A_17, %add3A_21 : vector<10000x64xf32>
    %logistic3A = arith.negf %add3A_22 : vector<10000x64xf32>
    %logistic3A_23 = math.exp %logistic3A : vector<10000x64xf32>
    %logistic3A_24 = arith.constant 1.000000e+00 : f32
    %logistic3A_25 = vector.broadcast %logistic3A_24 : f32 to vector<10000x64xf32>
    %logistic3A_26 = arith.addf %logistic3A_25, %logistic3A_23 : vector<10000x64xf32>
    %logistic3A_27 = arith.divf %logistic3A_25, %logistic3A_26 : vector<10000x64xf32>
    %mul3A_28 = arith.mulf %add3A_22, %logistic3A_27 : vector<10000x64xf32>
    %get3A_29 = arith.constant 0 : index
    %get3A_30 = arith.constant 0 : index
    %get3A_31 = vector.load %arg4[%get3A_29, %get3A_30] : memref<64x64xf32, #tpu.memory_space<vmem>>, vector<64x64xf32>
    %dot_general3A = arith.constant dense<0.000000e+00> : vector<10000x64xf32>
    %dot_general3A_32 = tpu.matmul %mul3A_28, %get3A_31, %dot_general3A {dimension_numbers = #tpu.dot_dimension_numbers<[1], [0], [0], [1], [0, 0, 1, 1], [], []>, transpose_lhs_hint = false} : vector<10000x64xf32>, vector<64x64xf32>, vector<10000x64xf32> -> vector<10000x64xf32>
    %get3A_33 = arith.constant 0 : index
    %get3A_34 = vector.load %arg5[%get3A_33] : memref<64xf32, #tpu.memory_space<vmem>>, vector<64xf32>
    %broadcast_in_dim3A_35 = vector.shape_cast %get3A_34 : vector<64xf32> to vector<1x64xf32>
    %add3A_36 = vector.broadcast %broadcast_in_dim3A_35 : vector<1x64xf32> to vector<10000x64xf32>
    %add3A_37 = arith.addf %dot_general3A_32, %add3A_36 : vector<10000x64xf32>
    %logistic3A_38 = arith.negf %add3A_37 : vector<10000x64xf32>
    %logistic3A_39 = math.exp %logistic3A_38 : vector<10000x64xf32>
    %logistic3A_40 = arith.constant 1.000000e+00 : f32
    %logistic3A_41 = vector.broadcast %logistic3A_40 : f32 to vector<10000x64xf32>
    %logistic3A_42 = arith.addf %logistic3A_41, %logistic3A_39 : vector<10000x64xf32>
    %logistic3A_43 = arith.divf %logistic3A_41, %logistic3A_42 : vector<10000x64xf32>
    %mul3A_44 = arith.mulf %add3A_37, %logistic3A_43 : vector<10000x64xf32>
    %get3A_45 = arith.constant 0 : index
    %get3A_46 = arith.constant 0 : index
    %get3A_47 = vector.load %arg6[%get3A_45, %get3A_46] : memref<64x2xf32, #tpu.memory_space<vmem>>, vector<64x2xf32>
    %dot_general3A_48 = arith.constant dense<0.000000e+00> : vector<10000x2xf32>
    %dot_general3A_49 = tpu.matmul %mul3A_44, %get3A_47, %dot_general3A_48 {dimension_numbers = #tpu.dot_dimension_numbers<[1], [0], [0], [1], [0, 0, 1, 1], [], []>, transpose_lhs_hint = false} : vector<10000x64xf32>, vector<64x2xf32>, vector<10000x2xf32> -> vector<10000x2xf32>
    %get3A_50 = arith.constant 0 : index
    %get3A_51 = vector.load %arg7[%get3A_50] : memref<2xf32, #tpu.memory_space<vmem>>, vector<2xf32>
    %broadcast_in_dim3A_52 = vector.shape_cast %get3A_51 : vector<2xf32> to vector<1x2xf32>
    %add3A_53 = vector.broadcast %broadcast_in_dim3A_52 : vector<1x2xf32> to vector<10000x2xf32>
    %add3A_54 = arith.addf %dot_general3A_49, %add3A_53 : vector<10000x2xf32>
    %reduce_max3A = arith.constant dense<0xFF800000> : vector<10000xf32>
    %reduce_max3A_55 = vector.multi_reduction <maximumf>, %add3A_54, %reduce_max3A [1] : vector<10000x2xf32> to vector<10000xf32>
    %broadcast_in_dim3A_56 = vector.shape_cast %reduce_max3A_55 : vector<10000xf32> to vector<10000x1xf32>
    %sub3A = vector.broadcast %broadcast_in_dim3A_56 : vector<10000x1xf32> to vector<10000x2xf32>
    %sub3A_57 = arith.subf %add3A_54, %sub3A : vector<10000x2xf32>
    %exp3A = math.exp %sub3A_57 : vector<10000x2xf32>
    %reduce_sum3A = arith.constant dense<0.000000e+00> : vector<10000xf32>
    %reduce_sum3A_58 = vector.multi_reduction <add>, %exp3A, %reduce_sum3A [1] : vector<10000x2xf32> to vector<10000xf32>
    %broadcast_in_dim3A_59 = vector.shape_cast %reduce_sum3A_58 : vector<10000xf32> to vector<10000x1xf32>
    %div3A = vector.broadcast %broadcast_in_dim3A_59 : vector<10000x1xf32> to vector<10000x2xf32>
    %div3A_60 = arith.divf %exp3A, %div3A : vector<10000x2xf32>
    %swap3A = arith.constant 0 : index
    %swap3A_61 = arith.constant 0 : index
    %swap3A_62 = vector.load %arg8[%swap3A, %swap3A_61] : memref<10000x2xf32, #tpu.memory_space<vmem>>, vector<10000x2xf32>
    tpu.vector_store %arg8[%swap3A, %swap3A_61], %div3A_60 {strides = array<i32>} : memref<10000x2xf32, #tpu.memory_space<vmem>>, vector<10000x2xf32>,
    return
  }
}

</mosaic_0001>

<sc_bundles>
// kernel: kernel.10.cloned.1.call-start
scs
__scs_entry_jumppad:
0x0: {  	(pc) =	sbr.rel $0x88, $3  }
0x1: {  	(tag) =	ssettag $0x0;
	lr =	simm.s32 $0x1  }
0x2: {  	[smem:$0x3F98] =	sst lr;
	_ =	strace $0xD0000000  }
0x3: {  	_ = 	snop  }
0x4: {  	_ = 	snop  }
0x5: {  	_ = 	snop  }
0x6: {  	_ = 	snop  }
0x7: {  	_ = 	snop  }
__scs_overlays_trampoline_lowered:
0x8: {  	[smem:$0x3FA7] =	sst s0  }
0x9: {  	[smem:$0x3FA8] =	sst s1  }
0xa: {  	[smem:$0x3FA9] =	sst s2  }
0xb: {  	[smem:$0x3FAA] =	sst s3  }
0xc: {  	[smem:$0x3FAB] =	sst s4  }
0xd: {  	[smem:$0x3FAC] =	sst s5  }
0xe: {  	[smem:$0x3FAD] =	sst s6  }
0xf: {  	[smem:$0x3FAE] =	sst s7  }
0x10: {  	[smem:$0x3FAF] =	sst s8  }
0x11: {  	[smem:$0x3FB0] =	sst s9;
	s0 =	simm.s32 @!p0 $0x0  }
0x12: {  	s1 =	sld [smem:$0x3F96];
	s0 =	simm.s32 @p0 $0x1  }
0x13: {  	[smem:$0x3FB1] =	sst s0;
	s0 =	simm.s32 @!p1 $0x0  }
0x14: {  	s2 =	sld [smem:$0x3F95];
	s0 =	simm.s32 @p1 $0x1  }
0x15: {  	[smem:$0x3FB2] =	sst s0;
	s0 =	simm.s32 @!p2 $0x0  }
0x16: {  	s3 =	sld [smem:$0x3FDB];
	s0 =	simm.s32 @p2 $0x1  }
0x17: {  	s4 =	simm.s32 $0x1BF5;
	[smem:$0x3FB4] =	sst s0  }
0x18: {  	s0 =	sld [smem:$0x3F97];
	_ =	swait.ge [sflag:s4], $0x0  }
0x19: {  	s7 =	sld [smem:$0x3F98]  }
0x1a: {  	s8 =	sadd.s32 $0xFFFFE003, lr  }
0x1b: {  	s9 =	sadd.s32 $0xFFFFFEF7, lr;
	s5 =	simm.s32 $0xFFFFFFFF;
	p2 =	slt.u32 s8, $0xFFFFF086  }
0x1c: {  	p1 =	slt.u32 s9, $0xF7A;
	s5 =	simm.s32 @!p2 $0x0  }
0x1d: {  	s5 =	simm.s32 @p1 $0x1;
	p0 =	seq.s32 s7, s2  }
0x1e: {  	s7 =	smul.u32 @!p0 $0xF7A, s2;
	p2 =	seq.s32 @!p0 s5, $0x0  }
0x1f: {  	s9 =	smul.u32 $0xF7A, s1;
	s8 =	simm.s32 @!p0 $0x1BF5;
	p2 =	por !p2, p0  }
0x20: {  	[sflag:s8] =	ssyncset.s32 @!p0 $0xFFFFF086;
	s6 =	sadd.s32 @!p0 s3, s7;
	s7 =	simm.s32 @!p0 $0x108  }
0x21: {  	s3 =	sadd.s32 s3, s9;
	s6 =	sadd.s32 @!p0 $0x88, s6;
	s7 =	simm.s32 @p2 $0x1082  }
0x22: {  	[simem:s7], [sflag:s8] =	dma.local @!p0 [hbm:s6], $0xF7A  }
0x23: {  	s9 =	sor.u32 $0xD0000000, s2;
	s6 =	simm.s32 $0x108;
	_ =	swait.ge @!p0 [sflag:s8], $0x0  }
0x24: {  	s3 =	sadd.s32 $0x88, s3;
	s6 =	simm.s32 @!p1 $0x1082;
	[sflag:s4] =	ssyncset.s32 $0xFFFFF086  }
0x25: {  	[simem:s6], [sflag:s4] =	dma.local [hbm:s3], $0xF7A  }
0x26: {  	[smem:$0x3F98] =	sst s1;
	(tag) =	ssettag s2;
	_ =	strace s9  }
0x27: {  	s1 =	sld [smem:$0x3FA8]  }
0x28: {  	s2 =	sld [smem:$0x3FA9]  }
0x29: {  	s4 =	sld [smem:$0x3FAB]  }
0x2a: {  	p0 =	seq.s32 s5, $0x0;
	s5 =	sld [smem:$0x3FAC]  }
0x2b: {  	s6 =	sld [smem:$0x3FAD]  }
0x2c: {  	s7 =	sld [smem:$0x3FAE]  }
0x2d: {  	s3 =	simm.s32 $0x108;
	s8 =	sld [smem:$0x3FAF]  }
0x2e: {  	s3 =	simm.s32 @!p0 $0x1082;
	s9 =	sld [smem:$0x3FB0]  }
0x2f: {  	lr =	sadd.s32 s0, s3;
	s0 =	sld [smem:$0x3FA7]  }
0x30: {  	s3 =	sld [smem:$0x3FAA]  }
0x31: {  	[smem:$0x3FB3] =	sst s10  }
0x32: {  	s10 =	sld [smem:$0x3FB1];
	_ =	sdelay $0x3  }
0x33: {  	p0 =	seq.s32 s10, $0x1;
	s10 =	sld [smem:$0x3FB3];
	_ =	sdelay $0x3  }
0x34: {  	[smem:$0x3FB3] =	sst s10  }
0x35: {  	s10 =	sld [smem:$0x3FB2];
	_ =	sdelay $0x3  }
0x36: {  	p1 =	seq.s32 s10, $0x1;
	s10 =	sld [smem:$0x3FB3];
	_ =	sdelay $0x3  }
0x37: {  	[smem:$0x3FB3] =	sst s10  }
0x38: {  	s10 =	sld [smem:$0x3FB4]  }
0x39: {  	_ = 	snop;
	(pc) =	sbr.ind lr, $3  }
0x3a: {  	_ = 	snop  }
0x3b: {  	_ = 	snop  }
0x3c: {  	p2 =	seq.s32 s10, $0x1;
	s10 =	sld [smem:$0x3FB3]  }
0x3d: {  	_ =	shalt  }
0x3e: {  	_ =	shalt  }
0x3f: {  	_ =	shalt  }
0x40: {  	_ =	shalt  }
0x41: {  	_ =	shalt  }
0x42: {  	_ =	shalt  }
0x43: {  	_ =	shalt  }
0x44: {  	_ =	shalt  }
0x45: {  	_ =	shalt  }
0x46: {  	_ =	shalt  }
0x47: {  	_ =	shalt  }
0x48: {  	_ =	shalt  }
0x49: {  	_ =	shalt  }
0x4a: {  	_ =	shalt  }
0x4b: {  	_ =	shalt  }
0x4c: {  	_ =	shalt  }
0x4d: {  	_ =	shalt  }
0x4e: {  	_ =	shalt  }
0x4f: {  	_ =	shalt  }
0x50: {  	_ =	shalt  }
0x51: {  	_ =	shalt  }
0x52: {  	_ =	shalt  }
0x53: {  	_ =	shalt  }
0x54: {  	_ =	shalt  }
0x55: {  	_ =	shalt  }
0x56: {  	_ =	shalt  }
0x57: {  	_ =	shalt  }
0x58: {  	_ =	shalt  }
0x59: {  	_ =	shalt  }
0x5a: {  	_ =	shalt  }
0x5b: {  	_ =	shalt  }
0x5c: {  	_ =	shalt  }
0x5d: {  	_ =	shalt  }
0x5e: {  	_ =	shalt  }
0x5f: {  	_ =	shalt  }
0x60: {  	_ =	shalt  }
0x61: {  	_ =	shalt  }
0x62: {  	_ =	shalt  }
0x63: {  	_ =	shalt  }
0x64: {  	_ =	shalt  }
0x65: {  	_ =	shalt  }
0x66: {  	_ =	shalt  }
0x67: {  	_ =	shalt  }
0x68: {  	_ =	shalt  }
0x69: {  	_ =	shalt  }
0x6a: {  	_ =	shalt  }
0x6b: {  	_ =	shalt  }
0x6c: {  	_ =	shalt  }
0x6d: {  	_ =	shalt  }
0x6e: {  	_ =	shalt  }
0x6f: {  	_ =	shalt  }
0x70: {  	_ =	shalt  }
0x71: {  	_ =	shalt  }
0x72: {  	_ =	shalt  }
0x73: {  	_ =	shalt  }
0x74: {  	_ =	shalt  }
0x75: {  	_ =	shalt  }
0x76: {  	_ =	shalt  }
0x77: {  	_ =	shalt  }
0x78: {  	_ =	shalt  }
0x79: {  	_ =	shalt  }
0x7a: {  	_ =	shalt  }
0x7b: {  	_ =	shalt  }
0x7c: {  	_ =	shalt  }
0x7d: {  	_ =	shalt  }
0x7e: {  	_ =	shalt  }
0x7f: {  	_ =	shalt  }
0x80: {  	_ =	shalt  }
0x81: {  	_ =	shalt  }
0x82: {  	_ =	shalt  }
0x83: {  	_ =	shalt  }
0x84: {  	_ =	shalt  }
0x85: {  	_ =	shalt  }
0x86: {  	_ =	shalt  }
0x87: {  	_ =	shalt  }
.Lfunc_end0:
.L_simem_size_0:
called_computation.1_lowered:
.L_overlay_start_0:
0x88: {  	s2 =	sld [smem:$0x3FD9]  }
0x89: {  	s3 =	sld [smem:$0x3FFE];
	_ =	sdelay $0x1  }
0x8a: {  	s1 =	srdreg.scid  }
0x8b: {  	s0 =	sand.u32 $0x1, s1  }
0x8c: {  	s16 =	sshll.u32 s0, $0xA;
	s2 =	sadd.s32 s3, s2  }
0x8d: {  	s2 =	sadd.s32 s2, s16  }
0x8e: {  	[smem:$0x3FBF] =	sst s2  }
0x8f: {  	_ = 	snop  }
0x90: {  	(tm) =	ssettm $0x1  }
0x91: {  	s17 =	sld [smem:$0x3FFB];
	_ =	sdelay $0x3  }
0x92: {  	_ =	strace s17  }
0x93: {  	s2 =	sld [smem:$0x3FFC];
	_ =	sdelay $0x3  }
0x94: {  	_ =	strace s2  }
0x95: {  	s2 =	sld [smem:$0x3FFD];
	_ =	sdelay $0x3  }
0x96: {  	_ =	strace s2  }
0x97: {  	_ =	strace $0x8FFFFFFF  }
0x98: {  	s18 =	sld [smem:$0x3FDB];
	_ =	sdelay $0x1  }
0x99: {  	s19 =	simm.s32 $_scs_section_size  }
0x9a: {  	s4 =	simm.s32 $_size__tile_overlayer_lowered;
	s5 =	simm.s32 $_tile_overlayer_lowered  }
0x9b: {  	s22 =	simm.s32 $0x1BFF;
	s21 =	sshll.u32 s5, $0x1;
	s2 =	sadd.s32 s19, s18  }
0x9c: {  	s6 =	simm.s32 $0x0;
	s20 =	sshll.u32 s4, $0x1;
	s4 =	sadd.s32 s21, s2  }
0x9d: {  	[timem:s6], [sflag:s22] =	dma.local [hbm:s4], s20  }
0x9e: {  	_ =	swait.ge [sflag:s22], s20  }
0x9f: {  	s3 =	ssub.s32 $0x0, s20;
	[sflag:s22] =	ssyncset.done $0x0  }
0xa0: {  	[sflag:s22] =	ssyncadd.s32 s3;
	_ =	sdelay $0x1  }
0xa1: {  	s23 =	simm.s32 $0x1B8B  }
0xa2: {  	_ =	swait.ge [sflag:s23], $0x1  }
0xa3: {  	[sflag:s23] =	ssyncset.done $0x0  }
0xa4: {  	s25 =	simm.s32 $0x1B8E;
	s24 =	sld [smem:$0x3FFE];
	[sflag:s23] =	ssyncadd.s32 $0xFFFFFFFF  }
0xa5: {  	s26 =	simm.s32 $execute0_lowered;
	[smem:$0x3FD2] =	sst s25  }
0xa6: {  	s4 =	sshll.u32 s26, $0x1;
	_ =	strace $0x80000049;
	[dreg:$0x1] =	wrdreg $0xFFFFFFFF  }
0xa7: {  	s28 =	simm.s32 $_size_execute0_lowered;
	s2 =	sadd.s32 s2, s4;
	[dreg:$0x0] =	wrdreg $0x0  }
0xa8: {  	s4 =	sshll.u32 s28, $0x1;
	[dreg:$0x2] =	wrdreg s2  }
0xa9: {  	[dreg:$0x3] =	wrdreg s4  }
0xaa: {  	[dreg:$0x4] =	wrdreg $0xC0  }
0xab: {  	_ =	task [dreg:s6], $0x5FFFF  }
0xac: {  	[dreg:$0x1] =	wrdreg $0xFFFFFFFF  }
0xad: {  	[dreg:$0x0] =	wrdreg $0x60  }
0xae: {  	[dreg:$0x2] =	wrdreg s24  }
0xaf: {  	[dreg:$0x3] =	wrdreg $0x14A000  }
0xb0: {  	[dreg:$0x4] =	wrdreg $0x9  }
0xb1: {  	_ =	task.clear_ibuf [dreg:s6], $0x5FFFF;
	_ =	strace $0x90000049  }
0xb2: {  	s29 =	simm.s32 $0x9;
	_ =	strace $0x8000004B  }
0xb3: {  	_ =	swait.ge [sflag:s29], $0x1  }
0xb4: {  	[sflag:s29] =	ssyncadd.s32 $0xFFFFFFFF  }
0xb5: {  	_ =	strace $0x9000004B  }
0xb6: {  	_ =	sfence  }
0xb7: {  	s30 =	sld [smem:$0x0];
	_ =	sdelay $0x2  }
0xb8: {  	s31 =	sshll.u32 s1, $0xD;
	s1 =	sshrl.u32 s1, $0x2  }
0xb9: {  	s3 =	sand.u32 $0x4000, s31;
	s1 =	sadd.s32 s1, s30  }
0xba: {  	s0 =	sor.u32 s3, s0;
	s1 =	sshll.u32 s1, $0x11  }
0xbb: {  	s0 =	sor.u32 s1, s0  }
0xbc: {  	s0 =	sadd.s32 $0x8F2B, s0  }
0xbd: {  	[sflag:s0] =	ssyncadd.remote.s32 $0x1  }
0xbe: {  	_ =	sfence.sel $0xFFFF  }
0xbf: {  	[dreg:$0x0] =	wrdreg $0xFFFFFFFF;
	(pc) =	sbr.abs _section_cstart, $3  }
0xc0: {  	[dreg:$0x1] =	wrdreg $0xFFFFFFFF  }
0xc1: {  	_ =	task.clear_ibuf [dreg:s6], $0x2FFFF;
	_ =	strace $0x9FFFFFFF  }
0xc2: {  	(tm) =	ssettm $0x7FFFFFFF  }
0xc3: {  	_ =	shalt  }
tec
execute0_lowered:
.L_overlay_start_1:
0x0: {  	(tag) =	ssettag $0x1  }
0x1: {  	s0 =	srdreg.scid;
	s5 =	rddreg [dreg:$0x0]  }
0x2: {  	s3 =	stileid.u32;
	s2 =	rddreg [dreg:$0x1];
	s14 =	simm.s32 $0x0  }
0x3: {  	s15 =	simm.s32 $0x5000;
	s16 =	simm.s32 $0x11;
	s18 =	simm.s32 $0x7D  }
0x4: {  	s29 =	simm.s32 $0xEC40;
	s31 =	simm.s32 $0x10B80;
	s17 =	simm.s32 $0x12AC0  }
0x5: {  	s28 =	simm.s32 $0x3;
	s30 =	simm.s32 $0xB;
	s9 =	simm.s32 $0xE  }
0x6: {  	s10 =	simm.s32 $0x7;
	s11 =	simm.s32 $0xF;
	s12 =	simm.s32 $0x8  }
0x7: {  	s13 =	simm.s32 $0x10;
	s0 =	sand.u32 $0x1, s0;
	s6 =	smul.u32 $0x1400, s3  }
0x8: {  	s1 =	sshll.u32 s3, $0x1;
	[smem:$0x7FF] =	sst s14;
	s8 =	smul.u32 $0x28000, s3  }
0x9: {  	s4 =	sadd.s32 $0x3DA00, s5;
	s1 =	sor.u32 s0, s1;
	s7 =	smul.u32 $0x14000, s0  }
0xa: {  	_ =	strace $0x8000004A;
	s0 =	ssub.s32 $0x2, s0;
	s1 =	smul.u32 $0x500, s1  }
0xb: {  	s19 =	sshrl.u32 s0, $0x1;
	s8 =	sshrl.u32 s8, $0x2;
	s6 =	sadd.s32 s6, s7  }
0xc: {  	s0 =	ssub.s32 s0, s19;
	s20 =	sadd.s32 s8, s2;
	s19 =	simm.s32 $0x1  }
0xd: {  	s7 =	simm.s32 $0xD;
	s21 =	sadd.s32 $0x1F40, s20;
	[dreg:$0x4] =	wrdreg s20  }
0xe: {  	s8 =	simm.s32 $0x6;
	s22 =	sadd.s32 $0x3E80, s20;
	[dreg:$0x5] =	wrdreg s21  }
0xf: {  	s1 =	sadd.s32 s1, s5;
	s23 =	sadd.s32 $0x5DC0, s20;
	[dreg:$0x6] =	wrdreg s22  }
0x10: {  	s5 =	sadd.s32 s6, s5;
	s24 =	sadd.s32 $0x7D00, s20;
	[dreg:$0x7] =	wrdreg s23  }
0x11: {  	s3 =	sadd.s32 $0x9C40, s20;
	s0 =	smax.u32 s0, $0x1;
	[dreg:$0x8] =	wrdreg s24  }
0x12: {  	s20 =	simm.s32 $0x6F40;
	s6 =	simm.s32 $0x5;
	[dreg:$0x9] =	wrdreg s3  }
0x13: {  	s25 =	sadd.s32 $0xC800, s1;
	s1 =	sadd.s32 $0x1E00, s1;
	[dreg:$0xd] =	wrdreg s0  }
0x14: {  	s26 =	sadd.s32 $0x51400, s5;
	s22 =	simm.s32 $0x8E80;
	[dreg:$0xa] =	wrdreg s25  }
0x15: {  	s24 =	simm.s32 $0xADC0;
	s21 =	simm.s32 $0x9;
	[dreg:$0xb] =	wrdreg s1  }
0x16: {  	s23 =	simm.s32 $0x2;
	s0 =	simm.s32 $0x4;
	[dreg:$0xc] =	wrdreg s26  }
0x17: {  	v0 =	vimm.f32 $0.0e+00;
	s26 =	simm.s32 $0xCD00;
	s25 =	simm.s32 $0xA;
	s1 =	simm.s32 $0xC  }
.LBB2_1:
0x18: {  	[dreg:$0x3] =	wrdreg s14;
	s14 =	simm.s32 $0x100;
	s5 =	simm.s32 $0x0  }
.LBB2_2:
0x19: {  	p0 =	sne.s32 s14, $0x7C00;
	[tilespmem:s5+$0x5030] =	vst v0;
	s3 =	smov.u32 s14;
	s14 =	sadd.s32 $0x100, s14  }
.Ltmp0:
0x1a: {  	[tilespmem:s5+$0x5020] =	vst v0;
	(pc) =	sbr.rel @p0 .LBB2_2-.Ltmp0, $3  }
0x1b: {  	[tilespmem:s5+$0x5000] =	vst v0  }
0x1c: {  	[tilespmem:s5+$0x5010] =	vst v0;
	_ =	sdelay $0x1  }
0x1d: {  	s5 =	sshra.s32 s3, $0x2  }
0x1e: {  	[tilespmem:s5+$0x5030] =	vst v0  }
0x1f: {  	[tilespmem:s5+$0x5020] =	vst v0  }
0x20: {  	[tilespmem:s5+$0x5000] =	vst v0  }
0x21: {  	[tilespmem:s5+$0x5010] =	vst v0;
	s3 =	rddreg [dreg:$0x4]  }
0x22: {  	[spmem:s3] =	stream.linear.scatter [tilespmem:s15], [sflag:$0x11], $0x1F40, $0x38;
	[tilespmem:$0x1EA00] =	vst v63  }
0x23: {  	_ =	swait.ge [sflag:s16], $0x1F40  }
0x24: {  	[sflag:s16] =	ssyncset.done $0x0  }
0x25: {  	s5 =	rddreg [dreg:$0x5];
	[sflag:s16] =	ssyncadd.s32 $0xFFFFE0C0  }
0x26: {  	[spmem:s5] =	stream.linear.scatter [tilespmem:s15], [sflag:$0x11], $0x1F40, $0x38;
	[tilespmem:$0x1EA00] =	vst v63  }
0x27: {  	_ =	swait.ge [sflag:s16], $0x1F40  }
0x28: {  	[sflag:s16] =	ssyncset.done $0x0  }
0x29: {  	s14 =	rddreg [dreg:$0x6];
	[sflag:s16] =	ssyncadd.s32 $0xFFFFE0C0  }
0x2a: {  	[spmem:s14] =	stream.linear.scatter [tilespmem:s15], [sflag:$0x11], $0x1F40, $0x38;
	[tilespmem:$0x1EA00] =	vst v63  }
0x2b: {  	_ =	swait.ge [sflag:s16], $0x1F40  }
0x2c: {  	[sflag:s16] =	ssyncset.done $0x0  }
0x2d: {  	s5 =	rddreg [dreg:$0x7];
	[sflag:s16] =	ssyncadd.s32 $0xFFFFE0C0  }
0x2e: {  	[spmem:s5] =	stream.linear.scatter [tilespmem:s15], [sflag:$0x11], $0x1F40, $0x38;
	[tilespmem:$0x1EA00] =	vst v63  }
0x2f: {  	_ =	swait.ge [sflag:s16], $0x1F40  }
0x30: {  	[sflag:s16] =	ssyncset.done $0x0  }
0x31: {  	s14 =	rddreg [dreg:$0x8];
	[sflag:s16] =	ssyncadd.s32 $0xFFFFE0C0  }
0x32: {  	[spmem:s14] =	stream.linear.scatter [tilespmem:s15], [sflag:$0x11], $0x1F40, $0x38;
	[tilespmem:$0x1EA00] =	vst v63  }
0x33: {  	_ =	swait.ge [sflag:s16], $0x1F40  }
0x34: {  	[sflag:s16] =	ssyncset.done $0x0  }
0x35: {  	s5 =	rddreg [dreg:$0x9];
	[sflag:s16] =	ssyncadd.s32 $0xFFFFE0C0  }
0x36: {  	[spmem:s5] =	stream.linear.scatter [tilespmem:s15], [sflag:$0x11], $0x3C0, $0x38;
	[tilespmem:$0x1EA00] =	vst v63  }
0x37: {  	_ =	swait.ge [sflag:s16], $0x3C0  }
0x38: {  	[sflag:s16] =	ssyncset.done $0x0  }
0x39: {  	s3 =	simm.s32 $0x0;
	s14 =	rddreg [dreg:$0xa];
	[sflag:s16] =	ssyncadd.s32 $0xFFFFFC40  }
0x3a: {  	[tilespmem:s3], [sflag:$0x11] =	stream.linear.gather [hbm4b:s14+s3], $0x2800, $0x38;
	[tilespmem:$0x1EA00] =	vst v63  }
0x3b: {  	_ =	swait.ge [sflag:s16], $0x2800  }
0x3c: {  	[sflag:s16] =	ssyncset.done $0x0  }
0x3d: {  	s14 =	simm.s32 $0x2800;
	s5 =	rddreg [dreg:$0xb];
	[sflag:s16] =	ssyncadd.s32 $0xFFFFD800  }
0x3e: {  	[tilespmem:s14], [sflag:$0x11] =	stream.linear.gather [hbm4b:s5+s3], $0x2800, $0x38;
	[tilespmem:$0x1EA00] =	vst v63  }
0x3f: {  	_ =	swait.ge [sflag:s16], $0x2800  }
0x40: {  	[sflag:s16] =	ssyncset.done $0x0  }
0x41: {  	[sflag:s16] =	ssyncadd.s32 $0xFFFFD800  }
0x42: {  	[bflag:$0x0] =	sbarrier.arrive $0xFFFF  }
0x43: {  	[tilespmem:s15], [sflag:$0x1] =	stream.indirect.gather [hbm4b:s4+s18], $0x40, s3, s18, $0xb8;
	[tilespmem:$0x1EA00] =	vst v63  }
0x44: {  	s5 =	simm.s32 $0x80  }
0x45: {  	[tilespmem:s20], [sflag:$0x2] =	stream.indirect.gather [hbm4b:s4+s18], $0x40, s5, s18, $0xb8;
	[tilespmem:$0x1EA00] =	vst v63  }
0x46: {  	s14 =	simm.s32 $0x100  }
0x47: {  	[tilespmem:s22], [sflag:$0x3] =	stream.indirect.gather [hbm4b:s4+s18], $0x40, s14, s18, $0xb8;
	[tilespmem:$0x1EA00] =	vst v63  }
0x48: {  	s5 =	simm.s32 $0x180  }
0x49: {  	[tilespmem:s24], [sflag:$0x4] =	stream.indirect.gather [hbm4b:s4+s18], $0x40, s5, s18, $0xb8;
	[tilespmem:$0x1EA00] =	vst v63  }
0x4a: {  	s14 =	simm.s32 $0x200  }
0x4b: {  	[tilespmem:s26], [sflag:$0x5] =	stream.indirect.gather [hbm4b:s4+s18], $0x40, s14, s18, $0xb8;
	[tilespmem:$0x1EA00] =	vst v63  }
0x4c: {  	s5 =	simm.s32 $0x280  }
0x4d: {  	[tilespmem:s29], [sflag:$0x6] =	stream.indirect.gather [hbm4b:s4+s18], $0x40, s5, s18, $0xb8;
	[tilespmem:$0x1EA00] =	vst v63  }
0x4e: {  	s14 =	simm.s32 $0x300  }
0x4f: {  	[tilespmem:s31], [sflag:$0x7] =	stream.indirect.gather [hbm4b:s4+s18], $0x40, s14, s18, $0xb8;
	[tilespmem:$0x1EA00] =	vst v63  }
0x50: {  	s5 =	simm.s32 $0x380  }
0x51: {  	[tilespmem:s17], [sflag:$0x8] =	stream.indirect.gather [hbm4b:s4+s18], $0x40, s5, s18, $0xb8;
	[tilespmem:$0x1EA00] =	vst v63  }
0x52: {  	_ =	swait.ge [sflag:s19], $0x1F40  }
0x53: {  	[sflag:s19] =	ssyncset.done $0x0  }
0x54: {  	s14 =	simm.s32 $0x2800;
	[sflag:s19] =	ssyncadd.s32 $0xFFFFE0C0  }
0x55: {  	[spmem:s2] =	stream.indirect.scatter.add.f32 [tilespmem:s15], [sflag:$0x9], $0x40, s14, s18, $0xb8;
	[tilespmem:$0x1EA00] =	vst v63  }
0x56: {  	_ =	swait.ge [sflag:s21], $0x1F40  }
0x57: {  	[sflag:s21] =	ssyncset.done $0x0  }
0x58: {  	s5 =	simm.s32 $0x400;
	[sflag:s21] =	ssyncadd.s32 $0xFFFFE0C0  }
0x59: {  	[tilespmem:s15], [sflag:$0x1] =	stream.indirect.gather [hbm4b:s4+s18], $0x40, s5, s18, $0xb8;
	[tilespmem:$0x1EA00] =	vst v63  }
0x5a: {  	_ =	swait.ge [sflag:s23], $0x1F40  }
0x5b: {  	[sflag:s23] =	ssyncset.done $0x0  }
0x5c: {  	s14 =	simm.s32 $0x2880;
	[sflag:s23] =	ssyncadd.s32 $0xFFFFE0C0  }
0x5d: {  	[spmem:s2] =	stream.indirect.scatter.add.f32 [tilespmem:s20], [sflag:$0xA], $0x40, s14, s18, $0xb8;
	[tilespmem:$0x1EA00] =	vst v63  }
0x5e: {  	_ =	swait.ge [sflag:s25], $0x1F40  }
0x5f: {  	[sflag:s25] =	ssyncset.done $0x0  }
0x60: {  	s5 =	simm.s32 $0x480;
	[sflag:s25] =	ssyncadd.s32 $0xFFFFE0C0  }
0x61: {  	[tilespmem:s20], [sflag:$0x2] =	stream.indirect.gather [hbm4b:s4+s18], $0x40, s5, s18, $0xb8;
	[tilespmem:$0x1EA00] =	vst v63  }
0x62: {  	_ =	swait.ge [sflag:s28], $0x1F40  }
0x63: {  	[sflag:s28] =	ssyncset.done $0x0  }
0x64: {  	s14 =	simm.s32 $0x2900;
	[sflag:s28] =	ssyncadd.s32 $0xFFFFE0C0  }
0x65: {  	[spmem:s2] =	stream.indirect.scatter.add.f32 [tilespmem:s22], [sflag:$0xB], $0x40, s14, s18, $0xb8;
	[tilespmem:$0x1EA00] =	vst v63  }
0x66: {  	_ =	swait.ge [sflag:s30], $0x1F40  }
0x67: {  	[sflag:s30] =	ssyncset.done $0x0  }
0x68: {  	s5 =	simm.s32 $0x500;
	[sflag:s30] =	ssyncadd.s32 $0xFFFFE0C0  }
0x69: {  	[tilespmem:s22], [sflag:$0x3] =	stream.indirect.gather [hbm4b:s4+s18], $0x40, s5, s18, $0xb8;
	[tilespmem:$0x1EA00] =	vst v63  }
0x6a: {  	_ =	swait.ge [sflag:s0], $0x1F40  }
0x6b: {  	[sflag:s0] =	ssyncset.done $0x0  }
0x6c: {  	s14 =	simm.s32 $0x2980;
	[sflag:s0] =	ssyncadd.s32 $0xFFFFE0C0  }
0x6d: {  	[spmem:s2] =	stream.indirect.scatter.add.f32 [tilespmem:s24], [sflag:$0xC], $0x40, s14, s18, $0xb8;
	[tilespmem:$0x1EA00] =	vst v63  }
0x6e: {  	_ =	swait.ge [sflag:s1], $0x1F40  }
0x6f: {  	[sflag:s1] =	ssyncset.done $0x0  }
0x70: {  	s5 =	simm.s32 $0x580;
	[sflag:s1] =	ssyncadd.s32 $0xFFFFE0C0  }
0x71: {  	[tilespmem:s24], [sflag:$0x4] =	stream.indirect.gather [hbm4b:s4+s18], $0x40, s5, s18, $0xb8;
	[tilespmem:$0x1EA00] =	vst v63  }
0x72: {  	_ =	swait.ge [sflag:s6], $0x1F40  }
0x73: {  	[sflag:s6] =	ssyncset.done $0x0  }
0x74: {  	s14 =	simm.s32 $0x2A00;
	[sflag:s6] =	ssyncadd.s32 $0xFFFFE0C0  }
0x75: {  	[spmem:s2] =	stream.indirect.scatter.add.f32 [tilespmem:s26], [sflag:$0xD], $0x40, s14, s18, $0xb8;
	[tilespmem:$0x1EA00] =	vst v63  }
0x76: {  	_ =	swait.ge [sflag:s7], $0x1F40  }
0x77: {  	[sflag:s7] =	ssyncset.done $0x0  }
0x78: {  	s5 =	simm.s32 $0x600;
	[sflag:s7] =	ssyncadd.s32 $0xFFFFE0C0  }
0x79: {  	[tilespmem:s26], [sflag:$0x5] =	stream.indirect.gather [hbm4b:s4+s18], $0x40, s5, s18, $0xb8;
	[tilespmem:$0x1EA00] =	vst v63  }
0x7a: {  	_ =	swait.ge [sflag:s8], $0x1F40  }
0x7b: {  	[sflag:s8] =	ssyncset.done $0x0  }
0x7c: {  	s14 =	simm.s32 $0x2A80;
	[sflag:s8] =	ssyncadd.s32 $0xFFFFE0C0  }
0x7d: {  	[spmem:s2] =	stream.indirect.scatter.add.f32 [tilespmem:s29], [sflag:$0xE], $0x40, s14, s18, $0xb8;
	[tilespmem:$0x1EA00] =	vst v63  }
0x7e: {  	_ =	swait.ge [sflag:s9], $0x1F40  }
0x7f: {  	[sflag:s9] =	ssyncset.done $0x0  }
0x80: {  	s5 =	simm.s32 $0x680;
	[sflag:s9] =	ssyncadd.s32 $0xFFFFE0C0  }
0x81: {  	[tilespmem:s29], [sflag:$0x6] =	stream.indirect.gather [hbm4b:s4+s18], $0x40, s5, s18, $0xb8;
	[tilespmem:$0x1EA00] =	vst v63  }
0x82: {  	_ =	swait.ge [sflag:s10], $0x1F40  }
0x83: {  	[sflag:s10] =	ssyncset.done $0x0  }
0x84: {  	s14 =	simm.s32 $0x2B00;
	[sflag:s10] =	ssyncadd.s32 $0xFFFFE0C0  }
0x85: {  	[spmem:s2] =	stream.indirect.scatter.add.f32 [tilespmem:s31], [sflag:$0xF], $0x40, s14, s18, $0xb8;
	[tilespmem:$0x1EA00] =	vst v63  }
0x86: {  	_ =	swait.ge [sflag:s11], $0x1F40  }
0x87: {  	[sflag:s11] =	ssyncset.done $0x0  }
0x88: {  	s5 =	simm.s32 $0x700;
	[sflag:s11] =	ssyncadd.s32 $0xFFFFE0C0  }
0x89: {  	[tilespmem:s31], [sflag:$0x7] =	stream.indirect.gather [hbm4b:s4+s18], $0x40, s5, s18, $0xb8;
	[tilespmem:$0x1EA00] =	vst v63  }
0x8a: {  	_ =	swait.ge [sflag:s12], $0x1F40  }
0x8b: {  	[sflag:s12] =	ssyncset.done $0x0  }
0x8c: {  	s14 =	simm.s32 $0x2B80;
	[sflag:s12] =	ssyncadd.s32 $0xFFFFE0C0  }
0x8d: {  	[spmem:s2] =	stream.indirect.scatter.add.f32 [tilespmem:s17], [sflag:$0x10], $0x40, s14, s18, $0xb8;
	[tilespmem:$0x1EA00] =	vst v63  }
0x8e: {  	_ =	swait.ge [sflag:s13], $0x1F40  }
0x8f: {  	[sflag:s13] =	ssyncset.done $0x0  }
0x90: {  	s5 =	simm.s32 $0x780;
	s14 =	simm.s32 $0x1000;
	[sflag:s13] =	ssyncadd.s32 $0xFFFFE0C0  }
.LBB2_4:
0x91: {  	[tilespmem:s17], [sflag:$0x8] =	stream.indirect.gather [hbm4b:s4+s18], $0x40, s5, s18, $0xb8;
	[tilespmem:$0x1EA00] =	vst v63  }
0x92: {  	s3 =	smov.u32 s14  }
0x93: {  	p0 =	sne.s32 s14, $0x8000;
	s14 =	sadd.s32 $0x1000, s14;
	_ =	swait.ge [sflag:s19], $0x1F40  }
0x94: {  	s5 =	sshra.s32 s3, $0x2;
	[sflag:s19] =	ssyncset.done $0x0  }
0x95: {  	s3 =	sadd.s32 $0x2800, s5;
	[sflag:s19] =	ssyncadd.s32 $0xFFFFE0C0  }
0x96: {  	[spmem:s2] =	stream.indirect.scatter.add.f32 [tilespmem:s15], [sflag:$0x9], $0x40, s3, s18, $0xb8;
	[tilespmem:$0x1EA00] =	vst v63  }
0x97: {  	_ =	swait.ge [sflag:s21], $0x1F40  }
0x98: {  	[sflag:s21] =	ssyncset.done $0x0  }
0x99: {  	s3 =	sadd.s32 $0x400, s5;
	[sflag:s21] =	ssyncadd.s32 $0xFFFFE0C0  }
0x9a: {  	[tilespmem:s15], [sflag:$0x1] =	stream.indirect.gather [hbm4b:s4+s18], $0x40, s3, s18, $0xb8;
	[tilespmem:$0x1EA00] =	vst v63  }
0x9b: {  	_ =	swait.ge [sflag:s23], $0x1F40  }
0x9c: {  	[sflag:s23] =	ssyncset.done $0x0  }
0x9d: {  	s3 =	sadd.s32 $0x2880, s5;
	[sflag:s23] =	ssyncadd.s32 $0xFFFFE0C0  }
0x9e: {  	[spmem:s2] =	stream.indirect.scatter.add.f32 [tilespmem:s20], [sflag:$0xA], $0x40, s3, s18, $0xb8;
	[tilespmem:$0x1EA00] =	vst v63  }
0x9f: {  	_ =	swait.ge [sflag:s25], $0x1F40  }
0xa0: {  	[sflag:s25] =	ssyncset.done $0x0  }
0xa1: {  	s3 =	sadd.s32 $0x480, s5;
	[sflag:s25] =	ssyncadd.s32 $0xFFFFE0C0  }
0xa2: {  	[tilespmem:s20], [sflag:$0x2] =	stream.indirect.gather [hbm4b:s4+s18], $0x40, s3, s18, $0xb8;
	[tilespmem:$0x1EA00] =	vst v63  }
0xa3: {  	_ =	swait.ge [sflag:s28], $0x1F40  }
0xa4: {  	[sflag:s28] =	ssyncset.done $0x0  }
0xa5: {  	s3 =	sadd.s32 $0x2900, s5;
	[sflag:s28] =	ssyncadd.s32 $0xFFFFE0C0  }
0xa6: {  	[spmem:s2] =	stream.indirect.scatter.add.f32 [tilespmem:s22], [sflag:$0xB], $0x40, s3, s18, $0xb8;
	[tilespmem:$0x1EA00] =	vst v63  }
0xa7: {  	_ =	swait.ge [sflag:s30], $0x1F40  }
0xa8: {  	[sflag:s30] =	ssyncset.done $0x0  }
0xa9: {  	s3 =	sadd.s32 $0x500, s5;
	[sflag:s30] =	ssyncadd.s32 $0xFFFFE0C0  }
0xaa: {  	[tilespmem:s22], [sflag:$0x3] =	stream.indirect.gather [hbm4b:s4+s18], $0x40, s3, s18, $0xb8;
	[tilespmem:$0x1EA00] =	vst v63  }
0xab: {  	_ =	swait.ge [sflag:s0], $0x1F40  }
0xac: {  	[sflag:s0] =	ssyncset.done $0x0  }
0xad: {  	s3 =	sadd.s32 $0x2980, s5;
	[sflag:s0] =	ssyncadd.s32 $0xFFFFE0C0  }
0xae: {  	[spmem:s2] =	stream.indirect.scatter.add.f32 [tilespmem:s24], [sflag:$0xC], $0x40, s3, s18, $0xb8;
	[tilespmem:$0x1EA00] =	vst v63  }
0xaf: {  	_ =	swait.ge [sflag:s1], $0x1F40  }
0xb0: {  	[sflag:s1] =	ssyncset.done $0x0  }
0xb1: {  	s3 =	sadd.s32 $0x580, s5;
	[sflag:s1] =	ssyncadd.s32 $0xFFFFE0C0  }
0xb2: {  	[tilespmem:s24], [sflag:$0x4] =	stream.indirect.gather [hbm4b:s4+s18], $0x40, s3, s18, $0xb8;
	[tilespmem:$0x1EA00] =	vst v63  }
0xb3: {  	_ =	swait.ge [sflag:s6], $0x1F40  }
0xb4: {  	[sflag:s6] =	ssyncset.done $0x0  }
0xb5: {  	s3 =	sadd.s32 $0x2A00, s5;
	[sflag:s6] =	ssyncadd.s32 $0xFFFFE0C0  }
0xb6: {  	[spmem:s2] =	stream.indirect.scatter.add.f32 [tilespmem:s26], [sflag:$0xD], $0x40, s3, s18, $0xb8;
	[tilespmem:$0x1EA00] =	vst v63  }
0xb7: {  	_ =	swait.ge [sflag:s7], $0x1F40  }
0xb8: {  	[sflag:s7] =	ssyncset.done $0x0  }
0xb9: {  	s3 =	sadd.s32 $0x600, s5;
	[sflag:s7] =	ssyncadd.s32 $0xFFFFE0C0  }
0xba: {  	[tilespmem:s26], [sflag:$0x5] =	stream.indirect.gather [hbm4b:s4+s18], $0x40, s3, s18, $0xb8;
	[tilespmem:$0x1EA00] =	vst v63  }
0xbb: {  	_ =	swait.ge [sflag:s8], $0x1F40  }
0xbc: {  	[sflag:s8] =	ssyncset.done $0x0  }
0xbd: {  	s3 =	sadd.s32 $0x2A80, s5;
	[sflag:s8] =	ssyncadd.s32 $0xFFFFE0C0  }
0xbe: {  	[spmem:s2] =	stream.indirect.scatter.add.f32 [tilespmem:s29], [sflag:$0xE], $0x40, s3, s18, $0xb8;
	[tilespmem:$0x1EA00] =	vst v63  }
0xbf: {  	_ =	swait.ge [sflag:s9], $0x1F40  }
0xc0: {  	[sflag:s9] =	ssyncset.done $0x0  }
0xc1: {  	s3 =	sadd.s32 $0x680, s5;
	[sflag:s9] =	ssyncadd.s32 $0xFFFFE0C0  }
0xc2: {  	[tilespmem:s29], [sflag:$0x6] =	stream.indirect.gather [hbm4b:s4+s18], $0x40, s3, s18, $0xb8;
	[tilespmem:$0x1EA00] =	vst v63  }
0xc3: {  	_ =	swait.ge [sflag:s10], $0x1F40  }
0xc4: {  	[sflag:s10] =	ssyncset.done $0x0  }
0xc5: {  	s3 =	sadd.s32 $0x2B00, s5;
	[sflag:s10] =	ssyncadd.s32 $0xFFFFE0C0  }
0xc6: {  	[spmem:s2] =	stream.indirect.scatter.add.f32 [tilespmem:s31], [sflag:$0xF], $0x40, s3, s18, $0xb8;
	[tilespmem:$0x1EA00] =	vst v63  }
0xc7: {  	_ =	swait.ge [sflag:s11], $0x1F40  }
0xc8: {  	[sflag:s11] =	ssyncset.done $0x0  }
0xc9: {  	s3 =	sadd.s32 $0x700, s5;
	[sflag:s11] =	ssyncadd.s32 $0xFFFFE0C0  }
0xca: {  	[tilespmem:s31], [sflag:$0x7] =	stream.indirect.gather [hbm4b:s4+s18], $0x40, s3, s18, $0xb8;
	[tilespmem:$0x1EA00] =	vst v63  }
0xcb: {  	_ =	swait.ge [sflag:s12], $0x1F40  }
0xcc: {  	[sflag:s12] =	ssyncset.done $0x0  }
.Ltmp1:
0xcd: {  	s3 =	sadd.s32 $0x2B80, s5;
	[sflag:s12] =	ssyncadd.s32 $0xFFFFE0C0;
	(pc) =	sbr.rel @p0 .LBB2_4-.Ltmp1, $4  }
0xce: {  	[spmem:s2] =	stream.indirect.scatter.add.f32 [tilespmem:s17], [sflag:$0x10], $0x40, s3, s18, $0xb8;
	[tilespmem:$0x1EA00] =	vst v63  }
0xcf: {  	_ =	swait.ge [sflag:s13], $0x1F40  }
0xd0: {  	[sflag:s13] =	ssyncset.done $0x0  }
0xd1: {  	s5 =	sadd.s32 $0x780, s5;
	[sflag:s13] =	ssyncadd.s32 $0xFFFFE0C0  }
0xd2: {  	[tilespmem:s17], [sflag:$0x8] =	stream.indirect.gather [hbm4b:s4+s18], $0x40, s5, s18, $0xb8;
	[tilespmem:$0x1EA00] =	vst v63  }
0xd3: {  	_ =	swait.ge [sflag:s19], $0x1F40  }
0xd4: {  	[sflag:s19] =	ssyncset.done $0x0  }
0xd5: {  	s3 =	simm.s32 $0x4C00;
	[sflag:s19] =	ssyncadd.s32 $0xFFFFE0C0  }
0xd6: {  	[spmem:s2] =	stream.indirect.scatter.add.f32 [tilespmem:s15], [sflag:$0x9], $0x40, s3, s18, $0xb8;
	[tilespmem:$0x1EA00] =	vst v63  }
0xd7: {  	_ =	swait.ge [sflag:s21], $0x1F40  }
0xd8: {  	[sflag:s21] =	ssyncset.done $0x0  }
0xd9: {  	[sflag:s21] =	ssyncadd.s32 $0xFFFFE0C0  }
0xda: {  	_ =	swait.ge [sflag:s23], $0x1F40  }
0xdb: {  	[sflag:s23] =	ssyncset.done $0x0  }
0xdc: {  	s14 =	simm.s32 $0x4C80;
	[sflag:s23] =	ssyncadd.s32 $0xFFFFE0C0  }
0xdd: {  	[spmem:s2] =	stream.indirect.scatter.add.f32 [tilespmem:s20], [sflag:$0xA], $0x40, s14, s18, $0xb8;
	[tilespmem:$0x1EA00] =	vst v63  }
0xde: {  	_ =	swait.ge [sflag:s25], $0x1F40  }
0xdf: {  	[sflag:s25] =	ssyncset.done $0x0  }
0xe0: {  	[sflag:s25] =	ssyncadd.s32 $0xFFFFE0C0  }
0xe1: {  	_ =	swait.ge [sflag:s28], $0x1F40  }
0xe2: {  	[sflag:s28] =	ssyncset.done $0x0  }
0xe3: {  	s5 =	simm.s32 $0x4D00;
	[sflag:s28] =	ssyncadd.s32 $0xFFFFE0C0  }
0xe4: {  	[spmem:s2] =	stream.indirect.scatter.add.f32 [tilespmem:s22], [sflag:$0xB], $0x40, s5, s18, $0xb8;
	[tilespmem:$0x1EA00] =	vst v63  }
0xe5: {  	_ =	swait.ge [sflag:s30], $0x1F40  }
0xe6: {  	[sflag:s30] =	ssyncset.done $0x0  }
0xe7: {  	[sflag:s30] =	ssyncadd.s32 $0xFFFFE0C0  }
0xe8: {  	_ =	swait.ge [sflag:s0], $0x1F40  }
0xe9: {  	[sflag:s0] =	ssyncset.done $0x0  }
0xea: {  	s14 =	simm.s32 $0x4D80;
	[sflag:s0] =	ssyncadd.s32 $0xFFFFE0C0  }
0xeb: {  	[spmem:s2] =	stream.indirect.scatter.add.f32 [tilespmem:s24], [sflag:$0xC], $0x40, s14, s18, $0xb8;
	[tilespmem:$0x1EA00] =	vst v63  }
0xec: {  	_ =	swait.ge [sflag:s1], $0x1F40  }
0xed: {  	[sflag:s1] =	ssyncset.done $0x0  }
0xee: {  	[sflag:s1] =	ssyncadd.s32 $0xFFFFE0C0  }
0xef: {  	_ =	swait.ge [sflag:s6], $0x1F40  }
0xf0: {  	[sflag:s6] =	ssyncset.done $0x0  }
0xf1: {  	s5 =	simm.s32 $0x4E00;
	[sflag:s6] =	ssyncadd.s32 $0xFFFFE0C0  }
0xf2: {  	[spmem:s2] =	stream.indirect.scatter.add.f32 [tilespmem:s26], [sflag:$0xD], $0x40, s5, s18, $0xb8;
	[tilespmem:$0x1EA00] =	vst v63  }
0xf3: {  	_ =	swait.ge [sflag:s7], $0x1F40  }
0xf4: {  	[sflag:s7] =	ssyncset.done $0x0  }
0xf5: {  	[sflag:s7] =	ssyncadd.s32 $0xFFFFE0C0  }
0xf6: {  	_ =	swait.ge [sflag:s8], $0x1F40  }
0xf7: {  	[sflag:s8] =	ssyncset.done $0x0  }
0xf8: {  	s14 =	simm.s32 $0x4E80;
	[sflag:s8] =	ssyncadd.s32 $0xFFFFE0C0  }
0xf9: {  	[spmem:s2] =	stream.indirect.scatter.add.f32 [tilespmem:s29], [sflag:$0xE], $0x40, s14, s18, $0xb8;
	[tilespmem:$0x1EA00] =	vst v63  }
0xfa: {  	_ =	swait.ge [sflag:s9], $0x1F40  }
0xfb: {  	[sflag:s9] =	ssyncset.done $0x0  }
0xfc: {  	[sflag:s9] =	ssyncadd.s32 $0xFFFFE0C0  }
0xfd: {  	_ =	swait.ge [sflag:s10], $0x1F40  }
0xfe: {  	[sflag:s10] =	ssyncset.done $0x0  }
0xff: {  	s5 =	simm.s32 $0x4F00;
	[sflag:s10] =	ssyncadd.s32 $0xFFFFE0C0  }
0x100: {  	[spmem:s2] =	stream.indirect.scatter.add.f32 [tilespmem:s31], [sflag:$0xF], $0x40, s5, s18, $0xb8;
	[tilespmem:$0x1EA00] =	vst v63  }
0x101: {  	_ =	swait.ge [sflag:s11], $0x1F40  }
0x102: {  	[sflag:s11] =	ssyncset.done $0x0  }
0x103: {  	[sflag:s11] =	ssyncadd.s32 $0xFFFFE0C0  }
0x104: {  	_ =	swait.ge [sflag:s12], $0x1F40  }
0x105: {  	[sflag:s12] =	ssyncset.done $0x0  }
0x106: {  	s14 =	simm.s32 $0x4F80;
	[sflag:s12] =	ssyncadd.s32 $0xFFFFE0C0  }
0x107: {  	[spmem:s2] =	stream.indirect.scatter.add.f32 [tilespmem:s17], [sflag:$0x10], $0x40, s14, s18, $0xb8;
	[tilespmem:$0x1EA00] =	vst v63  }
0x108: {  	_ =	swait.ge [sflag:s13], $0x1F40  }
0x109: {  	[sflag:s13] =	ssyncset.done $0x0  }
0x10a: {  	[sflag:s13] =	ssyncadd.s32 $0xFFFFE0C0  }
0x10b: {  	s5 =	stileid.u32;
	[bflag:$0x0] =	sbarrier.arrive $0xFFFF  }
0x10c: {  	s3 =	sshll.u32 s5, $0x6;
	s14 =	rddreg [dreg:$0x4]  }
0x10d: {  	s3 =	sor.u32 $0x1C11, s3;
	s5 =	sshrl.u32 s14, $0x3;
	s14 =	rddreg [dreg:$0xc]  }
0x10e: {  	[hbm:s14], [sflag:s3] =	dma.local [spmem:s5], $0x1400  }
0x10f: {  	_ =	swait.ge [sflag:s16], $0x1400  }
0x110: {  	s3 =	rddreg [dreg:$0x3]  }
0x111: {  	s5 =	rddreg [dreg:$0xd];
	s14 =	sadd.s32 $0x1, s3  }
0x112: {  	p0 =	sne.s32 s14, s5  }
.Ltmp2:
0x113: {  	_ = 	snop;
	(pc) =	sbr.rel @p0 .LBB2_1-.Ltmp2, $3  }
0x114: {  	_ =	sdelay $0x1  }
0x115: {  	[sflag:s16] =	ssyncset.done $0x0  }
0x116: {  	[sflag:s16] =	ssyncadd.s32 $0xFFFFEC00  }
0x117: {  	_ =	sfence.sel $0x180000  }
0x118: {  	[bflag:$0x0] =	sbarrier.arrive $0xFFFF  }
0x119: {  	_ =	strace $0x9000004A  }
0x11a: {  	s0 =	stileid.u32;
	[bflag:$0x2] =	sbarrier.arrive $0xFFFF  }
0x11b: {  	p0 =	sne.s32 s0, $0x0;
	s0 =	rddreg [dreg:$0x2]  }
0x11c: {  	s0 =	sadd.s32 @!p0 $0x100000, s0  }
0x11d: {  	[sflag:s0] =	ssyncadd.tile.s32 @!p0 $0x1;
	_ =	shalt  }
.Lfunc_end2:
_tile_overlayer_lowered:
.L_overlay_start_2:
0x11e: {  	(tag) =	ssettag $0x2  }
0x11f: {  	s0 =	rddreg [dreg:$0x0];
	s2 =	stileid.u32  }
0x120: {  	s1 =	rddreg [dreg:$0x1];
	p0 =	sne.s32 s2, $0x0  }
0x121: {  	s3 =	rddreg [dreg:$0x2];
	[bflag:$0x3] =	sbarrier.arrive $0xFFFF;
	s2 =	simm.s32 @!p0 $0x1C11  }
0x122: {  	[timem:s3], [sflag:s2] =	dma.local @!p0 [hbm:s0], s1  }
0x123: {  	s0 =	simm.s32 @!p0 $0x11  }
0x124: {  	_ =	swait.ge @!p0 [sflag:s0], s1  }
0x125: {  	s1 =	ssub.s32 @!p0 $0x0, s1;
	[sflag:s0] =	ssyncset.done @!p0 $0x0  }
0x126: {  	[sflag:s0] =	ssyncadd.s32 @!p0 s1  }
0x127: {  	[bflag:$0x3] =	sbarrier.arrive $0xFFFF  }
0x128: {  	_ =	shalt  }

// kernel: kernel.7.cloned.1.call-start
scs
__scs_entry_jumppad:
0x0: {  	(pc) =	sbr.rel $0x88, $3  }
0x1: {  	(tag) =	ssettag $0x0;
	lr =	simm.s32 $0x1  }
0x2: {  	[smem:$0x3F98] =	sst lr;
	_ =	strace $0xD0000000  }
0x3: {  	_ = 	snop  }
0x4: {  	_ = 	snop  }
0x5: {  	_ = 	snop  }
0x6: {  	_ = 	snop  }
0x7: {  	_ = 	snop  }
__scs_overlays_trampoline_lowered:
0x8: {  	[smem:$0x3FA7] =	sst s0  }
0x9: {  	[smem:$0x3FA8] =	sst s1  }
0xa: {  	[smem:$0x3FA9] =	sst s2  }
0xb: {  	[smem:$0x3FAA] =	sst s3  }
0xc: {  	[smem:$0x3FAB] =	sst s4  }
0xd: {  	[smem:$0x3FAC] =	sst s5  }
0xe: {  	[smem:$0x3FAD] =	sst s6  }
0xf: {  	[smem:$0x3FAE] =	sst s7  }
0x10: {  	[smem:$0x3FAF] =	sst s8  }
0x11: {  	[smem:$0x3FB0] =	sst s9;
	s0 =	simm.s32 @!p0 $0x0  }
0x12: {  	s1 =	sld [smem:$0x3F96];
	s0 =	simm.s32 @p0 $0x1  }
0x13: {  	[smem:$0x3FB1] =	sst s0;
	s0 =	simm.s32 @!p1 $0x0  }
0x14: {  	s2 =	sld [smem:$0x3F95];
	s0 =	simm.s32 @p1 $0x1  }
0x15: {  	[smem:$0x3FB2] =	sst s0;
	s0 =	simm.s32 @!p2 $0x0  }
0x16: {  	s3 =	sld [smem:$0x3FDB];
	s0 =	simm.s32 @p2 $0x1  }
0x17: {  	s4 =	simm.s32 $0x1BF5;
	[smem:$0x3FB4] =	sst s0  }
0x18: {  	s0 =	sld [smem:$0x3F97];
	_ =	swait.ge [sflag:s4], $0x0  }
0x19: {  	s7 =	sld [smem:$0x3F98]  }
0x1a: {  	s8 =	sadd.s32 $0xFFFFE003, lr  }
0x1b: {  	s9 =	sadd.s32 $0xFFFFFEF7, lr;
	s5 =	simm.s32 $0xFFFFFFFF;
	p2 =	slt.u32 s8, $0xFFFFF086  }
0x1c: {  	p1 =	slt.u32 s9, $0xF7A;
	s5 =	simm.s32 @!p2 $0x0  }
0x1d: {  	s5 =	simm.s32 @p1 $0x1;
	p0 =	seq.s32 s7, s2  }
0x1e: {  	s7 =	smul.u32 @!p0 $0xF7A, s2;
	p2 =	seq.s32 @!p0 s5, $0x0  }
0x1f: {  	s9 =	smul.u32 $0xF7A, s1;
	s8 =	simm.s32 @!p0 $0x1BF5;
	p2 =	por !p2, p0  }
0x20: {  	[sflag:s8] =	ssyncset.s32 @!p0 $0xFFFFF086;
	s6 =	sadd.s32 @!p0 s3, s7;
	s7 =	simm.s32 @!p0 $0x108  }
0x21: {  	s3 =	sadd.s32 s3, s9;
	s6 =	sadd.s32 @!p0 $0x88, s6;
	s7 =	simm.s32 @p2 $0x1082  }
0x22: {  	[simem:s7], [sflag:s8] =	dma.local @!p0 [hbm:s6], $0xF7A  }
0x23: {  	s9 =	sor.u32 $0xD0000000, s2;
	s6 =	simm.s32 $0x108;
	_ =	swait.ge @!p0 [sflag:s8], $0x0  }
0x24: {  	s3 =	sadd.s32 $0x88, s3;
	s6 =	simm.s32 @!p1 $0x1082;
	[sflag:s4] =	ssyncset.s32 $0xFFFFF086  }
0x25: {  	[simem:s6], [sflag:s4] =	dma.local [hbm:s3], $0xF7A  }
0x26: {  	[smem:$0x3F98] =	sst s1;
	(tag) =	ssettag s2;
	_ =	strace s9  }
0x27: {  	s1 =	sld [smem:$0x3FA8]  }
0x28: {  	s2 =	sld [smem:$0x3FA9]  }
0x29: {  	s4 =	sld [smem:$0x3FAB]  }
0x2a: {  	p0 =	seq.s32 s5, $0x0;
	s5 =	sld [smem:$0x3FAC]  }
0x2b: {  	s6 =	sld [smem:$0x3FAD]  }
0x2c: {  	s7 =	sld [smem:$0x3FAE]  }
0x2d: {  	s3 =	simm.s32 $0x108;
	s8 =	sld [smem:$0x3FAF]  }
0x2e: {  	s3 =	simm.s32 @!p0 $0x1082;
	s9 =	sld [smem:$0x3FB0]  }
0x2f: {  	lr =	sadd.s32 s0, s3;
	s0 =	sld [smem:$0x3FA7]  }
0x30: {  	s3 =	sld [smem:$0x3FAA]  }
0x31: {  	[smem:$0x3FB3] =	sst s10  }
0x32: {  	s10 =	sld [smem:$0x3FB1];
	_ =	sdelay $0x3  }
0x33: {  	p0 =	seq.s32 s10, $0x1;
	s10 =	sld [smem:$0x3FB3];
	_ =	sdelay $0x3  }
0x34: {  	[smem:$0x3FB3] =	sst s10  }
0x35: {  	s10 =	sld [smem:$0x3FB2];
	_ =	sdelay $0x3  }
0x36: {  	p1 =	seq.s32 s10, $0x1;
	s10 =	sld [smem:$0x3FB3];
	_ =	sdelay $0x3  }
0x37: {  	[smem:$0x3FB3] =	sst s10  }
0x38: {  	s10 =	sld [smem:$0x3FB4]  }
0x39: {  	_ = 	snop;
	(pc) =	sbr.ind lr, $3  }
0x3a: {  	_ = 	snop  }
0x3b: {  	_ = 	snop  }
0x3c: {  	p2 =	seq.s32 s10, $0x1;
	s10 =	sld [smem:$0x3FB3]  }
0x3d: {  	_ =	shalt  }
0x3e: {  	_ =	shalt  }
0x3f: {  	_ =	shalt  }
0x40: {  	_ =	shalt  }
0x41: {  	_ =	shalt  }
0x42: {  	_ =	shalt  }
0x43: {  	_ =	shalt  }
0x44: {  	_ =	shalt  }
0x45: {  	_ =	shalt  }
0x46: {  	_ =	shalt  }
0x47: {  	_ =	shalt  }
0x48: {  	_ =	shalt  }
0x49: {  	_ =	shalt  }
0x4a: {  	_ =	shalt  }
0x4b: {  	_ =	shalt  }
0x4c: {  	_ =	shalt  }
0x4d: {  	_ =	shalt  }
0x4e: {  	_ =	shalt  }
0x4f: {  	_ =	shalt  }
0x50: {  	_ =	shalt  }
0x51: {  	_ =	shalt  }
0x52: {  	_ =	shalt  }
0x53: {  	_ =	shalt  }
0x54: {  	_ =	shalt  }
0x55: {  	_ =	shalt  }
0x56: {  	_ =	shalt  }
0x57: {  	_ =	shalt  }
0x58: {  	_ =	shalt  }
0x59: {  	_ =	shalt  }
0x5a: {  	_ =	shalt  }
0x5b: {  	_ =	shalt  }
0x5c: {  	_ =	shalt  }
0x5d: {  	_ =	shalt  }
0x5e: {  	_ =	shalt  }
0x5f: {  	_ =	shalt  }
0x60: {  	_ =	shalt  }
0x61: {  	_ =	shalt  }
0x62: {  	_ =	shalt  }
0x63: {  	_ =	shalt  }
0x64: {  	_ =	shalt  }
0x65: {  	_ =	shalt  }
0x66: {  	_ =	shalt  }
0x67: {  	_ =	shalt  }
0x68: {  	_ =	shalt  }
0x69: {  	_ =	shalt  }
0x6a: {  	_ =	shalt  }
0x6b: {  	_ =	shalt  }
0x6c: {  	_ =	shalt  }
0x6d: {  	_ =	shalt  }
0x6e: {  	_ =	shalt  }
0x6f: {  	_ =	shalt  }
0x70: {  	_ =	shalt  }
0x71: {  	_ =	shalt  }
0x72: {  	_ =	shalt  }
0x73: {  	_ =	shalt  }
0x74: {  	_ =	shalt  }
0x75: {  	_ =	shalt  }
0x76: {  	_ =	shalt  }
0x77: {  	_ =	shalt  }
0x78: {  	_ =	shalt  }
0x79: {  	_ =	shalt  }
0x7a: {  	_ =	shalt  }
0x7b: {  	_ =	shalt  }
0x7c: {  	_ =	shalt  }
0x7d: {  	_ =	shalt  }
0x7e: {  	_ =	shalt  }
0x7f: {  	_ =	shalt  }
0x80: {  	_ =	shalt  }
0x81: {  	_ =	shalt  }
0x82: {  	_ =	shalt  }
0x83: {  	_ =	shalt  }
0x84: {  	_ =	shalt  }
0x85: {  	_ =	shalt  }
0x86: {  	_ =	shalt  }
0x87: {  	_ =	shalt  }
.Lfunc_end0:
.L_simem_size_0:
called_computation_lowered:
.L_overlay_start_0:
0x88: {  	s2 =	sld [smem:$0x3FD9]  }
0x89: {  	s3 =	sld [smem:$0x3FFE];
	_ =	sdelay $0x1  }
0x8a: {  	s1 =	srdreg.scid  }
0x8b: {  	s0 =	sand.u32 $0x1, s1  }
0x8c: {  	s16 =	sshll.u32 s0, $0xA;
	s2 =	sadd.s32 s3, s2  }
0x8d: {  	s2 =	sadd.s32 s2, s16  }
0x8e: {  	[smem:$0x3FBF] =	sst s2  }
0x8f: {  	_ = 	snop  }
0x90: {  	(tm) =	ssettm $0x1  }
0x91: {  	s17 =	sld [smem:$0x3FFB];
	_ =	sdelay $0x3  }
0x92: {  	_ =	strace s17  }
0x93: {  	s2 =	sld [smem:$0x3FFC];
	_ =	sdelay $0x3  }
0x94: {  	_ =	strace s2  }
0x95: {  	s2 =	sld [smem:$0x3FFD];
	_ =	sdelay $0x3  }
0x96: {  	_ =	strace s2  }
0x97: {  	_ =	strace $0x8FFFFFFF  }
0x98: {  	s18 =	sld [smem:$0x3FDB];
	_ =	sdelay $0x1  }
0x99: {  	s19 =	simm.s32 $_scs_section_size  }
0x9a: {  	s4 =	simm.s32 $_size__tile_overlayer_lowered;
	s5 =	simm.s32 $_tile_overlayer_lowered  }
0x9b: {  	s22 =	simm.s32 $0x1BFF;
	s21 =	sshll.u32 s5, $0x1;
	s2 =	sadd.s32 s19, s18  }
0x9c: {  	s6 =	simm.s32 $0x0;
	s20 =	sshll.u32 s4, $0x1;
	s4 =	sadd.s32 s21, s2  }
0x9d: {  	[timem:s6], [sflag:s22] =	dma.local [hbm:s4], s20  }
0x9e: {  	_ =	swait.ge [sflag:s22], s20  }
0x9f: {  	s3 =	ssub.s32 $0x0, s20;
	[sflag:s22] =	ssyncset.done $0x0  }
0xa0: {  	[sflag:s22] =	ssyncadd.s32 s3;
	_ =	sdelay $0x1  }
0xa1: {  	s23 =	simm.s32 $0x1B8B  }
0xa2: {  	_ =	swait.ge [sflag:s23], $0x1  }
0xa3: {  	[sflag:s23] =	ssyncset.done $0x0  }
0xa4: {  	s25 =	simm.s32 $0x1B8E;
	s24 =	sld [smem:$0x3FFE];
	[sflag:s23] =	ssyncadd.s32 $0xFFFFFFFF  }
0xa5: {  	s26 =	simm.s32 $execute0_lowered;
	[smem:$0x3FD2] =	sst s25  }
0xa6: {  	s4 =	sshll.u32 s26, $0x1;
	_ =	strace $0x80000046;
	[dreg:$0x1] =	wrdreg $0xFFFFFFFF  }
0xa7: {  	s28 =	simm.s32 $_size_execute0_lowered;
	s2 =	sadd.s32 s2, s4;
	[dreg:$0x0] =	wrdreg $0x0  }
0xa8: {  	s4 =	sshll.u32 s28, $0x1;
	[dreg:$0x2] =	wrdreg s2  }
0xa9: {  	[dreg:$0x3] =	wrdreg s4  }
0xaa: {  	[dreg:$0x4] =	wrdreg $0xC0  }
0xab: {  	_ =	task [dreg:s6], $0x5FFFF  }
0xac: {  	[dreg:$0x1] =	wrdreg $0xFFFFFFFF  }
0xad: {  	[dreg:$0x0] =	wrdreg $0x60  }
0xae: {  	[dreg:$0x2] =	wrdreg s24  }
0xaf: {  	[dreg:$0x3] =	wrdreg $0x2A800  }
0xb0: {  	[dreg:$0x4] =	wrdreg $0x9  }
0xb1: {  	_ =	task.clear_ibuf [dreg:s6], $0x5FFFF;
	_ =	strace $0x90000046  }
0xb2: {  	s29 =	simm.s32 $0x9;
	_ =	strace $0x80000048  }
0xb3: {  	_ =	swait.ge [sflag:s29], $0x1  }
0xb4: {  	[sflag:s29] =	ssyncadd.s32 $0xFFFFFFFF  }
0xb5: {  	_ =	strace $0x90000048  }
0xb6: {  	_ =	sfence  }
0xb7: {  	s30 =	sld [smem:$0x0];
	_ =	sdelay $0x2  }
0xb8: {  	s31 =	sshll.u32 s1, $0xD;
	s1 =	sshrl.u32 s1, $0x2  }
0xb9: {  	s3 =	sand.u32 $0x4000, s31;
	s1 =	sadd.s32 s1, s30  }
0xba: {  	s0 =	sor.u32 s3, s0;
	s1 =	sshll.u32 s1, $0x11  }
0xbb: {  	s0 =	sor.u32 s1, s0  }
0xbc: {  	s0 =	sadd.s32 $0x8F2B, s0  }
0xbd: {  	[sflag:s0] =	ssyncadd.remote.s32 $0x1  }
0xbe: {  	_ =	sfence.sel $0xFFFF  }
0xbf: {  	[dreg:$0x0] =	wrdreg $0xFFFFFFFF;
	(pc) =	sbr.abs _section_cstart, $3  }
0xc0: {  	[dreg:$0x1] =	wrdreg $0xFFFFFFFF  }
0xc1: {  	_ =	task.clear_ibuf [dreg:s6], $0x2FFFF;
	_ =	strace $0x9FFFFFFF  }
0xc2: {  	(tm) =	ssettm $0x7FFFFFFF  }
0xc3: {  	_ =	shalt  }
tec
execute0_lowered:
.L_overlay_start_1:
0x0: {  	(tag) =	ssettag $0x1  }
0x1: {  	s1 =	srdreg.scid;
	s4 =	rddreg [dreg:$0x0]  }
0x2: {  	s0 =	stileid.u32;
	s2 =	rddreg [dreg:$0x1];
	s3 =	simm.s32 $0x0  }
0x3: {  	s10 =	simm.s32 $0x7D;
	s13 =	simm.s32 $0x0;
	s5 =	sand.u32 $0x1, s1  }
0x4: {  	s6 =	smul.u32 $0x280, s0;
	s7 =	sshll.u32 s0, $0x1;
	s1 =	rddreg [dreg:$0x2]  }
0x5: {  	[smem:$0x7FF] =	sst s3;
	s11 =	sshll.u32 s0, $0x6;
	s8 =	smul.u32 $0x2800, s5  }
0x6: {  	s7 =	sor.u32 s5, s7;
	_ =	strace $0x80000047;
	s5 =	ssub.s32 $0x2, s5  }
0x7: {  	s7 =	smul.u32 $0x500, s7;
	s31 =	sshrl.u32 s5, $0x1;
	s8 =	sadd.s32 s6, s8  }
0x8: {  	s11 =	sor.u32 $0x1C01, s11;
	s9 =	ssub.s32 s5, s31;
	s8 =	sshrl.u32 s8, $0x3  }
0x9: {  	s7 =	sadd.s32 s7, s4;
	s8 =	sadd.s32 s8, s4;
	s4 =	sadd.s32 s6, s2  }
0xa: {  	s5 =	sadd.s32 $0x1E00, s7;
	s7 =	smax.u32 s9, $0x1;
	s9 =	simm.s32 $0x1  }
0xb: {  	v0 =	vimm.f32 $0.0e+00;
	v1 =	vimm.f32 $1.000000000e+00;
	s6 =	sadd.s32 $0xBE00, s8;
	s8 =	simm.s32 $0x2800;
	s12 =	sshrl.u32 s4, $0x3  }
.LBB2_1:
0xc: {  	[tilespmem:$0x2800] =	vst v0  }
0xd: {  	[tilespmem:$0x2810] =	vst v0  }
0xe: {  	[tilespmem:$0x2820] =	vst v0  }
0xf: {  	[tilespmem:$0x2830] =	vst v0  }
0x10: {  	[tilespmem:$0x2840] =	vst v0  }
0x11: {  	[tilespmem:$0x2850] =	vst v0  }
0x12: {  	[tilespmem:$0x2860] =	vst v0  }
0x13: {  	[tilespmem:$0x2870] =	vst v0  }
0x14: {  	[tilespmem:$0x2880] =	vst v0  }
0x15: {  	[tilespmem:$0x2890] =	vst v0  }
0x16: {  	[tilespmem:$0x28A0] =	vst v0  }
0x17: {  	[tilespmem:$0x28B0] =	vst v0  }
0x18: {  	[tilespmem:$0x28C0] =	vst v0  }
0x19: {  	[tilespmem:$0x28D0] =	vst v0  }
0x1a: {  	[tilespmem:$0x28E0] =	vst v0  }
0x1b: {  	[tilespmem:$0x28F0] =	vst v0  }
0x1c: {  	[tilespmem:$0x2900] =	vst v0  }
0x1d: {  	[tilespmem:$0x2910] =	vst v0  }
0x1e: {  	[tilespmem:$0x2920] =	vst v0  }
0x1f: {  	[tilespmem:$0x2930] =	vst v0  }
0x20: {  	[tilespmem:$0x2940] =	vst v0  }
0x21: {  	[tilespmem:$0x2950] =	vst v0  }
0x22: {  	[tilespmem:$0x2960] =	vst v0  }
0x23: {  	[tilespmem:$0x2970] =	vst v0  }
0x24: {  	[tilespmem:$0x2980] =	vst v0  }
0x25: {  	[tilespmem:$0x2990] =	vst v0  }
0x26: {  	[tilespmem:$0x29A0] =	vst v0  }
0x27: {  	[tilespmem:$0x29B0] =	vst v0  }
0x28: {  	[tilespmem:$0x29C0] =	vst v0  }
0x29: {  	[tilespmem:$0x29D0] =	vst v0  }
0x2a: {  	[tilespmem:$0x29E0] =	vst v0  }
0x2b: {  	[tilespmem:$0x29F0] =	vst v0  }
0x2c: {  	[tilespmem:$0x2A00] =	vst v0  }
0x2d: {  	[tilespmem:$0x2A10] =	vst v0  }
0x2e: {  	[tilespmem:$0x2A20] =	vst v0  }
0x2f: {  	[tilespmem:$0x2A30] =	vst v0  }
0x30: {  	[tilespmem:$0x2A40] =	vst v0  }
0x31: {  	[tilespmem:$0x2A50] =	vst v0  }
0x32: {  	[tilespmem:$0x2A60] =	vst v0  }
0x33: {  	[tilespmem:$0x2A70] =	vst v0  }
0x34: {  	[spmem:s4] =	stream.linear.scatter [tilespmem:s8], [sflag:$0x1], $0x280, $0x38;
	[tilespmem:$0x2D00] =	vst v63  }
0x35: {  	_ =	swait.ge [sflag:s9], $0x280  }
0x36: {  	[sflag:s9] =	ssyncset.done $0x0  }
0x37: {  	[sflag:s9] =	ssyncadd.s32 $0xFFFFFD80  }
0x38: {  	[tilespmem:s3], [sflag:$0x1] =	stream.linear.gather [hbm4b:s5+s3], $0x2800, $0x38;
	[tilespmem:$0x2D00] =	vst v63  }
0x39: {  	_ =	swait.ge [sflag:s9], $0x2800  }
0x3a: {  	[sflag:s9] =	ssyncset.done $0x0  }
0x3b: {  	[sflag:s9] =	ssyncadd.s32 $0xFFFFD800  }
0x3c: {  	[tilespmem:$0x2800] =	vst v1  }
0x3d: {  	[tilespmem:$0x2810] =	vst v1  }
0x3e: {  	[tilespmem:$0x2820] =	vst v1  }
0x3f: {  	[tilespmem:$0x2830] =	vst v1  }
0x40: {  	[tilespmem:$0x2840] =	vst v1  }
0x41: {  	[tilespmem:$0x2850] =	vst v1  }
0x42: {  	[tilespmem:$0x2860] =	vst v1  }
0x43: {  	[tilespmem:$0x2870] =	vst v1  }
0x44: {  	s14 =	simm.s32 $0x0;
	[bflag:$0x0] =	sbarrier.arrive $0xFFFF  }
0x45: {  	[spmem:s2] =	stream.indirect.scatter.add.f32 [tilespmem:s8], [sflag:$0x1], $0x1, s14, s10, $0xb8;
	[tilespmem:$0x2D00] =	vst v63  }
0x46: {  	_ =	swait.ge [sflag:s9], $0x7D  }
0x47: {  	[sflag:s9] =	ssyncset.done $0x0  }
0x48: {  	s29 =	simm.s32 $0x80;
	[sflag:s9] =	ssyncadd.s32 $0xFFFFFF83  }
0x49: {  	[spmem:s2] =	stream.indirect.scatter.add.f32 [tilespmem:s8], [sflag:$0x1], $0x1, s29, s10, $0xb8;
	[tilespmem:$0x2D00] =	vst v63  }
0x4a: {  	_ =	swait.ge [sflag:s9], $0x7D  }
0x4b: {  	[sflag:s9] =	ssyncset.done $0x0  }
0x4c: {  	s30 =	simm.s32 $0x100;
	[sflag:s9] =	ssyncadd.s32 $0xFFFFFF83  }
0x4d: {  	[spmem:s2] =	stream.indirect.scatter.add.f32 [tilespmem:s8], [sflag:$0x1], $0x1, s30, s10, $0xb8;
	[tilespmem:$0x2D00] =	vst v63  }
0x4e: {  	_ =	swait.ge [sflag:s9], $0x7D  }
0x4f: {  	[sflag:s9] =	ssyncset.done $0x0  }
0x50: {  	s31 =	simm.s32 $0x180;
	[sflag:s9] =	ssyncadd.s32 $0xFFFFFF83  }
0x51: {  	[spmem:s2] =	stream.indirect.scatter.add.f32 [tilespmem:s8], [sflag:$0x1], $0x1, s31, s10, $0xb8;
	[tilespmem:$0x2D00] =	vst v63  }
0x52: {  	_ =	swait.ge [sflag:s9], $0x7D  }
0x53: {  	s15 =	simm.s32 $0x4;
	s14 =	simm.s32 $0x380;
	[sflag:s9] =	ssyncset.done $0x0  }
.LBB2_2:
0x54: {  	s15 =	sadd.s32 $0x4, s15;
	s16 =	sadd.s32 $0xFFFFFE80, s14;
	[sflag:s9] =	ssyncadd.s32 $0xFFFFFF83  }
0x55: {  	[spmem:s2] =	stream.indirect.scatter.add.f32 [tilespmem:s8], [sflag:$0x1], $0x1, s16, s10, $0xb8;
	[tilespmem:$0x2D00] =	vst v63  }
0x56: {  	p0 =	slt.u32 s15, $0x4C;
	_ =	swait.ge [sflag:s9], $0x7D  }
0x57: {  	[sflag:s9] =	ssyncset.done $0x0  }
0x58: {  	s16 =	sadd.s32 $0xFFFFFF00, s14;
	[sflag:s9] =	ssyncadd.s32 $0xFFFFFF83  }
0x59: {  	[spmem:s2] =	stream.indirect.scatter.add.f32 [tilespmem:s8], [sflag:$0x1], $0x1, s16, s10, $0xb8;
	[tilespmem:$0x2D00] =	vst v63  }
0x5a: {  	_ =	swait.ge [sflag:s9], $0x7D  }
0x5b: {  	[sflag:s9] =	ssyncset.done $0x0  }
0x5c: {  	s16 =	sadd.s32 $0xFFFFFF80, s14;
	[sflag:s9] =	ssyncadd.s32 $0xFFFFFF83  }
0x5d: {  	[spmem:s2] =	stream.indirect.scatter.add.f32 [tilespmem:s8], [sflag:$0x1], $0x1, s16, s10, $0xb8;
	[tilespmem:$0x2D00] =	vst v63  }
0x5e: {  	_ =	swait.ge [sflag:s9], $0x7D  }
.Ltmp0:
0x5f: {  	[sflag:s9] =	ssyncset.done $0x0;
	(pc) =	sbr.rel @p0 .LBB2_2-.Ltmp0, $4  }
0x60: {  	[sflag:s9] =	ssyncadd.s32 $0xFFFFFF83  }
0x61: {  	[spmem:s2] =	stream.indirect.scatter.add.f32 [tilespmem:s8], [sflag:$0x1], $0x1, s14, s10, $0xb8;
	[tilespmem:$0x2D00] =	vst v63  }
0x62: {  	_ =	swait.ge [sflag:s9], $0x7D  }
0x63: {  	s14 =	sadd.s32 $0x200, s14;
	[sflag:s9] =	ssyncset.done $0x0  }
0x64: {  	s15 =	sadd.s32 $0xFFFFFE80, s14;
	[sflag:s9] =	ssyncadd.s32 $0xFFFFFF83  }
0x65: {  	[spmem:s2] =	stream.indirect.scatter.add.f32 [tilespmem:s8], [sflag:$0x1], $0x1, s15, s10, $0xb8;
	[tilespmem:$0x2D00] =	vst v63  }
0x66: {  	_ =	swait.ge [sflag:s9], $0x7D  }
0x67: {  	[sflag:s9] =	ssyncset.done $0x0  }
0x68: {  	s30 =	sadd.s32 $0xFFFFFF00, s14;
	[sflag:s9] =	ssyncadd.s32 $0xFFFFFF83  }
0x69: {  	[spmem:s2] =	stream.indirect.scatter.add.f32 [tilespmem:s8], [sflag:$0x1], $0x1, s30, s10, $0xb8;
	[tilespmem:$0x2D00] =	vst v63  }
0x6a: {  	_ =	swait.ge [sflag:s9], $0x7D  }
0x6b: {  	[sflag:s9] =	ssyncset.done $0x0  }
0x6c: {  	s31 =	sadd.s32 $0xFFFFFF80, s14;
	[sflag:s9] =	ssyncadd.s32 $0xFFFFFF83  }
0x6d: {  	[spmem:s2] =	stream.indirect.scatter.add.f32 [tilespmem:s8], [sflag:$0x1], $0x1, s31, s10, $0xb8;
	[tilespmem:$0x2D00] =	vst v63  }
0x6e: {  	_ =	swait.ge [sflag:s9], $0x7D  }
0x6f: {  	[sflag:s9] =	ssyncset.done $0x0  }
0x70: {  	[sflag:s9] =	ssyncadd.s32 $0xFFFFFF83  }
0x71: {  	[spmem:s2] =	stream.indirect.scatter.add.f32 [tilespmem:s8], [sflag:$0x1], $0x1, s14, s10, $0xb8;
	[tilespmem:$0x2D00] =	vst v63  }
0x72: {  	_ =	swait.ge [sflag:s9], $0x7D  }
0x73: {  	s13 =	sadd.s32 $0x1, s13;
	[sflag:s9] =	ssyncset.done $0x0  }
0x74: {  	p0 =	sne.s32 s13, s7;
	[sflag:s9] =	ssyncadd.s32 $0xFFFFFF83  }
.Ltmp1:
0x75: {  	[bflag:$0x0] =	sbarrier.arrive $0xFFFF;
	(pc) =	sbr.rel @p0 .LBB2_1-.Ltmp1, $4  }
0x76: {  	[hbm:s6], [sflag:s11] =	dma.local [spmem:s12], $0x50  }
0x77: {  	_ =	swait.ge [sflag:s9], $0x50  }
0x78: {  	[sflag:s9] =	ssyncset.done $0x0  }
0x79: {  	[sflag:s9] =	ssyncadd.s32 $0xFFFFFFB0  }
0x7a: {  	_ =	sfence.sel $0x180000  }
0x7b: {  	[bflag:$0x0] =	sbarrier.arrive $0xFFFF  }
0x7c: {  	p0 =	sne.s32 s0, $0x0;
	_ =	strace $0x90000047  }
0x7d: {  	s0 =	sadd.s32 @!p0 $0x100000, s1;
	[bflag:$0x2] =	sbarrier.arrive $0xFFFF  }
0x7e: {  	[sflag:s0] =	ssyncadd.tile.s32 @!p0 $0x1;
	_ =	shalt  }
.Lfunc_end2:
_tile_overlayer_lowered:
.L_overlay_start_2:
0x7f: {  	(tag) =	ssettag $0x2  }
0x80: {  	s0 =	rddreg [dreg:$0x0];
	s2 =	stileid.u32  }
0x81: {  	s1 =	rddreg [dreg:$0x1];
	p0 =	sne.s32 s2, $0x0  }
0x82: {  	s3 =	rddreg [dreg:$0x2];
	[bflag:$0x3] =	sbarrier.arrive $0xFFFF;
	s2 =	simm.s32 @!p0 $0x1C01  }
0x83: {  	[timem:s3], [sflag:s2] =	dma.local @!p0 [hbm:s0], s1  }
0x84: {  	s0 =	simm.s32 @!p0 $0x1  }
0x85: {  	_ =	swait.ge @!p0 [sflag:s0], s1  }
0x86: {  	s1 =	ssub.s32 @!p0 $0x0, s1;
	[sflag:s0] =	ssyncset.done @!p0 $0x0  }
0x87: {  	[sflag:s0] =	ssyncadd.s32 @!p0 s1  }
0x88: {  	[bflag:$0x3] =	sbarrier.arrive $0xFFFF  }
0x89: {  	_ =	shalt  }

</sc_bundles>
